<compile_context>
chip_gen: v7x
topology: tpu7x:2x2x1
jax: 0.10.2.dev20260603
libtpu: 0.0.44.dev20260713+nightly
codegen_flags: <defaults>
</compile_context>

<pallas_src>
import jax
import jax.numpy as jnp
from jax.experimental import pallas as pl

OUT = 32
PERIODS = 12
NB = 2000


def _gru_body(s_ref, wb_ref, lb_ref, lwb_ref, o_ref):
    S = s_ref[...]
    WB = wb_ref[...]
    LB = lb_ref[...]
    LWB = lwb_ref[...]
    f32 = jnp.float32

    H = jnp.zeros((S.shape[0], OUT), f32)
    acc = jnp.zeros((S.shape[0], OUT), f32)
    for p in range(PERIODS):
        s0 = S[:, 2 * p:2 * p + 1]
        s1 = S[:, 2 * p + 1:2 * p + 2]
        az = s0 * WB[0:1, :] + s1 * WB[1:2, :] + WB[6:7, :]
        ar = s0 * WB[2:3, :] + s1 * WB[3:4, :] + WB[7:8, :]
        ah = s0 * WB[4:5, :] + s1 * WB[5:6, :] + WB[8:9, :]
        Z = jax.nn.sigmoid(az + jnp.dot(H, LB[0:32, :], preferred_element_type=f32))
        R = jax.nn.sigmoid(ar + jnp.dot(H, LB[32:64, :], preferred_element_type=f32))
        Ht = jnp.tanh(ah + jnp.dot(H * R, LB[64:96, :], preferred_element_type=f32))
        H = Z * H + (1.0 - Z) * Ht
        acc = acc + WB[9:10, p:p + 1] * H
    h = jax.nn.relu(acc)
    o_ref[...] = jnp.dot(h, LWB[0:32, :], preferred_element_type=f32) + LWB[32:33, :]


def _gru_pallas(S, WB, LB, LWB, n):
    return pl.pallas_call(
        _gru_body,
        grid=(n // NB,),
        in_specs=[
            pl.BlockSpec((NB, 2 * PERIODS), lambda i: (i, 0)),
            pl.BlockSpec((16, OUT), lambda i: (0, 0)),
            pl.BlockSpec((96, OUT), lambda i: (0, 0)),
            pl.BlockSpec((40, PERIODS), lambda i: (0, 0)),
        ],
        out_specs=pl.BlockSpec((NB, PERIODS), lambda i: (i, 0)),
        out_shape=jax.ShapeDtypeStruct((n, PERIODS), jnp.float32),
    )(S, WB, LB, LWB)


def kernel(x, edge_index, edge_attr, W_z, b_z, W_r, b_r, W_h, b_h,
           Lz_w, Lz_b, Lr_w, Lr_b, Lh_w, Lh_b, att, lin_w, lin_b):
    n = x.shape[0]
    src = edge_index[0]
    dst = edge_index[1]

    deg = jnp.zeros((n,), jnp.float32).at[dst].add(edge_attr) + 1.0
    dinv = jax.lax.rsqrt(deg)
    X24 = x.transpose(0, 2, 1).reshape(n, 2 * PERIODS)
    Y = dinv[:, None] * X24
    T = jnp.zeros((n, 2 * PERIODS), jnp.float32).at[dst].add(
        edge_attr[:, None] * Y[src])
    S = dinv[:, None] * T + (dinv * dinv)[:, None] * X24

    probs = jax.nn.softmax(att)
    Wcz = W_z @ Lz_w[:OUT]; bcz = b_z @ Lz_w[:OUT] + Lz_b
    Wcr = W_r @ Lr_w[:OUT]; bcr = b_r @ Lr_w[:OUT] + Lr_b
    Wch = W_h @ Lh_w[:OUT]; bch = b_h @ Lh_w[:OUT] + Lh_b
    probs_row = jnp.zeros((OUT,), jnp.float32).at[:PERIODS].set(probs)
    WB = jnp.zeros((16, OUT), jnp.float32)
    WB = WB.at[0:2].set(Wcz).at[2:4].set(Wcr).at[4:6].set(Wch)
    WB = WB.at[6].set(bcz).at[7].set(bcr).at[8].set(bch).at[9].set(probs_row)
    LB = jnp.concatenate([Lz_w[OUT:], Lr_w[OUT:], Lh_w[OUT:]], axis=0)
    LWB = jnp.zeros((40, PERIODS), jnp.float32)
    LWB = LWB.at[0:OUT].set(lin_w).at[OUT].set(lin_b)

    return _gru_pallas(S, WB, LB, LWB, n)

# --- scband reference (transcript-rebuilt; emitter-appended) ---
"""Pipeline reference for scband-temporal-gnn-9938554323266 (READ-ONLY COPY).

The authoritative reference and input builder live on the scoring server;
editing this copy changes nothing except your own understanding.
"""

import jax, jax.numpy as jnp
import numpy as np

N = 50000
E = 1600000
DIM_IN = 2
OUT = 32
PERIODS = 12


def _glorot(k, shp):
    lim = float(np.sqrt(6.0 / (shp[0] + shp[1])))
    return jax.random.uniform(k, shp, minval=-lim, maxval=lim, dtype=jnp.float32)


def setup_inputs(seed: int = 0) -> dict:
    key = jax.random.key(seed)
    ks = jax.random.split(key, 20)
    inp = {}
    inp["x"] = jax.random.normal(ks[0], (N, DIM_IN, PERIODS), dtype=jnp.float32)
    inp["edge_index"] = jax.random.randint(ks[1], (2, E), 0, N)
    inp["edge_attr"] = jax.random.uniform(ks[2], (E,), dtype=jnp.float32)
    # TGCN cell params: 3 GCNConv (z, r, h) + 3 Linear(2*OUT -> OUT)
    inp["W_z"] = _glorot(ks[3], (DIM_IN, OUT)); inp["b_z"] = jnp.zeros((OUT,), jnp.float32)
    inp["W_r"] = _glorot(ks[4], (DIM_IN, OUT)); inp["b_r"] = jnp.zeros((OUT,), jnp.float32)
    inp["W_h"] = _glorot(ks[5], (DIM_IN, OUT)); inp["b_h"] = jnp.zeros((OUT,), jnp.float32)
    inp["Lz_w"] = _glorot(ks[6], (2 * OUT, OUT)); inp["Lz_b"] = jnp.zeros((OUT,), jnp.float32)
    inp["Lr_w"] = _glorot(ks[7], (2 * OUT, OUT)); inp["Lr_b"] = jnp.zeros((OUT,), jnp.float32)
    inp["Lh_w"] = _glorot(ks[8], (2 * OUT, OUT)); inp["Lh_b"] = jnp.zeros((OUT,), jnp.float32)
    # A3TGCN attention over periods
    inp["att"] = jax.random.uniform(ks[9], (PERIODS,), dtype=jnp.float32)
    # final readout linear: 32 -> periods
    inp["lin_w"] = _glorot(ks[10], (OUT, PERIODS)); inp["lin_b"] = jnp.zeros((PERIODS,), jnp.float32)
    return inp


def reference(x, edge_index, edge_attr, W_z, b_z, W_r, b_r, W_h, b_h,
              Lz_w, Lz_b, Lr_w, Lr_b, Lh_w, Lh_b, att, lin_w, lin_b):
    n = x.shape[0]
    src = edge_index[0]
    dst = edge_index[1]
    loop = jnp.arange(n)
    src_f = jnp.concatenate([src, loop])
    dst_f = jnp.concatenate([dst, loop])
    w_f = jnp.concatenate([edge_attr, jnp.ones((n,), x.dtype)])
    # GCN symmetric normalization with self-loops (shared across all convs)
    deg = jnp.zeros((n,), x.dtype).at[dst_f].add(w_f)
    dinv = jnp.where(deg > 0, 1.0 / jnp.sqrt(deg), 0.0)
    norm = dinv[src_f] * w_f * dinv[dst_f]

    def gcn(xp, W, b):
        xw = xp @ W
        msg = norm[:, None] * xw[src_f]
        agg = jnp.zeros((n, W.shape[1]), xp.dtype).at[dst_f].add(msg)
        return agg + b

    H = jnp.zeros((n, OUT), x.dtype)
    H_accum = jnp.zeros((n, OUT), x.dtype)
    probs = jax.nn.softmax(att)
    for p in range(PERIODS):
        xp = x[:, :, p]
        Z = jax.nn.sigmoid(jnp.concatenate([gcn(xp, W_z, b_z), H], axis=1) @ Lz_w + Lz_b)
        R = jax.nn.sigmoid(jnp.concatenate([gcn(xp, W_r, b_r), H], axis=1) @ Lr_w + Lr_b)
        Ht = jnp.tanh(jnp.concatenate([gcn(xp, W_h, b_h), H * R], axis=1) @ Lh_w + Lh_b)
        H = Z * H + (1.0 - Z) * Ht
        H_accum = H_accum + probs[p] * H
    h = jax.nn.relu(H_accum)
    return h @ lin_w + lin_b

if __name__ == "__main__":
    import jax
    _d = setup_inputs()
    print(jax.jit(kernel)(*tuple(_d.values())))

</pallas_src>

<mosaic_0001>
module attributes {stable_mosaic.version = 14 : i64} {
  func.func @_gru_body(%arg0: i32, %arg1: memref<2000x24xf32, #tpu.memory_space<vmem>>, %arg2: memref<16x32xf32, #tpu.memory_space<vmem>>, %arg3: memref<96x32xf32, #tpu.memory_space<vmem>>, %arg4: memref<40x12xf32, #tpu.memory_space<vmem>>, %arg5: memref<2000x12xf32, #tpu.memory_space<vmem>>) attributes {dimension_semantics = [#tpu.dimension_semantics<arbitrary>], iteration_bounds = array<i64: 25>, scalar_prefetch = 0 : i64, scratch_operands = 0 : i64, tpu.core_type = #tpu.core_type<tc>, window_params = [{transform_indices = @transform_0, window_bounds = array<i64: 2000, 24>}, {pipeline_mode = #tpu.pipeline_mode<synchronous>, transform_indices = @transform_1, window_bounds = array<i64: 16, 32>}, {pipeline_mode = #tpu.pipeline_mode<synchronous>, transform_indices = @transform_2, window_bounds = array<i64: 96, 32>}, {pipeline_mode = #tpu.pipeline_mode<synchronous>, transform_indices = @transform_3, window_bounds = array<i64: 40, 12>}, {transform_indices = @transform_4, window_bounds = array<i64: 2000, 12>}]} {
    %get3A = arith.constant 0 : index
    %get3A_0 = arith.constant 0 : index
    %get3A_1 = vector.load %arg1[%get3A, %get3A_0] : memref<2000x24xf32, #tpu.memory_space<vmem>>, vector<2000x24xf32>
    %get3A_2 = arith.constant 0 : index
    %get3A_3 = arith.constant 0 : index
    %get3A_4 = vector.load %arg2[%get3A_2, %get3A_3] : memref<16x32xf32, #tpu.memory_space<vmem>>, vector<16x32xf32>
    %get3A_5 = arith.constant 0 : index
    %get3A_6 = arith.constant 0 : index
    %get3A_7 = vector.load %arg3[%get3A_5, %get3A_6] : memref<96x32xf32, #tpu.memory_space<vmem>>, vector<96x32xf32>
    %get3A_8 = arith.constant 0 : index
    %get3A_9 = arith.constant 0 : index
    %get3A_10 = vector.load %arg4[%get3A_8, %get3A_9] : memref<40x12xf32, #tpu.memory_space<vmem>>, vector<40x12xf32>
    %broadcast_in_dim3A = arith.constant 0.000000e+00 : f32
    %broadcast_in_dim3A_11 = vector.broadcast %broadcast_in_dim3A : f32 to vector<2000x32xf32>
    %broadcast_in_dim3A_12 = arith.constant 0.000000e+00 : f32
    %broadcast_in_dim3A_13 = vector.broadcast %broadcast_in_dim3A_12 : f32 to vector<2000x32xf32>
    %slice3A = vector.extract_strided_slice %get3A_1 {offsets = [0, 0], sizes = [2000, 1], strides = [1, 1]} : vector<2000x24xf32> to vector<2000x1xf32>
    %slice3A_14 = vector.extract_strided_slice %get3A_1 {offsets = [0, 1], sizes = [2000, 1], strides = [1, 1]} : vector<2000x24xf32> to vector<2000x1xf32>
    %slice3A_15 = vector.extract_strided_slice %get3A_4 {offsets = [0, 0], sizes = [1, 32], strides = [1, 1]} : vector<16x32xf32> to vector<1x32xf32>
    %mul3A = vector.broadcast %slice3A : vector<2000x1xf32> to vector<2000x32xf32>
    %mul3A_16 = vector.broadcast %slice3A_15 : vector<1x32xf32> to vector<2000x32xf32>
    %mul3A_17 = arith.mulf %mul3A, %mul3A_16 : vector<2000x32xf32>
    %slice3A_18 = vector.extract_strided_slice %get3A_4 {offsets = [1, 0], sizes = [1, 32], strides = [1, 1]} : vector<16x32xf32> to vector<1x32xf32>
    %mul3A_19 = vector.broadcast %slice3A_14 : vector<2000x1xf32> to vector<2000x32xf32>
    %mul3A_20 = vector.broadcast %slice3A_18 : vector<1x32xf32> to vector<2000x32xf32>
    %mul3A_21 = arith.mulf %mul3A_19, %mul3A_20 : vector<2000x32xf32>
    %add3A = arith.addf %mul3A_17, %mul3A_21 : vector<2000x32xf32>
    %slice3A_22 = vector.extract_strided_slice %get3A_4 {offsets = [6, 0], sizes = [1, 32], strides = [1, 1]} : vector<16x32xf32> to vector<1x32xf32>
    %add3A_23 = vector.broadcast %slice3A_22 : vector<1x32xf32> to vector<2000x32xf32>
    %add3A_24 = arith.addf %add3A, %add3A_23 : vector<2000x32xf32>
    %slice3A_25 = vector.extract_strided_slice %get3A_4 {offsets = [2, 0], sizes = [1, 32], strides = [1, 1]} : vector<16x32xf32> to vector<1x32xf32>
    %mul3A_26 = vector.broadcast %slice3A : vector<2000x1xf32> to vector<2000x32xf32>
    %mul3A_27 = vector.broadcast %slice3A_25 : vector<1x32xf32> to vector<2000x32xf32>
    %mul3A_28 = arith.mulf %mul3A_26, %mul3A_27 : vector<2000x32xf32>
    %slice3A_29 = vector.extract_strided_slice %get3A_4 {offsets = [3, 0], sizes = [1, 32], strides = [1, 1]} : vector<16x32xf32> to vector<1x32xf32>
    %mul3A_30 = vector.broadcast %slice3A_14 : vector<2000x1xf32> to vector<2000x32xf32>
    %mul3A_31 = vector.broadcast %slice3A_29 : vector<1x32xf32> to vector<2000x32xf32>
    %mul3A_32 = arith.mulf %mul3A_30, %mul3A_31 : vector<2000x32xf32>
    %add3A_33 = arith.addf %mul3A_28, %mul3A_32 : vector<2000x32xf32>
    %slice3A_34 = vector.extract_strided_slice %get3A_4 {offsets = [7, 0], sizes = [1, 32], strides = [1, 1]} : vector<16x32xf32> to vector<1x32xf32>
    %add3A_35 = vector.broadcast %slice3A_34 : vector<1x32xf32> to vector<2000x32xf32>
    %add3A_36 = arith.addf %add3A_33, %add3A_35 : vector<2000x32xf32>
    %slice3A_37 = vector.extract_strided_slice %get3A_4 {offsets = [4, 0], sizes = [1, 32], strides = [1, 1]} : vector<16x32xf32> to vector<1x32xf32>
    %mul3A_38 = vector.broadcast %slice3A : vector<2000x1xf32> to vector<2000x32xf32>
    %mul3A_39 = vector.broadcast %slice3A_37 : vector<1x32xf32> to vector<2000x32xf32>
    %mul3A_40 = arith.mulf %mul3A_38, %mul3A_39 : vector<2000x32xf32>
    %slice3A_41 = vector.extract_strided_slice %get3A_4 {offsets = [5, 0], sizes = [1, 32], strides = [1, 1]} : vector<16x32xf32> to vector<1x32xf32>
    %mul3A_42 = vector.broadcast %slice3A_14 : vector<2000x1xf32> to vector<2000x32xf32>
    %mul3A_43 = vector.broadcast %slice3A_41 : vector<1x32xf32> to vector<2000x32xf32>
    %mul3A_44 = arith.mulf %mul3A_42, %mul3A_43 : vector<2000x32xf32>
    %add3A_45 = arith.addf %mul3A_40, %mul3A_44 : vector<2000x32xf32>
    %slice3A_46 = vector.extract_strided_slice %get3A_4 {offsets = [8, 0], sizes = [1, 32], strides = [1, 1]} : vector<16x32xf32> to vector<1x32xf32>
    %add3A_47 = vector.broadcast %slice3A_46 : vector<1x32xf32> to vector<2000x32xf32>
    %add3A_48 = arith.addf %add3A_45, %add3A_47 : vector<2000x32xf32>
    %slice3A_49 = vector.extract_strided_slice %get3A_7 {offsets = [0, 0], sizes = [32, 32], strides = [1, 1]} : vector<96x32xf32> to vector<32x32xf32>
    %dot_general3A = arith.constant dense<0.000000e+00> : vector<2000x32xf32>
    %dot_general3A_50 = tpu.matmul %broadcast_in_dim3A_11, %slice3A_49, %dot_general3A {dimension_numbers = #tpu.dot_dimension_numbers<[1], [0], [0], [1], [0, 0, 1, 1], [], []>, transpose_lhs_hint = false} : vector<2000x32xf32>, vector<32x32xf32>, vector<2000x32xf32> -> vector<2000x32xf32>
    %add3A_51 = arith.addf %add3A_24, %dot_general3A_50 : vector<2000x32xf32>
    %logistic3A = arith.negf %add3A_51 : vector<2000x32xf32>
    %logistic3A_52 = math.exp %logistic3A : vector<2000x32xf32>
    %logistic3A_53 = arith.constant 1.000000e+00 : f32
    %logistic3A_54 = vector.broadcast %logistic3A_53 : f32 to vector<2000x32xf32>
    %logistic3A_55 = arith.addf %logistic3A_54, %logistic3A_52 : vector<2000x32xf32>
    %logistic3A_56 = arith.divf %logistic3A_54, %logistic3A_55 : vector<2000x32xf32>
    %slice3A_57 = vector.extract_strided_slice %get3A_7 {offsets = [32, 0], sizes = [32, 32], strides = [1, 1]} : vector<96x32xf32> to vector<32x32xf32>
    %dot_general3A_58 = arith.constant dense<0.000000e+00> : vector<2000x32xf32>
    %dot_general3A_59 = tpu.matmul %broadcast_in_dim3A_11, %slice3A_57, %dot_general3A_58 {dimension_numbers = #tpu.dot_dimension_numbers<[1], [0], [0], [1], [0, 0, 1, 1], [], []>, transpose_lhs_hint = false} : vector<2000x32xf32>, vector<32x32xf32>, vector<2000x32xf32> -> vector<2000x32xf32>
    %add3A_60 = arith.addf %add3A_36, %dot_general3A_59 : vector<2000x32xf32>
    %logistic3A_61 = arith.negf %add3A_60 : vector<2000x32xf32>
    %logistic3A_62 = math.exp %logistic3A_61 : vector<2000x32xf32>
    %logistic3A_63 = arith.constant 1.000000e+00 : f32
    %logistic3A_64 = vector.broadcast %logistic3A_63 : f32 to vector<2000x32xf32>
    %logistic3A_65 = arith.addf %logistic3A_64, %logistic3A_62 : vector<2000x32xf32>
    %logistic3A_66 = arith.divf %logistic3A_64, %logistic3A_65 : vector<2000x32xf32>
    %mul3A_67 = arith.mulf %broadcast_in_dim3A_11, %logistic3A_66 : vector<2000x32xf32>
    %slice3A_68 = vector.extract_strided_slice %get3A_7 {offsets = [64, 0], sizes = [32, 32], strides = [1, 1]} : vector<96x32xf32> to vector<32x32xf32>
    %dot_general3A_69 = arith.constant dense<0.000000e+00> : vector<2000x32xf32>
    %dot_general3A_70 = tpu.matmul %mul3A_67, %slice3A_68, %dot_general3A_69 {dimension_numbers = #tpu.dot_dimension_numbers<[1], [0], [0], [1], [0, 0, 1, 1], [], []>, transpose_lhs_hint = false} : vector<2000x32xf32>, vector<32x32xf32>, vector<2000x32xf32> -> vector<2000x32xf32>
    %add3A_71 = arith.addf %add3A_48, %dot_general3A_70 : vector<2000x32xf32>
    %tanh3A = math.tanh %add3A_71 : vector<2000x32xf32>
    %mul3A_72 = arith.mulf %logistic3A_56, %broadcast_in_dim3A_11 : vector<2000x32xf32>
    %sub3A = arith.constant 1.000000e+00 : f32
    %sub3A_73 = vector.broadcast %sub3A : f32 to vector<2000x32xf32>
    %sub3A_74 = arith.subf %sub3A_73, %logistic3A_56 : vector<2000x32xf32>
    %mul3A_75 = arith.mulf %sub3A_74, %tanh3A : vector<2000x32xf32>
    %add3A_76 = arith.addf %mul3A_72, %mul3A_75 : vector<2000x32xf32>
    %slice3A_77 = vector.extract_strided_slice %get3A_4 {offsets = [9, 0], sizes = [1, 1], strides = [1, 1]} : vector<16x32xf32> to vector<1x1xf32>
    %mul3A_78 = vector.broadcast %slice3A_77 : vector<1x1xf32> to vector<2000x32xf32>
    %mul3A_79 = arith.mulf %mul3A_78, %add3A_76 : vector<2000x32xf32>
    %add3A_80 = arith.addf %broadcast_in_dim3A_13, %mul3A_79 : vector<2000x32xf32>
    %slice3A_81 = vector.extract_strided_slice %get3A_1 {offsets = [0, 2], sizes = [2000, 1], strides = [1, 1]} : vector<2000x24xf32> to vector<2000x1xf32>
    %slice3A_82 = vector.extract_strided_slice %get3A_1 {offsets = [0, 3], sizes = [2000, 1], strides = [1, 1]} : vector<2000x24xf32> to vector<2000x1xf32>
    %slice3A_83 = vector.extract_strided_slice %get3A_4 {offsets = [0, 0], sizes = [1, 32], strides = [1, 1]} : vector<16x32xf32> to vector<1x32xf32>
    %mul3A_84 = vector.broadcast %slice3A_81 : vector<2000x1xf32> to vector<2000x32xf32>
    %mul3A_85 = vector.broadcast %slice3A_83 : vector<1x32xf32> to vector<2000x32xf32>
    %mul3A_86 = arith.mulf %mul3A_84, %mul3A_85 : vector<2000x32xf32>
    %slice3A_87 = vector.extract_strided_slice %get3A_4 {offsets = [1, 0], sizes = [1, 32], strides = [1, 1]} : vector<16x32xf32> to vector<1x32xf32>
    %mul3A_88 = vector.broadcast %slice3A_82 : vector<2000x1xf32> to vector<2000x32xf32>
    %mul3A_89 = vector.broadcast %slice3A_87 : vector<1x32xf32> to vector<2000x32xf32>
    %mul3A_90 = arith.mulf %mul3A_88, %mul3A_89 : vector<2000x32xf32>
    %add3A_91 = arith.addf %mul3A_86, %mul3A_90 : vector<2000x32xf32>
    %slice3A_92 = vector.extract_strided_slice %get3A_4 {offsets = [6, 0], sizes = [1, 32], strides = [1, 1]} : vector<16x32xf32> to vector<1x32xf32>
    %add3A_93 = vector.broadcast %slice3A_92 : vector<1x32xf32> to vector<2000x32xf32>
    %add3A_94 = arith.addf %add3A_91, %add3A_93 : vector<2000x32xf32>
    %slice3A_95 = vector.extract_strided_slice %get3A_4 {offsets = [2, 0], sizes = [1, 32], strides = [1, 1]} : vector<16x32xf32> to vector<1x32xf32>
    %mul3A_96 = vector.broadcast %slice3A_81 : vector<2000x1xf32> to vector<2000x32xf32>
    %mul3A_97 = vector.broadcast %slice3A_95 : vector<1x32xf32> to vector<2000x32xf32>
    %mul3A_98 = arith.mulf %mul3A_96, %mul3A_97 : vector<2000x32xf32>
    %slice3A_99 = vector.extract_strided_slice %get3A_4 {offsets = [3, 0], sizes = [1, 32], strides = [1, 1]} : vector<16x32xf32> to vector<1x32xf32>
    %mul3A_100 = vector.broadcast %slice3A_82 : vector<2000x1xf32> to vector<2000x32xf32>
    %mul3A_101 = vector.broadcast %slice3A_99 : vector<1x32xf32> to vector<2000x32xf32>
    %mul3A_102 = arith.mulf %mul3A_100, %mul3A_101 : vector<2000x32xf32>
    %add3A_103 = arith.addf %mul3A_98, %mul3A_102 : vector<2000x32xf32>
    %slice3A_104 = vector.extract_strided_slice %get3A_4 {offsets = [7, 0], sizes = [1, 32], strides = [1, 1]} : vector<16x32xf32> to vector<1x32xf32>
    %add3A_105 = vector.broadcast %slice3A_104 : vector<1x32xf32> to vector<2000x32xf32>
    %add3A_106 = arith.addf %add3A_103, %add3A_105 : vector<2000x32xf32>
    %slice3A_107 = vector.extract_strided_slice %get3A_4 {offsets = [4, 0], sizes = [1, 32], strides = [1, 1]} : vector<16x32xf32> to vector<1x32xf32>
    %mul3A_108 = vector.broadcast %slice3A_81 : vector<2000x1xf32> to vector<2000x32xf32>
    %mul3A_109 = vector.broadcast %slice3A_107 : vector<1x32xf32> to vector<2000x32xf32>
    %mul3A_110 = arith.mulf %mul3A_108, %mul3A_109 : vector<2000x32xf32>
    %slice3A_111 = vector.extract_strided_slice %get3A_4 {offsets = [5, 0], sizes = [1, 32], strides = [1, 1]} : vector<16x32xf32> to vector<1x32xf32>
    %mul3A_112 = vector.broadcast %slice3A_82 : vector<2000x1xf32> to vector<2000x32xf32>
    %mul3A_113 = vector.broadcast %slice3A_111 : vector<1x32xf32> to vector<2000x32xf32>
    %mul3A_114 = arith.mulf %mul3A_112, %mul3A_113 : vector<2000x32xf32>
    %add3A_115 = arith.addf %mul3A_110, %mul3A_114 : vector<2000x32xf32>
    %slice3A_116 = vector.extract_strided_slice %get3A_4 {offsets = [8, 0], sizes = [1, 32], strides = [1, 1]} : vector<16x32xf32> to vector<1x32xf32>
    %add3A_117 = vector.broadcast %slice3A_116 : vector<1x32xf32> to vector<2000x32xf32>
    %add3A_118 = arith.addf %add3A_115, %add3A_117 : vector<2000x32xf32>
    %slice3A_119 = vector.extract_strided_slice %get3A_7 {offsets = [0, 0], sizes = [32, 32], strides = [1, 1]} : vector<96x32xf32> to vector<32x32xf32>
    %dot_general3A_120 = arith.constant dense<0.000000e+00> : vector<2000x32xf32>
    %dot_general3A_121 = tpu.matmul %add3A_76, %slice3A_119, %dot_general3A_120 {dimension_numbers = #tpu.dot_dimension_numbers<[1], [0], [0], [1], [0, 0, 1, 1], [], []>, transpose_lhs_hint = false} : vector<2000x32xf32>, vector<32x32xf32>, vector<2000x32xf32> -> vector<2000x32xf32>
    %add3A_122 = arith.addf %add3A_94, %dot_general3A_121 : vector<2000x32xf32>
    %logistic3A_123 = arith.negf %add3A_122 : vector<2000x32xf32>
    %logistic3A_124 = math.exp %logistic3A_123 : vector<2000x32xf32>
    %logistic3A_125 = arith.constant 1.000000e+00 : f32
    %logistic3A_126 = vector.broadcast %logistic3A_125 : f32 to vector<2000x32xf32>
    %logistic3A_127 = arith.addf %logistic3A_126, %logistic3A_124 : vector<2000x32xf32>
    %logistic3A_128 = arith.divf %logistic3A_126, %logistic3A_127 : vector<2000x32xf32>
    %slice3A_129 = vector.extract_strided_slice %get3A_7 {offsets = [32, 0], sizes = [32, 32], strides = [1, 1]} : vector<96x32xf32> to vector<32x32xf32>
    %dot_general3A_130 = arith.constant dense<0.000000e+00> : vector<2000x32xf32>
    %dot_general3A_131 = tpu.matmul %add3A_76, %slice3A_129, %dot_general3A_130 {dimension_numbers = #tpu.dot_dimension_numbers<[1], [0], [0], [1], [0, 0, 1, 1], [], []>, transpose_lhs_hint = false} : vector<2000x32xf32>, vector<32x32xf32>, vector<2000x32xf32> -> vector<2000x32xf32>
    %add3A_132 = arith.addf %add3A_106, %dot_general3A_131 : vector<2000x32xf32>
    %logistic3A_133 = arith.negf %add3A_132 : vector<2000x32xf32>
    %logistic3A_134 = math.exp %logistic3A_133 : vector<2000x32xf32>
    %logistic3A_135 = arith.constant 1.000000e+00 : f32
    %logistic3A_136 = vector.broadcast %logistic3A_135 : f32 to vector<2000x32xf32>
    %logistic3A_137 = arith.addf %logistic3A_136, %logistic3A_134 : vector<2000x32xf32>
    %logistic3A_138 = arith.divf %logistic3A_136, %logistic3A_137 : vector<2000x32xf32>
    %mul3A_139 = arith.mulf %add3A_76, %logistic3A_138 : vector<2000x32xf32>
    %slice3A_140 = vector.extract_strided_slice %get3A_7 {offsets = [64, 0], sizes = [32, 32], strides = [1, 1]} : vector<96x32xf32> to vector<32x32xf32>
    %dot_general3A_141 = arith.constant dense<0.000000e+00> : vector<2000x32xf32>
    %dot_general3A_142 = tpu.matmul %mul3A_139, %slice3A_140, %dot_general3A_141 {dimension_numbers = #tpu.dot_dimension_numbers<[1], [0], [0], [1], [0, 0, 1, 1], [], []>, transpose_lhs_hint = false} : vector<2000x32xf32>, vector<32x32xf32>, vector<2000x32xf32> -> vector<2000x32xf32>
    %add3A_143 = arith.addf %add3A_118, %dot_general3A_142 : vector<2000x32xf32>
    %tanh3A_144 = math.tanh %add3A_143 : vector<2000x32xf32>
    %mul3A_145 = arith.mulf %logistic3A_128, %add3A_76 : vector<2000x32xf32>
    %sub3A_146 = arith.constant 1.000000e+00 : f32
    %sub3A_147 = vector.broadcast %sub3A_146 : f32 to vector<2000x32xf32>
    %sub3A_148 = arith.subf %sub3A_147, %logistic3A_128 : vector<2000x32xf32>
    %mul3A_149 = arith.mulf %sub3A_148, %tanh3A_144 : vector<2000x32xf32>
    %add3A_150 = arith.addf %mul3A_145, %mul3A_149 : vector<2000x32xf32>
    %slice3A_151 = vector.extract_strided_slice %get3A_4 {offsets = [9, 1], sizes = [1, 1], strides = [1, 1]} : vector<16x32xf32> to vector<1x1xf32>
    %mul3A_152 = vector.broadcast %slice3A_151 : vector<1x1xf32> to vector<2000x32xf32>
    %mul3A_153 = arith.mulf %mul3A_152, %add3A_150 : vector<2000x32xf32>
    %add3A_154 = arith.addf %add3A_80, %mul3A_153 : vector<2000x32xf32>
    %slice3A_155 = vector.extract_strided_slice %get3A_1 {offsets = [0, 4], sizes = [2000, 1], strides = [1, 1]} : vector<2000x24xf32> to vector<2000x1xf32>
    %slice3A_156 = vector.extract_strided_slice %get3A_1 {offsets = [0, 5], sizes = [2000, 1], strides = [1, 1]} : vector<2000x24xf32> to vector<2000x1xf32>
    %slice3A_157 = vector.extract_strided_slice %get3A_4 {offsets = [0, 0], sizes = [1, 32], strides = [1, 1]} : vector<16x32xf32> to vector<1x32xf32>
    %mul3A_158 = vector.broadcast %slice3A_155 : vector<2000x1xf32> to vector<2000x32xf32>
    %mul3A_159 = vector.broadcast %slice3A_157 : vector<1x32xf32> to vector<2000x32xf32>
    %mul3A_160 = arith.mulf %mul3A_158, %mul3A_159 : vector<2000x32xf32>
    %slice3A_161 = vector.extract_strided_slice %get3A_4 {offsets = [1, 0], sizes = [1, 32], strides = [1, 1]} : vector<16x32xf32> to vector<1x32xf32>
    %mul3A_162 = vector.broadcast %slice3A_156 : vector<2000x1xf32> to vector<2000x32xf32>
    %mul3A_163 = vector.broadcast %slice3A_161 : vector<1x32xf32> to vector<2000x32xf32>
    %mul3A_164 = arith.mulf %mul3A_162, %mul3A_163 : vector<2000x32xf32>
    %add3A_165 = arith.addf %mul3A_160, %mul3A_164 : vector<2000x32xf32>
    %slice3A_166 = vector.extract_strided_slice %get3A_4 {offsets = [6, 0], sizes = [1, 32], strides = [1, 1]} : vector<16x32xf32> to vector<1x32xf32>
    %add3A_167 = vector.broadcast %slice3A_166 : vector<1x32xf32> to vector<2000x32xf32>
    %add3A_168 = arith.addf %add3A_165, %add3A_167 : vector<2000x32xf32>
    %slice3A_169 = vector.extract_strided_slice %get3A_4 {offsets = [2, 0], sizes = [1, 32], strides = [1, 1]} : vector<16x32xf32> to vector<1x32xf32>
    %mul3A_170 = vector.broadcast %slice3A_155 : vector<2000x1xf32> to vector<2000x32xf32>
    %mul3A_171 = vector.broadcast %slice3A_169 : vector<1x32xf32> to vector<2000x32xf32>
    %mul3A_172 = arith.mulf %mul3A_170, %mul3A_171 : vector<2000x32xf32>
    %slice3A_173 = vector.extract_strided_slice %get3A_4 {offsets = [3, 0], sizes = [1, 32], strides = [1, 1]} : vector<16x32xf32> to vector<1x32xf32>
    %mul3A_174 = vector.broadcast %slice3A_156 : vector<2000x1xf32> to vector<2000x32xf32>
    %mul3A_175 = vector.broadcast %slice3A_173 : vector<1x32xf32> to vector<2000x32xf32>
    %mul3A_176 = arith.mulf %mul3A_174, %mul3A_175 : vector<2000x32xf32>
    %add3A_177 = arith.addf %mul3A_172, %mul3A_176 : vector<2000x32xf32>
    %slice3A_178 = vector.extract_strided_slice %get3A_4 {offsets = [7, 0], sizes = [1, 32], strides = [1, 1]} : vector<16x32xf32> to vector<1x32xf32>
    %add3A_179 = vector.broadcast %slice3A_178 : vector<1x32xf32> to vector<2000x32xf32>
    %add3A_180 = arith.addf %add3A_177, %add3A_179 : vector<2000x32xf32>
    %slice3A_181 = vector.extract_strided_slice %get3A_4 {offsets = [4, 0], sizes = [1, 32], strides = [1, 1]} : vector<16x32xf32> to vector<1x32xf32>
    %mul3A_182 = vector.broadcast %slice3A_155 : vector<2000x1xf32> to vector<2000x32xf32>
    %mul3A_183 = vector.broadcast %slice3A_181 : vector<1x32xf32> to vector<2000x32xf32>
    %mul3A_184 = arith.mulf %mul3A_182, %mul3A_183 : vector<2000x32xf32>
    %slice3A_185 = vector.extract_strided_slice %get3A_4 {offsets = [5, 0], sizes = [1, 32], strides = [1, 1]} : vector<16x32xf32> to vector<1x32xf32>
    %mul3A_186 = vector.broadcast %slice3A_156 : vector<2000x1xf32> to vector<2000x32xf32>
    %mul3A_187 = vector.broadcast %slice3A_185 : vector<1x32xf32> to vector<2000x32xf32>
    %mul3A_188 = arith.mulf %mul3A_186, %mul3A_187 : vector<2000x32xf32>
    %add3A_189 = arith.addf %mul3A_184, %mul3A_188 : vector<2000x32xf32>
    %slice3A_190 = vector.extract_strided_slice %get3A_4 {offsets = [8, 0], sizes = [1, 32], strides = [1, 1]} : vector<16x32xf32> to vector<1x32xf32>
    %add3A_191 = vector.broadcast %slice3A_190 : vector<1x32xf32> to vector<2000x32xf32>
    %add3A_192 = arith.addf %add3A_189, %add3A_191 : vector<2000x32xf32>
    %slice3A_193 = vector.extract_strided_slice %get3A_7 {offsets = [0, 0], sizes = [32, 32], strides = [1, 1]} : vector<96x32xf32> to vector<32x32xf32>
    %dot_general3A_194 = arith.constant dense<0.000000e+00> : vector<2000x32xf32>
    %dot_general3A_195 = tpu.matmul %add3A_150, %slice3A_193, %dot_general3A_194 {dimension_numbers = #tpu.dot_dimension_numbers<[1], [0], [0], [1], [0, 0, 1, 1], [], []>, transpose_lhs_hint = false} : vector<2000x32xf32>, vector<32x32xf32>, vector<2000x32xf32> -> vector<2000x32xf32>
    %add3A_196 = arith.addf %add3A_168, %dot_general3A_195 : vector<2000x32xf32>
    %logistic3A_197 = arith.negf %add3A_196 : vector<2000x32xf32>
    %logistic3A_198 = math.exp %logistic3A_197 : vector<2000x32xf32>
    %logistic3A_199 = arith.constant 1.000000e+00 : f32
    %logistic3A_200 = vector.broadcast %logistic3A_199 : f32 to vector<2000x32xf32>
    %logistic3A_201 = arith.addf %logistic3A_200, %logistic3A_198 : vector<2000x32xf32>
    %logistic3A_202 = arith.divf %logistic3A_200, %logistic3A_201 : vector<2000x32xf32>
    %slice3A_203 = vector.extract_strided_slice %get3A_7 {offsets = [32, 0], sizes = [32, 32], strides = [1, 1]} : vector<96x32xf32> to vector<32x32xf32>
    %dot_general3A_204 = arith.constant dense<0.000000e+00> : vector<2000x32xf32>
    %dot_general3A_205 = tpu.matmul %add3A_150, %slice3A_203, %dot_general3A_204 {dimension_numbers = #tpu.dot_dimension_numbers<[1], [0], [0], [1], [0, 0, 1, 1], [], []>, transpose_lhs_hint = false} : vector<2000x32xf32>, vector<32x32xf32>, vector<2000x32xf32> -> vector<2000x32xf32>
    %add3A_206 = arith.addf %add3A_180, %dot_general3A_205 : vector<2000x32xf32>
    %logistic3A_207 = arith.negf %add3A_206 : vector<2000x32xf32>
    %logistic3A_208 = math.exp %logistic3A_207 : vector<2000x32xf32>
    %logistic3A_209 = arith.constant 1.000000e+00 : f32
    %logistic3A_210 = vector.broadcast %logistic3A_209 : f32 to vector<2000x32xf32>
    %logistic3A_211 = arith.addf %logistic3A_210, %logistic3A_208 : vector<2000x32xf32>
    %logistic3A_212 = arith.divf %logistic3A_210, %logistic3A_211 : vector<2000x32xf32>
    %mul3A_213 = arith.mulf %add3A_150, %logistic3A_212 : vector<2000x32xf32>
    %slice3A_214 = vector.extract_strided_slice %get3A_7 {offsets = [64, 0], sizes = [32, 32], strides = [1, 1]} : vector<96x32xf32> to vector<32x32xf32>
    %dot_general3A_215 = arith.constant dense<0.000000e+00> : vector<2000x32xf32>
    %dot_general3A_216 = tpu.matmul %mul3A_213, %slice3A_214, %dot_general3A_215 {dimension_numbers = #tpu.dot_dimension_numbers<[1], [0], [0], [1], [0, 0, 1, 1], [], []>, transpose_lhs_hint = false} : vector<2000x32xf32>, vector<32x32xf32>, vector<2000x32xf32> -> vector<2000x32xf32>
    %add3A_217 = arith.addf %add3A_192, %dot_general3A_216 : vector<2000x32xf32>
    %tanh3A_218 = math.tanh %add3A_217 : vector<2000x32xf32>
    %mul3A_219 = arith.mulf %logistic3A_202, %add3A_150 : vector<2000x32xf32>
    %sub3A_220 = arith.constant 1.000000e+00 : f32
    %sub3A_221 = vector.broadcast %sub3A_220 : f32 to vector<2000x32xf32>
    %sub3A_222 = arith.subf %sub3A_221, %logistic3A_202 : vector<2000x32xf32>
    %mul3A_223 = arith.mulf %sub3A_222, %tanh3A_218 : vector<2000x32xf32>
    %add3A_224 = arith.addf %mul3A_219, %mul3A_223 : vector<2000x32xf32>
    %slice3A_225 = vector.extract_strided_slice %get3A_4 {offsets = [9, 2], sizes = [1, 1], strides = [1, 1]} : vector<16x32xf32> to vector<1x1xf32>
    %mul3A_226 = vector.broadcast %slice3A_225 : vector<1x1xf32> to vector<2000x32xf32>
    %mul3A_227 = arith.mulf %mul3A_226, %add3A_224 : vector<2000x32xf32>
    %add3A_228 = arith.addf %add3A_154, %mul3A_227 : vector<2000x32xf32>
    %slice3A_229 = vector.extract_strided_slice %get3A_1 {offsets = [0, 6], sizes = [2000, 1], strides = [1, 1]} : vector<2000x24xf32> to vector<2000x1xf32>
    %slice3A_230 = vector.extract_strided_slice %get3A_1 {offsets = [0, 7], sizes = [2000, 1], strides = [1, 1]} : vector<2000x24xf32> to vector<2000x1xf32>
    %slice3A_231 = vector.extract_strided_slice %get3A_4 {offsets = [0, 0], sizes = [1, 32], strides = [1, 1]} : vector<16x32xf32> to vector<1x32xf32>
    %mul3A_232 = vector.broadcast %slice3A_229 : vector<2000x1xf32> to vector<2000x32xf32>
    %mul3A_233 = vector.broadcast %slice3A_231 : vector<1x32xf32> to vector<2000x32xf32>
    %mul3A_234 = arith.mulf %mul3A_232, %mul3A_233 : vector<2000x32xf32>
    %slice3A_235 = vector.extract_strided_slice %get3A_4 {offsets = [1, 0], sizes = [1, 32], strides = [1, 1]} : vector<16x32xf32> to vector<1x32xf32>
    %mul3A_236 = vector.broadcast %slice3A_230 : vector<2000x1xf32> to vector<2000x32xf32>
    %mul3A_237 = vector.broadcast %slice3A_235 : vector<1x32xf32> to vector<2000x32xf32>
    %mul3A_238 = arith.mulf %mul3A_236, %mul3A_237 : vector<2000x32xf32>
    %add3A_239 = arith.addf %mul3A_234, %mul3A_238 : vector<2000x32xf32>
    %slice3A_240 = vector.extract_strided_slice %get3A_4 {offsets = [6, 0], sizes = [1, 32], strides = [1, 1]} : vector<16x32xf32> to vector<1x32xf32>
    %add3A_241 = vector.broadcast %slice3A_240 : vector<1x32xf32> to vector<2000x32xf32>
    %add3A_242 = arith.addf %add3A_239, %add3A_241 : vector<2000x32xf32>
    %slice3A_243 = vector.extract_strided_slice %get3A_4 {offsets = [2, 0], sizes = [1, 32], strides = [1, 1]} : vector<16x32xf32> to vector<1x32xf32>
    %mul3A_244 = vector.broadcast %slice3A_229 : vector<2000x1xf32> to vector<2000x32xf32>
    %mul3A_245 = vector.broadcast %slice3A_243 : vector<1x32xf32> to vector<2000x32xf32>
    %mul3A_246 = arith.mulf %mul3A_244, %mul3A_245 : vector<2000x32xf32>
    %slice3A_247 = vector.extract_strided_slice %get3A_4 {offsets = [3, 0], sizes = [1, 32], strides = [1, 1]} : vector<16x32xf32> to vector<1x32xf32>
    %mul3A_248 = vector.broadcast %slice3A_230 : vector<2000x1xf32> to vector<2000x32xf32>
    %mul3A_249 = vector.broadcast %slice3A_247 : vector<1x32xf32> to vector<2000x32xf32>
    %mul3A_250 = arith.mulf %mul3A_248, %mul3A_249 : vector<2000x32xf32>
    %add3A_251 = arith.addf %mul3A_246, %mul3A_250 : vector<2000x32xf32>
    %slice3A_252 = vector.extract_strided_slice %get3A_4 {offsets = [7, 0], sizes = [1, 32], strides = [1, 1]} : vector<16x32xf32> to vector<1x32xf32>
    %add3A_253 = vector.broadcast %slice3A_252 : vector<1x32xf32> to vector<2000x32xf32>
    %add3A_254 = arith.addf %add3A_251, %add3A_253 : vector<2000x32xf32>
    %slice3A_255 = vector.extract_strided_slice %get3A_4 {offsets = [4, 0], sizes = [1, 32], strides = [1, 1]} : vector<16x32xf32> to vector<1x32xf32>
    %mul3A_256 = vector.broadcast %slice3A_229 : vector<2000x1xf32> to vector<2000x32xf32>
    %mul3A_257 = vector.broadcast %slice3A_255 : vector<1x32xf32> to vector<2000x32xf32>
    %mul3A_258 = arith.mulf %mul3A_256, %mul3A_257 : vector<2000x32xf32>
    %slice3A_259 = vector.extract_strided_slice %get3A_4 {offsets = [5, 0], sizes = [1, 32], strides = [1, 1]} : vector<16x32xf32> to vector<1x32xf32>
    %mul3A_260 = vector.broadcast %slice3A_230 : vector<2000x1xf32> to vector<2000x32xf32>
    %mul3A_261 = vector.broadcast %slice3A_259 : vector<1x32xf32> to vector<2000x32xf32>
    %mul3A_262 = arith.mulf %mul3A_260, %mul3A_261 : vector<2000x32xf32>
    %add3A_263 = arith.addf %mul3A_258, %mul3A_262 : vector<2000x32xf32>
    %slice3A_264 = vector.extract_strided_slice %get3A_4 {offsets = [8, 0], sizes = [1, 32], strides = [1, 1]} : vector<16x32xf32> to vector<1x32xf32>
    %add3A_265 = vector.broadcast %slice3A_264 : vector<1x32xf32> to vector<2000x32xf32>
    %add3A_266 = arith.addf %add3A_263, %add3A_265 : vector<2000x32xf32>
    %slice3A_267 = vector.extract_strided_slice %get3A_7 {offsets = [0, 0], sizes = [32, 32], strides = [1, 1]} : vector<96x32xf32> to vector<32x32xf32>
    %dot_general3A_268 = arith.constant dense<0.000000e+00> : vector<2000x32xf32>
    %dot_general3A_269 = tpu.matmul %add3A_224, %slice3A_267, %dot_general3A_268 {dimension_numbers = #tpu.dot_dimension_numbers<[1], [0], [0], [1], [0, 0, 1, 1], [], []>, transpose_lhs_hint = false} : vector<2000x32xf32>, vector<32x32xf32>, vector<2000x32xf32> -> vector<2000x32xf32>
    %add3A_270 = arith.addf %add3A_242, %dot_general3A_269 : vector<2000x32xf32>
    %logistic3A_271 = arith.negf %add3A_270 : vector<2000x32xf32>
    %logistic3A_272 = math.exp %logistic3A_271 : vector<2000x32xf32>
    %logistic3A_273 = arith.constant 1.000000e+00 : f32
    %logistic3A_274 = vector.broadcast %logistic3A_273 : f32 to vector<2000x32xf32>
    %logistic3A_275 = arith.addf %logistic3A_274, %logistic3A_272 : vector<2000x32xf32>
    %logistic3A_276 = arith.divf %logistic3A_274, %logistic3A_275 : vector<2000x32xf32>
    %slice3A_277 = vector.extract_strided_slice %get3A_7 {offsets = [32, 0], sizes = [32, 32], strides = [1, 1]} : vector<96x32xf32> to vector<32x32xf32>
    %dot_general3A_278 = arith.constant dense<0.000000e+00> : vector<2000x32xf32>
    %dot_general3A_279 = tpu.matmul %add3A_224, %slice3A_277, %dot_general3A_278 {dimension_numbers = #tpu.dot_dimension_numbers<[1], [0], [0], [1], [0, 0, 1, 1], [], []>, transpose_lhs_hint = false} : vector<2000x32xf32>, vector<32x32xf32>, vector<2000x32xf32> -> vector<2000x32xf32>
    %add3A_280 = arith.addf %add3A_254, %dot_general3A_279 : vector<2000x32xf32>
    %logistic3A_281 = arith.negf %add3A_280 : vector<2000x32xf32>
    %logistic3A_282 = math.exp %logistic3A_281 : vector<2000x32xf32>
    %logistic3A_283 = arith.constant 1.000000e+00 : f32
    %logistic3A_284 = vector.broadcast %logistic3A_283 : f32 to vector<2000x32xf32>
    %logistic3A_285 = arith.addf %logistic3A_284, %logistic3A_282 : vector<2000x32xf32>
    %logistic3A_286 = arith.divf %logistic3A_284, %logistic3A_285 : vector<2000x32xf32>
    %mul3A_287 = arith.mulf %add3A_224, %logistic3A_286 : vector<2000x32xf32>
    %slice3A_288 = vector.extract_strided_slice %get3A_7 {offsets = [64, 0], sizes = [32, 32], strides = [1, 1]} : vector<96x32xf32> to vector<32x32xf32>
    %dot_general3A_289 = arith.constant dense<0.000000e+00> : vector<2000x32xf32>
    %dot_general3A_290 = tpu.matmul %mul3A_287, %slice3A_288, %dot_general3A_289 {dimension_numbers = #tpu.dot_dimension_numbers<[1], [0], [0], [1], [0, 0, 1, 1], [], []>, transpose_lhs_hint = false} : vector<2000x32xf32>, vector<32x32xf32>, vector<2000x32xf32> -> vector<2000x32xf32>
    %add3A_291 = arith.addf %add3A_266, %dot_general3A_290 : vector<2000x32xf32>
    %tanh3A_292 = math.tanh %add3A_291 : vector<2000x32xf32>
    %mul3A_293 = arith.mulf %logistic3A_276, %add3A_224 : vector<2000x32xf32>
    %sub3A_294 = arith.constant 1.000000e+00 : f32
    %sub3A_295 = vector.broadcast %sub3A_294 : f32 to vector<2000x32xf32>
    %sub3A_296 = arith.subf %sub3A_295, %logistic3A_276 : vector<2000x32xf32>
    %mul3A_297 = arith.mulf %sub3A_296, %tanh3A_292 : vector<2000x32xf32>
    %add3A_298 = arith.addf %mul3A_293, %mul3A_297 : vector<2000x32xf32>
    %slice3A_299 = vector.extract_strided_slice %get3A_4 {offsets = [9, 3], sizes = [1, 1], strides = [1, 1]} : vector<16x32xf32> to vector<1x1xf32>
    %mul3A_300 = vector.broadcast %slice3A_299 : vector<1x1xf32> to vector<2000x32xf32>
    %mul3A_301 = arith.mulf %mul3A_300, %add3A_298 : vector<2000x32xf32>
    %add3A_302 = arith.addf %add3A_228, %mul3A_301 : vector<2000x32xf32>
    %slice3A_303 = vector.extract_strided_slice %get3A_1 {offsets = [0, 8], sizes = [2000, 1], strides = [1, 1]} : vector<2000x24xf32> to vector<2000x1xf32>
    %slice3A_304 = vector.extract_strided_slice %get3A_1 {offsets = [0, 9], sizes = [2000, 1], strides = [1, 1]} : vector<2000x24xf32> to vector<2000x1xf32>
    %slice3A_305 = vector.extract_strided_slice %get3A_4 {offsets = [0, 0], sizes = [1, 32], strides = [1, 1]} : vector<16x32xf32> to vector<1x32xf32>
    %mul3A_306 = vector.broadcast %slice3A_303 : vector<2000x1xf32> to vector<2000x32xf32>
    %mul3A_307 = vector.broadcast %slice3A_305 : vector<1x32xf32> to vector<2000x32xf32>
    %mul3A_308 = arith.mulf %mul3A_306, %mul3A_307 : vector<2000x32xf32>
    %slice3A_309 = vector.extract_strided_slice %get3A_4 {offsets = [1, 0], sizes = [1, 32], strides = [1, 1]} : vector<16x32xf32> to vector<1x32xf32>
    %mul3A_310 = vector.broadcast %slice3A_304 : vector<2000x1xf32> to vector<2000x32xf32>
    %mul3A_311 = vector.broadcast %slice3A_309 : vector<1x32xf32> to vector<2000x32xf32>
    %mul3A_312 = arith.mulf %mul3A_310, %mul3A_311 : vector<2000x32xf32>
    %add3A_313 = arith.addf %mul3A_308, %mul3A_312 : vector<2000x32xf32>
    %slice3A_314 = vector.extract_strided_slice %get3A_4 {offsets = [6, 0], sizes = [1, 32], strides = [1, 1]} : vector<16x32xf32> to vector<1x32xf32>
    %add3A_315 = vector.broadcast %slice3A_314 : vector<1x32xf32> to vector<2000x32xf32>
    %add3A_316 = arith.addf %add3A_313, %add3A_315 : vector<2000x32xf32>
    %slice3A_317 = vector.extract_strided_slice %get3A_4 {offsets = [2, 0], sizes = [1, 32], strides = [1, 1]} : vector<16x32xf32> to vector<1x32xf32>
    %mul3A_318 = vector.broadcast %slice3A_303 : vector<2000x1xf32> to vector<2000x32xf32>
    %mul3A_319 = vector.broadcast %slice3A_317 : vector<1x32xf32> to vector<2000x32xf32>
    %mul3A_320 = arith.mulf %mul3A_318, %mul3A_319 : vector<2000x32xf32>
    %slice3A_321 = vector.extract_strided_slice %get3A_4 {offsets = [3, 0], sizes = [1, 32], strides = [1, 1]} : vector<16x32xf32> to vector<1x32xf32>
    %mul3A_322 = vector.broadcast %slice3A_304 : vector<2000x1xf32> to vector<2000x32xf32>
    %mul3A_323 = vector.broadcast %slice3A_321 : vector<1x32xf32> to vector<2000x32xf32>
    %mul3A_324 = arith.mulf %mul3A_322, %mul3A_323 : vector<2000x32xf32>
    %add3A_325 = arith.addf %mul3A_320, %mul3A_324 : vector<2000x32xf32>
    %slice3A_326 = vector.extract_strided_slice %get3A_4 {offsets = [7, 0], sizes = [1, 32], strides = [1, 1]} : vector<16x32xf32> to vector<1x32xf32>
    %add3A_327 = vector.broadcast %slice3A_326 : vector<1x32xf32> to vector<2000x32xf32>
    %add3A_328 = arith.addf %add3A_325, %add3A_327 : vector<2000x32xf32>
    %slice3A_329 = vector.extract_strided_slice %get3A_4 {offsets = [4, 0], sizes = [1, 32], strides = [1, 1]} : vector<16x32xf32> to vector<1x32xf32>
    %mul3A_330 = vector.broadcast %slice3A_303 : vector<2000x1xf32> to vector<2000x32xf32>
    %mul3A_331 = vector.broadcast %slice3A_329 : vector<1x32xf32> to vector<2000x32xf32>
    %mul3A_332 = arith.mulf %mul3A_330, %mul3A_331 : vector<2000x32xf32>
    %slice3A_333 = vector.extract_strided_slice %get3A_4 {offsets = [5, 0], sizes = [1, 32], strides = [1, 1]} : vector<16x32xf32> to vector<1x32xf32>
    %mul3A_334 = vector.broadcast %slice3A_304 : vector<2000x1xf32> to vector<2000x32xf32>
    %mul3A_335 = vector.broadcast %slice3A_333 : vector<1x32xf32> to vector<2000x32xf32>
    %mul3A_336 = arith.mulf %mul3A_334, %mul3A_335 : vector<2000x32xf32>
    %add3A_337 = arith.addf %mul3A_332, %mul3A_336 : vector<2000x32xf32>
    %slice3A_338 = vector.extract_strided_slice %get3A_4 {offsets = [8, 0], sizes = [1, 32], strides = [1, 1]} : vector<16x32xf32> to vector<1x32xf32>
    %add3A_339 = vector.broadcast %slice3A_338 : vector<1x32xf32> to vector<2000x32xf32>
    %add3A_340 = arith.addf %add3A_337, %add3A_339 : vector<2000x32xf32>
    %slice3A_341 = vector.extract_strided_slice %get3A_7 {offsets = [0, 0], sizes = [32, 32], strides = [1, 1]} : vector<96x32xf32> to vector<32x32xf32>
    %dot_general3A_342 = arith.constant dense<0.000000e+00> : vector<2000x32xf32>
    %dot_general3A_343 = tpu.matmul %add3A_298, %slice3A_341, %dot_general3A_342 {dimension_numbers = #tpu.dot_dimension_numbers<[1], [0], [0], [1], [0, 0, 1, 1], [], []>, transpose_lhs_hint = false} : vector<2000x32xf32>, vector<32x32xf32>, vector<2000x32xf32> -> vector<2000x32xf32>
    %add3A_344 = arith.addf %add3A_316, %dot_general3A_343 : vector<2000x32xf32>
    %logistic3A_345 = arith.negf %add3A_344 : vector<2000x32xf32>
    %logistic3A_346 = math.exp %logistic3A_345 : vector<2000x32xf32>
    %logistic3A_347 = arith.constant 1.000000e+00 : f32
    %logistic3A_348 = vector.broadcast %logistic3A_347 : f32 to vector<2000x32xf32>
    %logistic3A_349 = arith.addf %logistic3A_348, %logistic3A_346 : vector<2000x32xf32>
    %logistic3A_350 = arith.divf %logistic3A_348, %logistic3A_349 : vector<2000x32xf32>
    %slice3A_351 = vector.extract_strided_slice %get3A_7 {offsets = [32, 0], sizes = [32, 32], strides = [1, 1]} : vector<96x32xf32> to vector<32x32xf32>
    %dot_general3A_352 = arith.constant dense<0.000000e+00> : vector<2000x32xf32>
    %dot_general3A_353 = tpu.matmul %add3A_298, %slice3A_351, %dot_general3A_352 {dimension_numbers = #tpu.dot_dimension_numbers<[1], [0], [0], [1], [0, 0, 1, 1], [], []>, transpose_lhs_hint = false} : vector<2000x32xf32>, vector<32x32xf32>, vector<2000x32xf32> -> vector<2000x32xf32>
    %add3A_354 = arith.addf %add3A_328, %dot_general3A_353 : vector<2000x32xf32>
    %logistic3A_355 = arith.negf %add3A_354 : vector<2000x32xf32>
    %logistic3A_356 = math.exp %logistic3A_355 : vector<2000x32xf32>
    %logistic3A_357 = arith.constant 1.000000e+00 : f32
    %logistic3A_358 = vector.broadcast %logistic3A_357 : f32 to vector<2000x32xf32>
    %logistic3A_359 = arith.addf %logistic3A_358, %logistic3A_356 : vector<2000x32xf32>
    %logistic3A_360 = arith.divf %logistic3A_358, %logistic3A_359 : vector<2000x32xf32>
    %mul3A_361 = arith.mulf %add3A_298, %logistic3A_360 : vector<2000x32xf32>
    %slice3A_362 = vector.extract_strided_slice %get3A_7 {offsets = [64, 0], sizes = [32, 32], strides = [1, 1]} : vector<96x32xf32> to vector<32x32xf32>
    %dot_general3A_363 = arith.constant dense<0.000000e+00> : vector<2000x32xf32>
    %dot_general3A_364 = tpu.matmul %mul3A_361, %slice3A_362, %dot_general3A_363 {dimension_numbers = #tpu.dot_dimension_numbers<[1], [0], [0], [1], [0, 0, 1, 1], [], []>, transpose_lhs_hint = false} : vector<2000x32xf32>, vector<32x32xf32>, vector<2000x32xf32> -> vector<2000x32xf32>
    %add3A_365 = arith.addf %add3A_340, %dot_general3A_364 : vector<2000x32xf32>
    %tanh3A_366 = math.tanh %add3A_365 : vector<2000x32xf32>
    %mul3A_367 = arith.mulf %logistic3A_350, %add3A_298 : vector<2000x32xf32>
    %sub3A_368 = arith.constant 1.000000e+00 : f32
    %sub3A_369 = vector.broadcast %sub3A_368 : f32 to vector<2000x32xf32>
    %sub3A_370 = arith.subf %sub3A_369, %logistic3A_350 : vector<2000x32xf32>
    %mul3A_371 = arith.mulf %sub3A_370, %tanh3A_366 : vector<2000x32xf32>
    %add3A_372 = arith.addf %mul3A_367, %mul3A_371 : vector<2000x32xf32>
    %slice3A_373 = vector.extract_strided_slice %get3A_4 {offsets = [9, 4], sizes = [1, 1], strides = [1, 1]} : vector<16x32xf32> to vector<1x1xf32>
    %mul3A_374 = vector.broadcast %slice3A_373 : vector<1x1xf32> to vector<2000x32xf32>
    %mul3A_375 = arith.mulf %mul3A_374, %add3A_372 : vector<2000x32xf32>
    %add3A_376 = arith.addf %add3A_302, %mul3A_375 : vector<2000x32xf32>
    %slice3A_377 = vector.extract_strided_slice %get3A_1 {offsets = [0, 10], sizes = [2000, 1], strides = [1, 1]} : vector<2000x24xf32> to vector<2000x1xf32>
    %slice3A_378 = vector.extract_strided_slice %get3A_1 {offsets = [0, 11], sizes = [2000, 1], strides = [1, 1]} : vector<2000x24xf32> to vector<2000x1xf32>
    %slice3A_379 = vector.extract_strided_slice %get3A_4 {offsets = [0, 0], sizes = [1, 32], strides = [1, 1]} : vector<16x32xf32> to vector<1x32xf32>
    %mul3A_380 = vector.broadcast %slice3A_377 : vector<2000x1xf32> to vector<2000x32xf32>
    %mul3A_381 = vector.broadcast %slice3A_379 : vector<1x32xf32> to vector<2000x32xf32>
    %mul3A_382 = arith.mulf %mul3A_380, %mul3A_381 : vector<2000x32xf32>
    %slice3A_383 = vector.extract_strided_slice %get3A_4 {offsets = [1, 0], sizes = [1, 32], strides = [1, 1]} : vector<16x32xf32> to vector<1x32xf32>
    %mul3A_384 = vector.broadcast %slice3A_378 : vector<2000x1xf32> to vector<2000x32xf32>
    %mul3A_385 = vector.broadcast %slice3A_383 : vector<1x32xf32> to vector<2000x32xf32>
    %mul3A_386 = arith.mulf %mul3A_384, %mul3A_385 : vector<2000x32xf32>
    %add3A_387 = arith.addf %mul3A_382, %mul3A_386 : vector<2000x32xf32>
    %slice3A_388 = vector.extract_strided_slice %get3A_4 {offsets = [6, 0], sizes = [1, 32], strides = [1, 1]} : vector<16x32xf32> to vector<1x32xf32>
    %add3A_389 = vector.broadcast %slice3A_388 : vector<1x32xf32> to vector<2000x32xf32>
    %add3A_390 = arith.addf %add3A_387, %add3A_389 : vector<2000x32xf32>
    %slice3A_391 = vector.extract_strided_slice %get3A_4 {offsets = [2, 0], sizes = [1, 32], strides = [1, 1]} : vector<16x32xf32> to vector<1x32xf32>
    %mul3A_392 = vector.broadcast %slice3A_377 : vector<2000x1xf32> to vector<2000x32xf32>
    %mul3A_393 = vector.broadcast %slice3A_391 : vector<1x32xf32> to vector<2000x32xf32>
    %mul3A_394 = arith.mulf %mul3A_392, %mul3A_393 : vector<2000x32xf32>
    %slice3A_395 = vector.extract_strided_slice %get3A_4 {offsets = [3, 0], sizes = [1, 32], strides = [1, 1]} : vector<16x32xf32> to vector<1x32xf32>
    %mul3A_396 = vector.broadcast %slice3A_378 : vector<2000x1xf32> to vector<2000x32xf32>
    %mul3A_397 = vector.broadcast %slice3A_395 : vector<1x32xf32> to vector<2000x32xf32>
    %mul3A_398 = arith.mulf %mul3A_396, %mul3A_397 : vector<2000x32xf32>
    %add3A_399 = arith.addf %mul3A_394, %mul3A_398 : vector<2000x32xf32>
    %slice3A_400 = vector.extract_strided_slice %get3A_4 {offsets = [7, 0], sizes = [1, 32], strides = [1, 1]} : vector<16x32xf32> to vector<1x32xf32>
    %add3A_401 = vector.broadcast %slice3A_400 : vector<1x32xf32> to vector<2000x32xf32>
    %add3A_402 = arith.addf %add3A_399, %add3A_401 : vector<2000x32xf32>
    %slice3A_403 = vector.extract_strided_slice %get3A_4 {offsets = [4, 0], sizes = [1, 32], strides = [1, 1]} : vector<16x32xf32> to vector<1x32xf32>
    %mul3A_404 = vector.broadcast %slice3A_377 : vector<2000x1xf32> to vector<2000x32xf32>
    %mul3A_405 = vector.broadcast %slice3A_403 : vector<1x32xf32> to vector<2000x32xf32>
    %mul3A_406 = arith.mulf %mul3A_404, %mul3A_405 : vector<2000x32xf32>
    %slice3A_407 = vector.extract_strided_slice %get3A_4 {offsets = [5, 0], sizes = [1, 32], strides = [1, 1]} : vector<16x32xf32> to vector<1x32xf32>
    %mul3A_408 = vector.broadcast %slice3A_378 : vector<2000x1xf32> to vector<2000x32xf32>
    %mul3A_409 = vector.broadcast %slice3A_407 : vector<1x32xf32> to vector<2000x32xf32>
    %mul3A_410 = arith.mulf %mul3A_408, %mul3A_409 : vector<2000x32xf32>
    %add3A_411 = arith.addf %mul3A_406, %mul3A_410 : vector<2000x32xf32>
    %slice3A_412 = vector.extract_strided_slice %get3A_4 {offsets = [8, 0], sizes = [1, 32], strides = [1, 1]} : vector<16x32xf32> to vector<1x32xf32>
    %add3A_413 = vector.broadcast %slice3A_412 : vector<1x32xf32> to vector<2000x32xf32>
    %add3A_414 = arith.addf %add3A_411, %add3A_413 : vector<2000x32xf32>
    %slice3A_415 = vector.extract_strided_slice %get3A_7 {offsets = [0, 0], sizes = [32, 32], strides = [1, 1]} : vector<96x32xf32> to vector<32x32xf32>
    %dot_general3A_416 = arith.constant dense<0.000000e+00> : vector<2000x32xf32>
    %dot_general3A_417 = tpu.matmul %add3A_372, %slice3A_415, %dot_general3A_416 {dimension_numbers = #tpu.dot_dimension_numbers<[1], [0], [0], [1], [0, 0, 1, 1], [], []>, transpose_lhs_hint = false} : vector<2000x32xf32>, vector<32x32xf32>, vector<2000x32xf32> -> vector<2000x32xf32>
    %add3A_418 = arith.addf %add3A_390, %dot_general3A_417 : vector<2000x32xf32>
    %logistic3A_419 = arith.negf %add3A_418 : vector<2000x32xf32>
    %logistic3A_420 = math.exp %logistic3A_419 : vector<2000x32xf32>
    %logistic3A_421 = arith.constant 1.000000e+00 : f32
    %logistic3A_422 = vector.broadcast %logistic3A_421 : f32 to vector<2000x32xf32>
    %logistic3A_423 = arith.addf %logistic3A_422, %logistic3A_420 : vector<2000x32xf32>
    %logistic3A_424 = arith.divf %logistic3A_422, %logistic3A_423 : vector<2000x32xf32>
    %slice3A_425 = vector.extract_strided_slice %get3A_7 {offsets = [32, 0], sizes = [32, 32], strides = [1, 1]} : vector<96x32xf32> to vector<32x32xf32>
    %dot_general3A_426 = arith.constant dense<0.000000e+00> : vector<2000x32xf32>
    %dot_general3A_427 = tpu.matmul %add3A_372, %slice3A_425, %dot_general3A_426 {dimension_numbers = #tpu.dot_dimension_numbers<[1], [0], [0], [1], [0, 0, 1, 1], [], []>, transpose_lhs_hint = false} : vector<2000x32xf32>, vector<32x32xf32>, vector<2000x32xf32> -> vector<2000x32xf32>
    %add3A_428 = arith.addf %add3A_402, %dot_general3A_427 : vector<2000x32xf32>
    %logistic3A_429 = arith.negf %add3A_428 : vector<2000x32xf32>
    %logistic3A_430 = math.exp %logistic3A_429 : vector<2000x32xf32>
    %logistic3A_431 = arith.constant 1.000000e+00 : f32
    %logistic3A_432 = vector.broadcast %logistic3A_431 : f32 to vector<2000x32xf32>
    %logistic3A_433 = arith.addf %logistic3A_432, %logistic3A_430 : vector<2000x32xf32>
    %logistic3A_434 = arith.divf %logistic3A_432, %logistic3A_433 : vector<2000x32xf32>
    %mul3A_435 = arith.mulf %add3A_372, %logistic3A_434 : vector<2000x32xf32>
    %slice3A_436 = vector.extract_strided_slice %get3A_7 {offsets = [64, 0], sizes = [32, 32], strides = [1, 1]} : vector<96x32xf32> to vector<32x32xf32>
    %dot_general3A_437 = arith.constant dense<0.000000e+00> : vector<2000x32xf32>
    %dot_general3A_438 = tpu.matmul %mul3A_435, %slice3A_436, %dot_general3A_437 {dimension_numbers = #tpu.dot_dimension_numbers<[1], [0], [0], [1], [0, 0, 1, 1], [], []>, transpose_lhs_hint = false} : vector<2000x32xf32>, vector<32x32xf32>, vector<2000x32xf32> -> vector<2000x32xf32>
    %add3A_439 = arith.addf %add3A_414, %dot_general3A_438 : vector<2000x32xf32>
    %tanh3A_440 = math.tanh %add3A_439 : vector<2000x32xf32>
    %mul3A_441 = arith.mulf %logistic3A_424, %add3A_372 : vector<2000x32xf32>
    %sub3A_442 = arith.constant 1.000000e+00 : f32
    %sub3A_443 = vector.broadcast %sub3A_442 : f32 to vector<2000x32xf32>
    %sub3A_444 = arith.subf %sub3A_443, %logistic3A_424 : vector<2000x32xf32>
    %mul3A_445 = arith.mulf %sub3A_444, %tanh3A_440 : vector<2000x32xf32>
    %add3A_446 = arith.addf %mul3A_441, %mul3A_445 : vector<2000x32xf32>
    %slice3A_447 = vector.extract_strided_slice %get3A_4 {offsets = [9, 5], sizes = [1, 1], strides = [1, 1]} : vector<16x32xf32> to vector<1x1xf32>
    %mul3A_448 = vector.broadcast %slice3A_447 : vector<1x1xf32> to vector<2000x32xf32>
    %mul3A_449 = arith.mulf %mul3A_448, %add3A_446 : vector<2000x32xf32>
    %add3A_450 = arith.addf %add3A_376, %mul3A_449 : vector<2000x32xf32>
    %slice3A_451 = vector.extract_strided_slice %get3A_1 {offsets = [0, 12], sizes = [2000, 1], strides = [1, 1]} : vector<2000x24xf32> to vector<2000x1xf32>
    %slice3A_452 = vector.extract_strided_slice %get3A_1 {offsets = [0, 13], sizes = [2000, 1], strides = [1, 1]} : vector<2000x24xf32> to vector<2000x1xf32>
    %slice3A_453 = vector.extract_strided_slice %get3A_4 {offsets = [0, 0], sizes = [1, 32], strides = [1, 1]} : vector<16x32xf32> to vector<1x32xf32>
    %mul3A_454 = vector.broadcast %slice3A_451 : vector<2000x1xf32> to vector<2000x32xf32>
    %mul3A_455 = vector.broadcast %slice3A_453 : vector<1x32xf32> to vector<2000x32xf32>
    %mul3A_456 = arith.mulf %mul3A_454, %mul3A_455 : vector<2000x32xf32>
    %slice3A_457 = vector.extract_strided_slice %get3A_4 {offsets = [1, 0], sizes = [1, 32], strides = [1, 1]} : vector<16x32xf32> to vector<1x32xf32>
    %mul3A_458 = vector.broadcast %slice3A_452 : vector<2000x1xf32> to vector<2000x32xf32>
    %mul3A_459 = vector.broadcast %slice3A_457 : vector<1x32xf32> to vector<2000x32xf32>
    %mul3A_460 = arith.mulf %mul3A_458, %mul3A_459 : vector<2000x32xf32>
    %add3A_461 = arith.addf %mul3A_456, %mul3A_460 : vector<2000x32xf32>
    %slice3A_462 = vector.extract_strided_slice %get3A_4 {offsets = [6, 0], sizes = [1, 32], strides = [1, 1]} : vector<16x32xf32> to vector<1x32xf32>
    %add3A_463 = vector.broadcast %slice3A_462 : vector<1x32xf32> to vector<2000x32xf32>
    %add3A_464 = arith.addf %add3A_461, %add3A_463 : vector<2000x32xf32>
    %slice3A_465 = vector.extract_strided_slice %get3A_4 {offsets = [2, 0], sizes = [1, 32], strides = [1, 1]} : vector<16x32xf32> to vector<1x32xf32>
    %mul3A_466 = vector.broadcast %slice3A_451 : vector<2000x1xf32> to vector<2000x32xf32>
    %mul3A_467 = vector.broadcast %slice3A_465 : vector<1x32xf32> to vector<2000x32xf32>
    %mul3A_468 = arith.mulf %mul3A_466, %mul3A_467 : vector<2000x32xf32>
    %slice3A_469 = vector.extract_strided_slice %get3A_4 {offsets = [3, 0], sizes = [1, 32], strides = [1, 1]} : vector<16x32xf32> to vector<1x32xf32>
    %mul3A_470 = vector.broadcast %slice3A_452 : vector<2000x1xf32> to vector<2000x32xf32>
    %mul3A_471 = vector.broadcast %slice3A_469 : vector<1x32xf32> to vector<2000x32xf32>
    %mul3A_472 = arith.mulf %mul3A_470, %mul3A_471 : vector<2000x32xf32>
    %add3A_473 = arith.addf %mul3A_468, %mul3A_472 : vector<2000x32xf32>
    %slice3A_474 = vector.extract_strided_slice %get3A_4 {offsets = [7, 0], sizes = [1, 32], strides = [1, 1]} : vector<16x32xf32> to vector<1x32xf32>
    %add3A_475 = vector.broadcast %slice3A_474 : vector<1x32xf32> to vector<2000x32xf32>
    %add3A_476 = arith.addf %add3A_473, %add3A_475 : vector<2000x32xf32>
    %slice3A_477 = vector.extract_strided_slice %get3A_4 {offsets = [4, 0], sizes = [1, 32], strides = [1, 1]} : vector<16x32xf32> to vector<1x32xf32>
    %mul3A_478 = vector.broadcast %slice3A_451 : vector<2000x1xf32> to vector<2000x32xf32>
    %mul3A_479 = vector.broadcast %slice3A_477 : vector<1x32xf32> to vector<2000x32xf32>
    %mul3A_480 = arith.mulf %mul3A_478, %mul3A_479 : vector<2000x32xf32>
    %slice3A_481 = vector.extract_strided_slice %get3A_4 {offsets = [5, 0], sizes = [1, 32], strides = [1, 1]} : vector<16x32xf32> to vector<1x32xf32>
    %mul3A_482 = vector.broadcast %slice3A_452 : vector<2000x1xf32> to vector<2000x32xf32>
    %mul3A_483 = vector.broadcast %slice3A_481 : vector<1x32xf32> to vector<2000x32xf32>
    %mul3A_484 = arith.mulf %mul3A_482, %mul3A_483 : vector<2000x32xf32>
    %add3A_485 = arith.addf %mul3A_480, %mul3A_484 : vector<2000x32xf32>
    %slice3A_486 = vector.extract_strided_slice %get3A_4 {offsets = [8, 0], sizes = [1, 32], strides = [1, 1]} : vector<16x32xf32> to vector<1x32xf32>
    %add3A_487 = vector.broadcast %slice3A_486 : vector<1x32xf32> to vector<2000x32xf32>
    %add3A_488 = arith.addf %add3A_485, %add3A_487 : vector<2000x32xf32>
    %slice3A_489 = vector.extract_strided_slice %get3A_7 {offsets = [0, 0], sizes = [32, 32], strides = [1, 1]} : vector<96x32xf32> to vector<32x32xf32>
    %dot_general3A_490 = arith.constant dense<0.000000e+00> : vector<2000x32xf32>
    %dot_general3A_491 = tpu.matmul %add3A_446, %slice3A_489, %dot_general3A_490 {dimension_numbers = #tpu.dot_dimension_numbers<[1], [0], [0], [1], [0, 0, 1, 1], [], []>, transpose_lhs_hint = false} : vector<2000x32xf32>, vector<32x32xf32>, vector<2000x32xf32> -> vector<2000x32xf32>
    %add3A_492 = arith.addf %add3A_464, %dot_general3A_491 : vector<2000x32xf32>
    %logistic3A_493 = arith.negf %add3A_492 : vector<2000x32xf32>
    %logistic3A_494 = math.exp %logistic3A_493 : vector<2000x32xf32>
    %logistic3A_495 = arith.constant 1.000000e+00 : f32
    %logistic3A_496 = vector.broadcast %logistic3A_495 : f32 to vector<2000x32xf32>
    %logistic3A_497 = arith.addf %logistic3A_496, %logistic3A_494 : vector<2000x32xf32>
    %logistic3A_498 = arith.divf %logistic3A_496, %logistic3A_497 : vector<2000x32xf32>
    %slice3A_499 = vector.extract_strided_slice %get3A_7 {offsets = [32, 0], sizes = [32, 32], strides = [1, 1]} : vector<96x32xf32> to vector<32x32xf32>
    %dot_general3A_500 = arith.constant dense<0.000000e+00> : vector<2000x32xf32>
    %dot_general3A_501 = tpu.matmul %add3A_446, %slice3A_499, %dot_general3A_500 {dimension_numbers = #tpu.dot_dimension_numbers<[1], [0], [0], [1], [0, 0, 1, 1], [], []>, transpose_lhs_hint = false} : vector<2000x32xf32>, vector<32x32xf32>, vector<2000x32xf32> -> vector<2000x32xf32>
    %add3A_502 = arith.addf %add3A_476, %dot_general3A_501 : vector<2000x32xf32>
    %logistic3A_503 = arith.negf %add3A_502 : vector<2000x32xf32>
    %logistic3A_504 = math.exp %logistic3A_503 : vector<2000x32xf32>
    %logistic3A_505 = arith.constant 1.000000e+00 : f32
    %logistic3A_506 = vector.broadcast %logistic3A_505 : f32 to vector<2000x32xf32>
    %logistic3A_507 = arith.addf %logistic3A_506, %logistic3A_504 : vector<2000x32xf32>
    %logistic3A_508 = arith.divf %logistic3A_506, %logistic3A_507 : vector<2000x32xf32>
    %mul3A_509 = arith.mulf %add3A_446, %logistic3A_508 : vector<2000x32xf32>
    %slice3A_510 = vector.extract_strided_slice %get3A_7 {offsets = [64, 0], sizes = [32, 32], strides = [1, 1]} : vector<96x32xf32> to vector<32x32xf32>
    %dot_general3A_511 = arith.constant dense<0.000000e+00> : vector<2000x32xf32>
    %dot_general3A_512 = tpu.matmul %mul3A_509, %slice3A_510, %dot_general3A_511 {dimension_numbers = #tpu.dot_dimension_numbers<[1], [0], [0], [1], [0, 0, 1, 1], [], []>, transpose_lhs_hint = false} : vector<2000x32xf32>, vector<32x32xf32>, vector<2000x32xf32> -> vector<2000x32xf32>
    %add3A_513 = arith.addf %add3A_488, %dot_general3A_512 : vector<2000x32xf32>
    %tanh3A_514 = math.tanh %add3A_513 : vector<2000x32xf32>
    %mul3A_515 = arith.mulf %logistic3A_498, %add3A_446 : vector<2000x32xf32>
    %sub3A_516 = arith.constant 1.000000e+00 : f32
    %sub3A_517 = vector.broadcast %sub3A_516 : f32 to vector<2000x32xf32>
    %sub3A_518 = arith.subf %sub3A_517, %logistic3A_498 : vector<2000x32xf32>
    %mul3A_519 = arith.mulf %sub3A_518, %tanh3A_514 : vector<2000x32xf32>
    %add3A_520 = arith.addf %mul3A_515, %mul3A_519 : vector<2000x32xf32>
    %slice3A_521 = vector.extract_strided_slice %get3A_4 {offsets = [9, 6], sizes = [1, 1], strides = [1, 1]} : vector<16x32xf32> to vector<1x1xf32>
    %mul3A_522 = vector.broadcast %slice3A_521 : vector<1x1xf32> to vector<2000x32xf32>
    %mul3A_523 = arith.mulf %mul3A_522, %add3A_520 : vector<2000x32xf32>
    %add3A_524 = arith.addf %add3A_450, %mul3A_523 : vector<2000x32xf32>
    %slice3A_525 = vector.extract_strided_slice %get3A_1 {offsets = [0, 14], sizes = [2000, 1], strides = [1, 1]} : vector<2000x24xf32> to vector<2000x1xf32>
    %slice3A_526 = vector.extract_strided_slice %get3A_1 {offsets = [0, 15], sizes = [2000, 1], strides = [1, 1]} : vector<2000x24xf32> to vector<2000x1xf32>
    %slice3A_527 = vector.extract_strided_slice %get3A_4 {offsets = [0, 0], sizes = [1, 32], strides = [1, 1]} : vector<16x32xf32> to vector<1x32xf32>
    %mul3A_528 = vector.broadcast %slice3A_525 : vector<2000x1xf32> to vector<2000x32xf32>
    %mul3A_529 = vector.broadcast %slice3A_527 : vector<1x32xf32> to vector<2000x32xf32>
    %mul3A_530 = arith.mulf %mul3A_528, %mul3A_529 : vector<2000x32xf32>
    %slice3A_531 = vector.extract_strided_slice %get3A_4 {offsets = [1, 0], sizes = [1, 32], strides = [1, 1]} : vector<16x32xf32> to vector<1x32xf32>
    %mul3A_532 = vector.broadcast %slice3A_526 : vector<2000x1xf32> to vector<2000x32xf32>
    %mul3A_533 = vector.broadcast %slice3A_531 : vector<1x32xf32> to vector<2000x32xf32>
    %mul3A_534 = arith.mulf %mul3A_532, %mul3A_533 : vector<2000x32xf32>
    %add3A_535 = arith.addf %mul3A_530, %mul3A_534 : vector<2000x32xf32>
    %slice3A_536 = vector.extract_strided_slice %get3A_4 {offsets = [6, 0], sizes = [1, 32], strides = [1, 1]} : vector<16x32xf32> to vector<1x32xf32>
    %add3A_537 = vector.broadcast %slice3A_536 : vector<1x32xf32> to vector<2000x32xf32>
    %add3A_538 = arith.addf %add3A_535, %add3A_537 : vector<2000x32xf32>
    %slice3A_539 = vector.extract_strided_slice %get3A_4 {offsets = [2, 0], sizes = [1, 32], strides = [1, 1]} : vector<16x32xf32> to vector<1x32xf32>
    %mul3A_540 = vector.broadcast %slice3A_525 : vector<2000x1xf32> to vector<2000x32xf32>
    %mul3A_541 = vector.broadcast %slice3A_539 : vector<1x32xf32> to vector<2000x32xf32>
    %mul3A_542 = arith.mulf %mul3A_540, %mul3A_541 : vector<2000x32xf32>
    %slice3A_543 = vector.extract_strided_slice %get3A_4 {offsets = [3, 0], sizes = [1, 32], strides = [1, 1]} : vector<16x32xf32> to vector<1x32xf32>
    %mul3A_544 = vector.broadcast %slice3A_526 : vector<2000x1xf32> to vector<2000x32xf32>
    %mul3A_545 = vector.broadcast %slice3A_543 : vector<1x32xf32> to vector<2000x32xf32>
    %mul3A_546 = arith.mulf %mul3A_544, %mul3A_545 : vector<2000x32xf32>
    %add3A_547 = arith.addf %mul3A_542, %mul3A_546 : vector<2000x32xf32>
    %slice3A_548 = vector.extract_strided_slice %get3A_4 {offsets = [7, 0], sizes = [1, 32], strides = [1, 1]} : vector<16x32xf32> to vector<1x32xf32>
    %add3A_549 = vector.broadcast %slice3A_548 : vector<1x32xf32> to vector<2000x32xf32>
    %add3A_550 = arith.addf %add3A_547, %add3A_549 : vector<2000x32xf32>
    %slice3A_551 = vector.extract_strided_slice %get3A_4 {offsets = [4, 0], sizes = [1, 32], strides = [1, 1]} : vector<16x32xf32> to vector<1x32xf32>
    %mul3A_552 = vector.broadcast %slice3A_525 : vector<2000x1xf32> to vector<2000x32xf32>
    %mul3A_553 = vector.broadcast %slice3A_551 : vector<1x32xf32> to vector<2000x32xf32>
    %mul3A_554 = arith.mulf %mul3A_552, %mul3A_553 : vector<2000x32xf32>
    %slice3A_555 = vector.extract_strided_slice %get3A_4 {offsets = [5, 0], sizes = [1, 32], strides = [1, 1]} : vector<16x32xf32> to vector<1x32xf32>
    %mul3A_556 = vector.broadcast %slice3A_526 : vector<2000x1xf32> to vector<2000x32xf32>
    %mul3A_557 = vector.broadcast %slice3A_555 : vector<1x32xf32> to vector<2000x32xf32>
    %mul3A_558 = arith.mulf %mul3A_556, %mul3A_557 : vector<2000x32xf32>
    %add3A_559 = arith.addf %mul3A_554, %mul3A_558 : vector<2000x32xf32>
    %slice3A_560 = vector.extract_strided_slice %get3A_4 {offsets = [8, 0], sizes = [1, 32], strides = [1, 1]} : vector<16x32xf32> to vector<1x32xf32>
    %add3A_561 = vector.broadcast %slice3A_560 : vector<1x32xf32> to vector<2000x32xf32>
    %add3A_562 = arith.addf %add3A_559, %add3A_561 : vector<2000x32xf32>
    %slice3A_563 = vector.extract_strided_slice %get3A_7 {offsets = [0, 0], sizes = [32, 32], strides = [1, 1]} : vector<96x32xf32> to vector<32x32xf32>
    %dot_general3A_564 = arith.constant dense<0.000000e+00> : vector<2000x32xf32>
    %dot_general3A_565 = tpu.matmul %add3A_520, %slice3A_563, %dot_general3A_564 {dimension_numbers = #tpu.dot_dimension_numbers<[1], [0], [0], [1], [0, 0, 1, 1], [], []>, transpose_lhs_hint = false} : vector<2000x32xf32>, vector<32x32xf32>, vector<2000x32xf32> -> vector<2000x32xf32>
    %add3A_566 = arith.addf %add3A_538, %dot_general3A_565 : vector<2000x32xf32>
    %logistic3A_567 = arith.negf %add3A_566 : vector<2000x32xf32>
    %logistic3A_568 = math.exp %logistic3A_567 : vector<2000x32xf32>
    %logistic3A_569 = arith.constant 1.000000e+00 : f32
    %logistic3A_570 = vector.broadcast %logistic3A_569 : f32 to vector<2000x32xf32>
    %logistic3A_571 = arith.addf %logistic3A_570, %logistic3A_568 : vector<2000x32xf32>
    %logistic3A_572 = arith.divf %logistic3A_570, %logistic3A_571 : vector<2000x32xf32>
    %slice3A_573 = vector.extract_strided_slice %get3A_7 {offsets = [32, 0], sizes = [32, 32], strides = [1, 1]} : vector<96x32xf32> to vector<32x32xf32>
    %dot_general3A_574 = arith.constant dense<0.000000e+00> : vector<2000x32xf32>
    %dot_general3A_575 = tpu.matmul %add3A_520, %slice3A_573, %dot_general3A_574 {dimension_numbers = #tpu.dot_dimension_numbers<[1], [0], [0], [1], [0, 0, 1, 1], [], []>, transpose_lhs_hint = false} : vector<2000x32xf32>, vector<32x32xf32>, vector<2000x32xf32> -> vector<2000x32xf32>
    %add3A_576 = arith.addf %add3A_550, %dot_general3A_575 : vector<2000x32xf32>
    %logistic3A_577 = arith.negf %add3A_576 : vector<2000x32xf32>
    %logistic3A_578 = math.exp %logistic3A_577 : vector<2000x32xf32>
    %logistic3A_579 = arith.constant 1.000000e+00 : f32
    %logistic3A_580 = vector.broadcast %logistic3A_579 : f32 to vector<2000x32xf32>
    %logistic3A_581 = arith.addf %logistic3A_580, %logistic3A_578 : vector<2000x32xf32>
    %logistic3A_582 = arith.divf %logistic3A_580, %logistic3A_581 : vector<2000x32xf32>
    %mul3A_583 = arith.mulf %add3A_520, %logistic3A_582 : vector<2000x32xf32>
    %slice3A_584 = vector.extract_strided_slice %get3A_7 {offsets = [64, 0], sizes = [32, 32], strides = [1, 1]} : vector<96x32xf32> to vector<32x32xf32>
    %dot_general3A_585 = arith.constant dense<0.000000e+00> : vector<2000x32xf32>
    %dot_general3A_586 = tpu.matmul %mul3A_583, %slice3A_584, %dot_general3A_585 {dimension_numbers = #tpu.dot_dimension_numbers<[1], [0], [0], [1], [0, 0, 1, 1], [], []>, transpose_lhs_hint = false} : vector<2000x32xf32>, vector<32x32xf32>, vector<2000x32xf32> -> vector<2000x32xf32>
    %add3A_587 = arith.addf %add3A_562, %dot_general3A_586 : vector<2000x32xf32>
    %tanh3A_588 = math.tanh %add3A_587 : vector<2000x32xf32>
    %mul3A_589 = arith.mulf %logistic3A_572, %add3A_520 : vector<2000x32xf32>
    %sub3A_590 = arith.constant 1.000000e+00 : f32
    %sub3A_591 = vector.broadcast %sub3A_590 : f32 to vector<2000x32xf32>
    %sub3A_592 = arith.subf %sub3A_591, %logistic3A_572 : vector<2000x32xf32>
    %mul3A_593 = arith.mulf %sub3A_592, %tanh3A_588 : vector<2000x32xf32>
    %add3A_594 = arith.addf %mul3A_589, %mul3A_593 : vector<2000x32xf32>
    %slice3A_595 = vector.extract_strided_slice %get3A_4 {offsets = [9, 7], sizes = [1, 1], strides = [1, 1]} : vector<16x32xf32> to vector<1x1xf32>
    %mul3A_596 = vector.broadcast %slice3A_595 : vector<1x1xf32> to vector<2000x32xf32>
    %mul3A_597 = arith.mulf %mul3A_596, %add3A_594 : vector<2000x32xf32>
    %add3A_598 = arith.addf %add3A_524, %mul3A_597 : vector<2000x32xf32>
    %slice3A_599 = vector.extract_strided_slice %get3A_1 {offsets = [0, 16], sizes = [2000, 1], strides = [1, 1]} : vector<2000x24xf32> to vector<2000x1xf32>
    %slice3A_600 = vector.extract_strided_slice %get3A_1 {offsets = [0, 17], sizes = [2000, 1], strides = [1, 1]} : vector<2000x24xf32> to vector<2000x1xf32>
    %slice3A_601 = vector.extract_strided_slice %get3A_4 {offsets = [0, 0], sizes = [1, 32], strides = [1, 1]} : vector<16x32xf32> to vector<1x32xf32>
    %mul3A_602 = vector.broadcast %slice3A_599 : vector<2000x1xf32> to vector<2000x32xf32>
    %mul3A_603 = vector.broadcast %slice3A_601 : vector<1x32xf32> to vector<2000x32xf32>
    %mul3A_604 = arith.mulf %mul3A_602, %mul3A_603 : vector<2000x32xf32>
    %slice3A_605 = vector.extract_strided_slice %get3A_4 {offsets = [1, 0], sizes = [1, 32], strides = [1, 1]} : vector<16x32xf32> to vector<1x32xf32>
    %mul3A_606 = vector.broadcast %slice3A_600 : vector<2000x1xf32> to vector<2000x32xf32>
    %mul3A_607 = vector.broadcast %slice3A_605 : vector<1x32xf32> to vector<2000x32xf32>
    %mul3A_608 = arith.mulf %mul3A_606, %mul3A_607 : vector<2000x32xf32>
    %add3A_609 = arith.addf %mul3A_604, %mul3A_608 : vector<2000x32xf32>
    %slice3A_610 = vector.extract_strided_slice %get3A_4 {offsets = [6, 0], sizes = [1, 32], strides = [1, 1]} : vector<16x32xf32> to vector<1x32xf32>
    %add3A_611 = vector.broadcast %slice3A_610 : vector<1x32xf32> to vector<2000x32xf32>
    %add3A_612 = arith.addf %add3A_609, %add3A_611 : vector<2000x32xf32>
    %slice3A_613 = vector.extract_strided_slice %get3A_4 {offsets = [2, 0], sizes = [1, 32], strides = [1, 1]} : vector<16x32xf32> to vector<1x32xf32>
    %mul3A_614 = vector.broadcast %slice3A_599 : vector<2000x1xf32> to vector<2000x32xf32>
    %mul3A_615 = vector.broadcast %slice3A_613 : vector<1x32xf32> to vector<2000x32xf32>
    %mul3A_616 = arith.mulf %mul3A_614, %mul3A_615 : vector<2000x32xf32>
    %slice3A_617 = vector.extract_strided_slice %get3A_4 {offsets = [3, 0], sizes = [1, 32], strides = [1, 1]} : vector<16x32xf32> to vector<1x32xf32>
    %mul3A_618 = vector.broadcast %slice3A_600 : vector<2000x1xf32> to vector<2000x32xf32>
    %mul3A_619 = vector.broadcast %slice3A_617 : vector<1x32xf32> to vector<2000x32xf32>
    %mul3A_620 = arith.mulf %mul3A_618, %mul3A_619 : vector<2000x32xf32>
    %add3A_621 = arith.addf %mul3A_616, %mul3A_620 : vector<2000x32xf32>
    %slice3A_622 = vector.extract_strided_slice %get3A_4 {offsets = [7, 0], sizes = [1, 32], strides = [1, 1]} : vector<16x32xf32> to vector<1x32xf32>
    %add3A_623 = vector.broadcast %slice3A_622 : vector<1x32xf32> to vector<2000x32xf32>
    %add3A_624 = arith.addf %add3A_621, %add3A_623 : vector<2000x32xf32>
    %slice3A_625 = vector.extract_strided_slice %get3A_4 {offsets = [4, 0], sizes = [1, 32], strides = [1, 1]} : vector<16x32xf32> to vector<1x32xf32>
    %mul3A_626 = vector.broadcast %slice3A_599 : vector<2000x1xf32> to vector<2000x32xf32>
    %mul3A_627 = vector.broadcast %slice3A_625 : vector<1x32xf32> to vector<2000x32xf32>
    %mul3A_628 = arith.mulf %mul3A_626, %mul3A_627 : vector<2000x32xf32>
    %slice3A_629 = vector.extract_strided_slice %get3A_4 {offsets = [5, 0], sizes = [1, 32], strides = [1, 1]} : vector<16x32xf32> to vector<1x32xf32>
    %mul3A_630 = vector.broadcast %slice3A_600 : vector<2000x1xf32> to vector<2000x32xf32>
    %mul3A_631 = vector.broadcast %slice3A_629 : vector<1x32xf32> to vector<2000x32xf32>
    %mul3A_632 = arith.mulf %mul3A_630, %mul3A_631 : vector<2000x32xf32>
    %add3A_633 = arith.addf %mul3A_628, %mul3A_632 : vector<2000x32xf32>
    %slice3A_634 = vector.extract_strided_slice %get3A_4 {offsets = [8, 0], sizes = [1, 32], strides = [1, 1]} : vector<16x32xf32> to vector<1x32xf32>
    %add3A_635 = vector.broadcast %slice3A_634 : vector<1x32xf32> to vector<2000x32xf32>
    %add3A_636 = arith.addf %add3A_633, %add3A_635 : vector<2000x32xf32>
    %slice3A_637 = vector.extract_strided_slice %get3A_7 {offsets = [0, 0], sizes = [32, 32], strides = [1, 1]} : vector<96x32xf32> to vector<32x32xf32>
    %dot_general3A_638 = arith.constant dense<0.000000e+00> : vector<2000x32xf32>
    %dot_general3A_639 = tpu.matmul %add3A_594, %slice3A_637, %dot_general3A_638 {dimension_numbers = #tpu.dot_dimension_numbers<[1], [0], [0], [1], [0, 0, 1, 1], [], []>, transpose_lhs_hint = false} : vector<2000x32xf32>, vector<32x32xf32>, vector<2000x32xf32> -> vector<2000x32xf32>
    %add3A_640 = arith.addf %add3A_612, %dot_general3A_639 : vector<2000x32xf32>
    %logistic3A_641 = arith.negf %add3A_640 : vector<2000x32xf32>
    %logistic3A_642 = math.exp %logistic3A_641 : vector<2000x32xf32>
    %logistic3A_643 = arith.constant 1.000000e+00 : f32
    %logistic3A_644 = vector.broadcast %logistic3A_643 : f32 to vector<2000x32xf32>
    %logistic3A_645 = arith.addf %logistic3A_644, %logistic3A_642 : vector<2000x32xf32>
    %logistic3A_646 = arith.divf %logistic3A_644, %logistic3A_645 : vector<2000x32xf32>
    %slice3A_647 = vector.extract_strided_slice %get3A_7 {offsets = [32, 0], sizes = [32, 32], strides = [1, 1]} : vector<96x32xf32> to vector<32x32xf32>
    %dot_general3A_648 = arith.constant dense<0.000000e+00> : vector<2000x32xf32>
    %dot_general3A_649 = tpu.matmul %add3A_594, %slice3A_647, %dot_general3A_648 {dimension_numbers = #tpu.dot_dimension_numbers<[1], [0], [0], [1], [0, 0, 1, 1], [], []>, transpose_lhs_hint = false} : vector<2000x32xf32>, vector<32x32xf32>, vector<2000x32xf32> -> vector<2000x32xf32>
    %add3A_650 = arith.addf %add3A_624, %dot_general3A_649 : vector<2000x32xf32>
    %logistic3A_651 = arith.negf %add3A_650 : vector<2000x32xf32>
    %logistic3A_652 = math.exp %logistic3A_651 : vector<2000x32xf32>
    %logistic3A_653 = arith.constant 1.000000e+00 : f32
    %logistic3A_654 = vector.broadcast %logistic3A_653 : f32 to vector<2000x32xf32>
    %logistic3A_655 = arith.addf %logistic3A_654, %logistic3A_652 : vector<2000x32xf32>
    %logistic3A_656 = arith.divf %logistic3A_654, %logistic3A_655 : vector<2000x32xf32>
    %mul3A_657 = arith.mulf %add3A_594, %logistic3A_656 : vector<2000x32xf32>
    %slice3A_658 = vector.extract_strided_slice %get3A_7 {offsets = [64, 0], sizes = [32, 32], strides = [1, 1]} : vector<96x32xf32> to vector<32x32xf32>
    %dot_general3A_659 = arith.constant dense<0.000000e+00> : vector<2000x32xf32>
    %dot_general3A_660 = tpu.matmul %mul3A_657, %slice3A_658, %dot_general3A_659 {dimension_numbers = #tpu.dot_dimension_numbers<[1], [0], [0], [1], [0, 0, 1, 1], [], []>, transpose_lhs_hint = false} : vector<2000x32xf32>, vector<32x32xf32>, vector<2000x32xf32> -> vector<2000x32xf32>
    %add3A_661 = arith.addf %add3A_636, %dot_general3A_660 : vector<2000x32xf32>
    %tanh3A_662 = math.tanh %add3A_661 : vector<2000x32xf32>
    %mul3A_663 = arith.mulf %logistic3A_646, %add3A_594 : vector<2000x32xf32>
    %sub3A_664 = arith.constant 1.000000e+00 : f32
    %sub3A_665 = vector.broadcast %sub3A_664 : f32 to vector<2000x32xf32>
    %sub3A_666 = arith.subf %sub3A_665, %logistic3A_646 : vector<2000x32xf32>
    %mul3A_667 = arith.mulf %sub3A_666, %tanh3A_662 : vector<2000x32xf32>
    %add3A_668 = arith.addf %mul3A_663, %mul3A_667 : vector<2000x32xf32>
    %slice3A_669 = vector.extract_strided_slice %get3A_4 {offsets = [9, 8], sizes = [1, 1], strides = [1, 1]} : vector<16x32xf32> to vector<1x1xf32>
    %mul3A_670 = vector.broadcast %slice3A_669 : vector<1x1xf32> to vector<2000x32xf32>
    %mul3A_671 = arith.mulf %mul3A_670, %add3A_668 : vector<2000x32xf32>
    %add3A_672 = arith.addf %add3A_598, %mul3A_671 : vector<2000x32xf32>
    %slice3A_673 = vector.extract_strided_slice %get3A_1 {offsets = [0, 18], sizes = [2000, 1], strides = [1, 1]} : vector<2000x24xf32> to vector<2000x1xf32>
    %slice3A_674 = vector.extract_strided_slice %get3A_1 {offsets = [0, 19], sizes = [2000, 1], strides = [1, 1]} : vector<2000x24xf32> to vector<2000x1xf32>
    %slice3A_675 = vector.extract_strided_slice %get3A_4 {offsets = [0, 0], sizes = [1, 32], strides = [1, 1]} : vector<16x32xf32> to vector<1x32xf32>
    %mul3A_676 = vector.broadcast %slice3A_673 : vector<2000x1xf32> to vector<2000x32xf32>
    %mul3A_677 = vector.broadcast %slice3A_675 : vector<1x32xf32> to vector<2000x32xf32>
    %mul3A_678 = arith.mulf %mul3A_676, %mul3A_677 : vector<2000x32xf32>
    %slice3A_679 = vector.extract_strided_slice %get3A_4 {offsets = [1, 0], sizes = [1, 32], strides = [1, 1]} : vector<16x32xf32> to vector<1x32xf32>
    %mul3A_680 = vector.broadcast %slice3A_674 : vector<2000x1xf32> to vector<2000x32xf32>
    %mul3A_681 = vector.broadcast %slice3A_679 : vector<1x32xf32> to vector<2000x32xf32>
    %mul3A_682 = arith.mulf %mul3A_680, %mul3A_681 : vector<2000x32xf32>
    %add3A_683 = arith.addf %mul3A_678, %mul3A_682 : vector<2000x32xf32>
    %slice3A_684 = vector.extract_strided_slice %get3A_4 {offsets = [6, 0], sizes = [1, 32], strides = [1, 1]} : vector<16x32xf32> to vector<1x32xf32>
    %add3A_685 = vector.broadcast %slice3A_684 : vector<1x32xf32> to vector<2000x32xf32>
    %add3A_686 = arith.addf %add3A_683, %add3A_685 : vector<2000x32xf32>
    %slice3A_687 = vector.extract_strided_slice %get3A_4 {offsets = [2, 0], sizes = [1, 32], strides = [1, 1]} : vector<16x32xf32> to vector<1x32xf32>
    %mul3A_688 = vector.broadcast %slice3A_673 : vector<2000x1xf32> to vector<2000x32xf32>
    %mul3A_689 = vector.broadcast %slice3A_687 : vector<1x32xf32> to vector<2000x32xf32>
    %mul3A_690 = arith.mulf %mul3A_688, %mul3A_689 : vector<2000x32xf32>
    %slice3A_691 = vector.extract_strided_slice %get3A_4 {offsets = [3, 0], sizes = [1, 32], strides = [1, 1]} : vector<16x32xf32> to vector<1x32xf32>
    %mul3A_692 = vector.broadcast %slice3A_674 : vector<2000x1xf32> to vector<2000x32xf32>
    %mul3A_693 = vector.broadcast %slice3A_691 : vector<1x32xf32> to vector<2000x32xf32>
    %mul3A_694 = arith.mulf %mul3A_692, %mul3A_693 : vector<2000x32xf32>
    %add3A_695 = arith.addf %mul3A_690, %mul3A_694 : vector<2000x32xf32>
    %slice3A_696 = vector.extract_strided_slice %get3A_4 {offsets = [7, 0], sizes = [1, 32], strides = [1, 1]} : vector<16x32xf32> to vector<1x32xf32>
    %add3A_697 = vector.broadcast %slice3A_696 : vector<1x32xf32> to vector<2000x32xf32>
    %add3A_698 = arith.addf %add3A_695, %add3A_697 : vector<2000x32xf32>
    %slice3A_699 = vector.extract_strided_slice %get3A_4 {offsets = [4, 0], sizes = [1, 32], strides = [1, 1]} : vector<16x32xf32> to vector<1x32xf32>
    %mul3A_700 = vector.broadcast %slice3A_673 : vector<2000x1xf32> to vector<2000x32xf32>
    %mul3A_701 = vector.broadcast %slice3A_699 : vector<1x32xf32> to vector<2000x32xf32>
    %mul3A_702 = arith.mulf %mul3A_700, %mul3A_701 : vector<2000x32xf32>
    %slice3A_703 = vector.extract_strided_slice %get3A_4 {offsets = [5, 0], sizes = [1, 32], strides = [1, 1]} : vector<16x32xf32> to vector<1x32xf32>
    %mul3A_704 = vector.broadcast %slice3A_674 : vector<2000x1xf32> to vector<2000x32xf32>
    %mul3A_705 = vector.broadcast %slice3A_703 : vector<1x32xf32> to vector<2000x32xf32>
    %mul3A_706 = arith.mulf %mul3A_704, %mul3A_705 : vector<2000x32xf32>
    %add3A_707 = arith.addf %mul3A_702, %mul3A_706 : vector<2000x32xf32>
    %slice3A_708 = vector.extract_strided_slice %get3A_4 {offsets = [8, 0], sizes = [1, 32], strides = [1, 1]} : vector<16x32xf32> to vector<1x32xf32>
    %add3A_709 = vector.broadcast %slice3A_708 : vector<1x32xf32> to vector<2000x32xf32>
    %add3A_710 = arith.addf %add3A_707, %add3A_709 : vector<2000x32xf32>
    %slice3A_711 = vector.extract_strided_slice %get3A_7 {offsets = [0, 0], sizes = [32, 32], strides = [1, 1]} : vector<96x32xf32> to vector<32x32xf32>
    %dot_general3A_712 = arith.constant dense<0.000000e+00> : vector<2000x32xf32>
    %dot_general3A_713 = tpu.matmul %add3A_668, %slice3A_711, %dot_general3A_712 {dimension_numbers = #tpu.dot_dimension_numbers<[1], [0], [0], [1], [0, 0, 1, 1], [], []>, transpose_lhs_hint = false} : vector<2000x32xf32>, vector<32x32xf32>, vector<2000x32xf32> -> vector<2000x32xf32>
    %add3A_714 = arith.addf %add3A_686, %dot_general3A_713 : vector<2000x32xf32>
    %logistic3A_715 = arith.negf %add3A_714 : vector<2000x32xf32>
    %logistic3A_716 = math.exp %logistic3A_715 : vector<2000x32xf32>
    %logistic3A_717 = arith.constant 1.000000e+00 : f32
    %logistic3A_718 = vector.broadcast %logistic3A_717 : f32 to vector<2000x32xf32>
    %logistic3A_719 = arith.addf %logistic3A_718, %logistic3A_716 : vector<2000x32xf32>
    %logistic3A_720 = arith.divf %logistic3A_718, %logistic3A_719 : vector<2000x32xf32>
    %slice3A_721 = vector.extract_strided_slice %get3A_7 {offsets = [32, 0], sizes = [32, 32], strides = [1, 1]} : vector<96x32xf32> to vector<32x32xf32>
    %dot_general3A_722 = arith.constant dense<0.000000e+00> : vector<2000x32xf32>
    %dot_general3A_723 = tpu.matmul %add3A_668, %slice3A_721, %dot_general3A_722 {dimension_numbers = #tpu.dot_dimension_numbers<[1], [0], [0], [1], [0, 0, 1, 1], [], []>, transpose_lhs_hint = false} : vector<2000x32xf32>, vector<32x32xf32>, vector<2000x32xf32> -> vector<2000x32xf32>
    %add3A_724 = arith.addf %add3A_698, %dot_general3A_723 : vector<2000x32xf32>
    %logistic3A_725 = arith.negf %add3A_724 : vector<2000x32xf32>
    %logistic3A_726 = math.exp %logistic3A_725 : vector<2000x32xf32>
    %logistic3A_727 = arith.constant 1.000000e+00 : f32
    %logistic3A_728 = vector.broadcast %logistic3A_727 : f32 to vector<2000x32xf32>
    %logistic3A_729 = arith.addf %logistic3A_728, %logistic3A_726 : vector<2000x32xf32>
    %logistic3A_730 = arith.divf %logistic3A_728, %logistic3A_729 : vector<2000x32xf32>
    %mul3A_731 = arith.mulf %add3A_668, %logistic3A_730 : vector<2000x32xf32>
    %slice3A_732 = vector.extract_strided_slice %get3A_7 {offsets = [64, 0], sizes = [32, 32], strides = [1, 1]} : vector<96x32xf32> to vector<32x32xf32>
    %dot_general3A_733 = arith.constant dense<0.000000e+00> : vector<2000x32xf32>
    %dot_general3A_734 = tpu.matmul %mul3A_731, %slice3A_732, %dot_general3A_733 {dimension_numbers = #tpu.dot_dimension_numbers<[1], [0], [0], [1], [0, 0, 1, 1], [], []>, transpose_lhs_hint = false} : vector<2000x32xf32>, vector<32x32xf32>, vector<2000x32xf32> -> vector<2000x32xf32>
    %add3A_735 = arith.addf %add3A_710, %dot_general3A_734 : vector<2000x32xf32>
    %tanh3A_736 = math.tanh %add3A_735 : vector<2000x32xf32>
    %mul3A_737 = arith.mulf %logistic3A_720, %add3A_668 : vector<2000x32xf32>
    %sub3A_738 = arith.constant 1.000000e+00 : f32
    %sub3A_739 = vector.broadcast %sub3A_738 : f32 to vector<2000x32xf32>
    %sub3A_740 = arith.subf %sub3A_739, %logistic3A_720 : vector<2000x32xf32>
    %mul3A_741 = arith.mulf %sub3A_740, %tanh3A_736 : vector<2000x32xf32>
    %add3A_742 = arith.addf %mul3A_737, %mul3A_741 : vector<2000x32xf32>
    %slice3A_743 = vector.extract_strided_slice %get3A_4 {offsets = [9, 9], sizes = [1, 1], strides = [1, 1]} : vector<16x32xf32> to vector<1x1xf32>
    %mul3A_744 = vector.broadcast %slice3A_743 : vector<1x1xf32> to vector<2000x32xf32>
    %mul3A_745 = arith.mulf %mul3A_744, %add3A_742 : vector<2000x32xf32>
    %add3A_746 = arith.addf %add3A_672, %mul3A_745 : vector<2000x32xf32>
    %slice3A_747 = vector.extract_strided_slice %get3A_1 {offsets = [0, 20], sizes = [2000, 1], strides = [1, 1]} : vector<2000x24xf32> to vector<2000x1xf32>
    %slice3A_748 = vector.extract_strided_slice %get3A_1 {offsets = [0, 21], sizes = [2000, 1], strides = [1, 1]} : vector<2000x24xf32> to vector<2000x1xf32>
    %slice3A_749 = vector.extract_strided_slice %get3A_4 {offsets = [0, 0], sizes = [1, 32], strides = [1, 1]} : vector<16x32xf32> to vector<1x32xf32>
    %mul3A_750 = vector.broadcast %slice3A_747 : vector<2000x1xf32> to vector<2000x32xf32>
    %mul3A_751 = vector.broadcast %slice3A_749 : vector<1x32xf32> to vector<2000x32xf32>
    %mul3A_752 = arith.mulf %mul3A_750, %mul3A_751 : vector<2000x32xf32>
    %slice3A_753 = vector.extract_strided_slice %get3A_4 {offsets = [1, 0], sizes = [1, 32], strides = [1, 1]} : vector<16x32xf32> to vector<1x32xf32>
    %mul3A_754 = vector.broadcast %slice3A_748 : vector<2000x1xf32> to vector<2000x32xf32>
    %mul3A_755 = vector.broadcast %slice3A_753 : vector<1x32xf32> to vector<2000x32xf32>
    %mul3A_756 = arith.mulf %mul3A_754, %mul3A_755 : vector<2000x32xf32>
    %add3A_757 = arith.addf %mul3A_752, %mul3A_756 : vector<2000x32xf32>
    %slice3A_758 = vector.extract_strided_slice %get3A_4 {offsets = [6, 0], sizes = [1, 32], strides = [1, 1]} : vector<16x32xf32> to vector<1x32xf32>
    %add3A_759 = vector.broadcast %slice3A_758 : vector<1x32xf32> to vector<2000x32xf32>
    %add3A_760 = arith.addf %add3A_757, %add3A_759 : vector<2000x32xf32>
    %slice3A_761 = vector.extract_strided_slice %get3A_4 {offsets = [2, 0], sizes = [1, 32], strides = [1, 1]} : vector<16x32xf32> to vector<1x32xf32>
    %mul3A_762 = vector.broadcast %slice3A_747 : vector<2000x1xf32> to vector<2000x32xf32>
    %mul3A_763 = vector.broadcast %slice3A_761 : vector<1x32xf32> to vector<2000x32xf32>
    %mul3A_764 = arith.mulf %mul3A_762, %mul3A_763 : vector<2000x32xf32>
    %slice3A_765 = vector.extract_strided_slice %get3A_4 {offsets = [3, 0], sizes = [1, 32], strides = [1, 1]} : vector<16x32xf32> to vector<1x32xf32>
    %mul3A_766 = vector.broadcast %slice3A_748 : vector<2000x1xf32> to vector<2000x32xf32>
    %mul3A_767 = vector.broadcast %slice3A_765 : vector<1x32xf32> to vector<2000x32xf32>
    %mul3A_768 = arith.mulf %mul3A_766, %mul3A_767 : vector<2000x32xf32>
    %add3A_769 = arith.addf %mul3A_764, %mul3A_768 : vector<2000x32xf32>
    %slice3A_770 = vector.extract_strided_slice %get3A_4 {offsets = [7, 0], sizes = [1, 32], strides = [1, 1]} : vector<16x32xf32> to vector<1x32xf32>
    %add3A_771 = vector.broadcast %slice3A_770 : vector<1x32xf32> to vector<2000x32xf32>
    %add3A_772 = arith.addf %add3A_769, %add3A_771 : vector<2000x32xf32>
    %slice3A_773 = vector.extract_strided_slice %get3A_4 {offsets = [4, 0], sizes = [1, 32], strides = [1, 1]} : vector<16x32xf32> to vector<1x32xf32>
    %mul3A_774 = vector.broadcast %slice3A_747 : vector<2000x1xf32> to vector<2000x32xf32>
    %mul3A_775 = vector.broadcast %slice3A_773 : vector<1x32xf32> to vector<2000x32xf32>
    %mul3A_776 = arith.mulf %mul3A_774, %mul3A_775 : vector<2000x32xf32>
    %slice3A_777 = vector.extract_strided_slice %get3A_4 {offsets = [5, 0], sizes = [1, 32], strides = [1, 1]} : vector<16x32xf32> to vector<1x32xf32>
    %mul3A_778 = vector.broadcast %slice3A_748 : vector<2000x1xf32> to vector<2000x32xf32>
    %mul3A_779 = vector.broadcast %slice3A_777 : vector<1x32xf32> to vector<2000x32xf32>
    %mul3A_780 = arith.mulf %mul3A_778, %mul3A_779 : vector<2000x32xf32>
    %add3A_781 = arith.addf %mul3A_776, %mul3A_780 : vector<2000x32xf32>
    %slice3A_782 = vector.extract_strided_slice %get3A_4 {offsets = [8, 0], sizes = [1, 32], strides = [1, 1]} : vector<16x32xf32> to vector<1x32xf32>
    %add3A_783 = vector.broadcast %slice3A_782 : vector<1x32xf32> to vector<2000x32xf32>
    %add3A_784 = arith.addf %add3A_781, %add3A_783 : vector<2000x32xf32>
    %slice3A_785 = vector.extract_strided_slice %get3A_7 {offsets = [0, 0], sizes = [32, 32], strides = [1, 1]} : vector<96x32xf32> to vector<32x32xf32>
    %dot_general3A_786 = arith.constant dense<0.000000e+00> : vector<2000x32xf32>
    %dot_general3A_787 = tpu.matmul %add3A_742, %slice3A_785, %dot_general3A_786 {dimension_numbers = #tpu.dot_dimension_numbers<[1], [0], [0], [1], [0, 0, 1, 1], [], []>, transpose_lhs_hint = false} : vector<2000x32xf32>, vector<32x32xf32>, vector<2000x32xf32> -> vector<2000x32xf32>
    %add3A_788 = arith.addf %add3A_760, %dot_general3A_787 : vector<2000x32xf32>
    %logistic3A_789 = arith.negf %add3A_788 : vector<2000x32xf32>
    %logistic3A_790 = math.exp %logistic3A_789 : vector<2000x32xf32>
    %logistic3A_791 = arith.constant 1.000000e+00 : f32
    %logistic3A_792 = vector.broadcast %logistic3A_791 : f32 to vector<2000x32xf32>
    %logistic3A_793 = arith.addf %logistic3A_792, %logistic3A_790 : vector<2000x32xf32>
    %logistic3A_794 = arith.divf %logistic3A_792, %logistic3A_793 : vector<2000x32xf32>
    %slice3A_795 = vector.extract_strided_slice %get3A_7 {offsets = [32, 0], sizes = [32, 32], strides = [1, 1]} : vector<96x32xf32> to vector<32x32xf32>
    %dot_general3A_796 = arith.constant dense<0.000000e+00> : vector<2000x32xf32>
    %dot_general3A_797 = tpu.matmul %add3A_742, %slice3A_795, %dot_general3A_796 {dimension_numbers = #tpu.dot_dimension_numbers<[1], [0], [0], [1], [0, 0, 1, 1], [], []>, transpose_lhs_hint = false} : vector<2000x32xf32>, vector<32x32xf32>, vector<2000x32xf32> -> vector<2000x32xf32>
    %add3A_798 = arith.addf %add3A_772, %dot_general3A_797 : vector<2000x32xf32>
    %logistic3A_799 = arith.negf %add3A_798 : vector<2000x32xf32>
    %logistic3A_800 = math.exp %logistic3A_799 : vector<2000x32xf32>
    %logistic3A_801 = arith.constant 1.000000e+00 : f32
    %logistic3A_802 = vector.broadcast %logistic3A_801 : f32 to vector<2000x32xf32>
    %logistic3A_803 = arith.addf %logistic3A_802, %logistic3A_800 : vector<2000x32xf32>
    %logistic3A_804 = arith.divf %logistic3A_802, %logistic3A_803 : vector<2000x32xf32>
    %mul3A_805 = arith.mulf %add3A_742, %logistic3A_804 : vector<2000x32xf32>
    %slice3A_806 = vector.extract_strided_slice %get3A_7 {offsets = [64, 0], sizes = [32, 32], strides = [1, 1]} : vector<96x32xf32> to vector<32x32xf32>
    %dot_general3A_807 = arith.constant dense<0.000000e+00> : vector<2000x32xf32>
    %dot_general3A_808 = tpu.matmul %mul3A_805, %slice3A_806, %dot_general3A_807 {dimension_numbers = #tpu.dot_dimension_numbers<[1], [0], [0], [1], [0, 0, 1, 1], [], []>, transpose_lhs_hint = false} : vector<2000x32xf32>, vector<32x32xf32>, vector<2000x32xf32> -> vector<2000x32xf32>
    %add3A_809 = arith.addf %add3A_784, %dot_general3A_808 : vector<2000x32xf32>
    %tanh3A_810 = math.tanh %add3A_809 : vector<2000x32xf32>
    %mul3A_811 = arith.mulf %logistic3A_794, %add3A_742 : vector<2000x32xf32>
    %sub3A_812 = arith.constant 1.000000e+00 : f32
    %sub3A_813 = vector.broadcast %sub3A_812 : f32 to vector<2000x32xf32>
    %sub3A_814 = arith.subf %sub3A_813, %logistic3A_794 : vector<2000x32xf32>
    %mul3A_815 = arith.mulf %sub3A_814, %tanh3A_810 : vector<2000x32xf32>
    %add3A_816 = arith.addf %mul3A_811, %mul3A_815 : vector<2000x32xf32>
    %slice3A_817 = vector.extract_strided_slice %get3A_4 {offsets = [9, 10], sizes = [1, 1], strides = [1, 1]} : vector<16x32xf32> to vector<1x1xf32>
    %mul3A_818 = vector.broadcast %slice3A_817 : vector<1x1xf32> to vector<2000x32xf32>
    %mul3A_819 = arith.mulf %mul3A_818, %add3A_816 : vector<2000x32xf32>
    %add3A_820 = arith.addf %add3A_746, %mul3A_819 : vector<2000x32xf32>
    %slice3A_821 = vector.extract_strided_slice %get3A_1 {offsets = [0, 22], sizes = [2000, 1], strides = [1, 1]} : vector<2000x24xf32> to vector<2000x1xf32>
    %slice3A_822 = vector.extract_strided_slice %get3A_1 {offsets = [0, 23], sizes = [2000, 1], strides = [1, 1]} : vector<2000x24xf32> to vector<2000x1xf32>
    %slice3A_823 = vector.extract_strided_slice %get3A_4 {offsets = [0, 0], sizes = [1, 32], strides = [1, 1]} : vector<16x32xf32> to vector<1x32xf32>
    %mul3A_824 = vector.broadcast %slice3A_821 : vector<2000x1xf32> to vector<2000x32xf32>
    %mul3A_825 = vector.broadcast %slice3A_823 : vector<1x32xf32> to vector<2000x32xf32>
    %mul3A_826 = arith.mulf %mul3A_824, %mul3A_825 : vector<2000x32xf32>
    %slice3A_827 = vector.extract_strided_slice %get3A_4 {offsets = [1, 0], sizes = [1, 32], strides = [1, 1]} : vector<16x32xf32> to vector<1x32xf32>
    %mul3A_828 = vector.broadcast %slice3A_822 : vector<2000x1xf32> to vector<2000x32xf32>
    %mul3A_829 = vector.broadcast %slice3A_827 : vector<1x32xf32> to vector<2000x32xf32>
    %mul3A_830 = arith.mulf %mul3A_828, %mul3A_829 : vector<2000x32xf32>
    %add3A_831 = arith.addf %mul3A_826, %mul3A_830 : vector<2000x32xf32>
    %slice3A_832 = vector.extract_strided_slice %get3A_4 {offsets = [6, 0], sizes = [1, 32], strides = [1, 1]} : vector<16x32xf32> to vector<1x32xf32>
    %add3A_833 = vector.broadcast %slice3A_832 : vector<1x32xf32> to vector<2000x32xf32>
    %add3A_834 = arith.addf %add3A_831, %add3A_833 : vector<2000x32xf32>
    %slice3A_835 = vector.extract_strided_slice %get3A_4 {offsets = [2, 0], sizes = [1, 32], strides = [1, 1]} : vector<16x32xf32> to vector<1x32xf32>
    %mul3A_836 = vector.broadcast %slice3A_821 : vector<2000x1xf32> to vector<2000x32xf32>
    %mul3A_837 = vector.broadcast %slice3A_835 : vector<1x32xf32> to vector<2000x32xf32>
    %mul3A_838 = arith.mulf %mul3A_836, %mul3A_837 : vector<2000x32xf32>
    %slice3A_839 = vector.extract_strided_slice %get3A_4 {offsets = [3, 0], sizes = [1, 32], strides = [1, 1]} : vector<16x32xf32> to vector<1x32xf32>
    %mul3A_840 = vector.broadcast %slice3A_822 : vector<2000x1xf32> to vector<2000x32xf32>
    %mul3A_841 = vector.broadcast %slice3A_839 : vector<1x32xf32> to vector<2000x32xf32>
    %mul3A_842 = arith.mulf %mul3A_840, %mul3A_841 : vector<2000x32xf32>
    %add3A_843 = arith.addf %mul3A_838, %mul3A_842 : vector<2000x32xf32>
    %slice3A_844 = vector.extract_strided_slice %get3A_4 {offsets = [7, 0], sizes = [1, 32], strides = [1, 1]} : vector<16x32xf32> to vector<1x32xf32>
    %add3A_845 = vector.broadcast %slice3A_844 : vector<1x32xf32> to vector<2000x32xf32>
    %add3A_846 = arith.addf %add3A_843, %add3A_845 : vector<2000x32xf32>
    %slice3A_847 = vector.extract_strided_slice %get3A_4 {offsets = [4, 0], sizes = [1, 32], strides = [1, 1]} : vector<16x32xf32> to vector<1x32xf32>
    %mul3A_848 = vector.broadcast %slice3A_821 : vector<2000x1xf32> to vector<2000x32xf32>
    %mul3A_849 = vector.broadcast %slice3A_847 : vector<1x32xf32> to vector<2000x32xf32>
    %mul3A_850 = arith.mulf %mul3A_848, %mul3A_849 : vector<2000x32xf32>
    %slice3A_851 = vector.extract_strided_slice %get3A_4 {offsets = [5, 0], sizes = [1, 32], strides = [1, 1]} : vector<16x32xf32> to vector<1x32xf32>
    %mul3A_852 = vector.broadcast %slice3A_822 : vector<2000x1xf32> to vector<2000x32xf32>
    %mul3A_853 = vector.broadcast %slice3A_851 : vector<1x32xf32> to vector<2000x32xf32>
    %mul3A_854 = arith.mulf %mul3A_852, %mul3A_853 : vector<2000x32xf32>
    %add3A_855 = arith.addf %mul3A_850, %mul3A_854 : vector<2000x32xf32>
    %slice3A_856 = vector.extract_strided_slice %get3A_4 {offsets = [8, 0], sizes = [1, 32], strides = [1, 1]} : vector<16x32xf32> to vector<1x32xf32>
    %add3A_857 = vector.broadcast %slice3A_856 : vector<1x32xf32> to vector<2000x32xf32>
    %add3A_858 = arith.addf %add3A_855, %add3A_857 : vector<2000x32xf32>
    %slice3A_859 = vector.extract_strided_slice %get3A_7 {offsets = [0, 0], sizes = [32, 32], strides = [1, 1]} : vector<96x32xf32> to vector<32x32xf32>
    %dot_general3A_860 = arith.constant dense<0.000000e+00> : vector<2000x32xf32>
    %dot_general3A_861 = tpu.matmul %add3A_816, %slice3A_859, %dot_general3A_860 {dimension_numbers = #tpu.dot_dimension_numbers<[1], [0], [0], [1], [0, 0, 1, 1], [], []>, transpose_lhs_hint = false} : vector<2000x32xf32>, vector<32x32xf32>, vector<2000x32xf32> -> vector<2000x32xf32>
    %add3A_862 = arith.addf %add3A_834, %dot_general3A_861 : vector<2000x32xf32>
    %logistic3A_863 = arith.negf %add3A_862 : vector<2000x32xf32>
    %logistic3A_864 = math.exp %logistic3A_863 : vector<2000x32xf32>
    %logistic3A_865 = arith.constant 1.000000e+00 : f32
    %logistic3A_866 = vector.broadcast %logistic3A_865 : f32 to vector<2000x32xf32>
    %logistic3A_867 = arith.addf %logistic3A_866, %logistic3A_864 : vector<2000x32xf32>
    %logistic3A_868 = arith.divf %logistic3A_866, %logistic3A_867 : vector<2000x32xf32>
    %slice3A_869 = vector.extract_strided_slice %get3A_7 {offsets = [32, 0], sizes = [32, 32], strides = [1, 1]} : vector<96x32xf32> to vector<32x32xf32>
    %dot_general3A_870 = arith.constant dense<0.000000e+00> : vector<2000x32xf32>
    %dot_general3A_871 = tpu.matmul %add3A_816, %slice3A_869, %dot_general3A_870 {dimension_numbers = #tpu.dot_dimension_numbers<[1], [0], [0], [1], [0, 0, 1, 1], [], []>, transpose_lhs_hint = false} : vector<2000x32xf32>, vector<32x32xf32>, vector<2000x32xf32> -> vector<2000x32xf32>
    %add3A_872 = arith.addf %add3A_846, %dot_general3A_871 : vector<2000x32xf32>
    %logistic3A_873 = arith.negf %add3A_872 : vector<2000x32xf32>
    %logistic3A_874 = math.exp %logistic3A_873 : vector<2000x32xf32>
    %logistic3A_875 = arith.constant 1.000000e+00 : f32
    %logistic3A_876 = vector.broadcast %logistic3A_875 : f32 to vector<2000x32xf32>
    %logistic3A_877 = arith.addf %logistic3A_876, %logistic3A_874 : vector<2000x32xf32>
    %logistic3A_878 = arith.divf %logistic3A_876, %logistic3A_877 : vector<2000x32xf32>
    %mul3A_879 = arith.mulf %add3A_816, %logistic3A_878 : vector<2000x32xf32>
    %slice3A_880 = vector.extract_strided_slice %get3A_7 {offsets = [64, 0], sizes = [32, 32], strides = [1, 1]} : vector<96x32xf32> to vector<32x32xf32>
    %dot_general3A_881 = arith.constant dense<0.000000e+00> : vector<2000x32xf32>
    %dot_general3A_882 = tpu.matmul %mul3A_879, %slice3A_880, %dot_general3A_881 {dimension_numbers = #tpu.dot_dimension_numbers<[1], [0], [0], [1], [0, 0, 1, 1], [], []>, transpose_lhs_hint = false} : vector<2000x32xf32>, vector<32x32xf32>, vector<2000x32xf32> -> vector<2000x32xf32>
    %add3A_883 = arith.addf %add3A_858, %dot_general3A_882 : vector<2000x32xf32>
    %tanh3A_884 = math.tanh %add3A_883 : vector<2000x32xf32>
    %mul3A_885 = arith.mulf %logistic3A_868, %add3A_816 : vector<2000x32xf32>
    %sub3A_886 = arith.constant 1.000000e+00 : f32
    %sub3A_887 = vector.broadcast %sub3A_886 : f32 to vector<2000x32xf32>
    %sub3A_888 = arith.subf %sub3A_887, %logistic3A_868 : vector<2000x32xf32>
    %mul3A_889 = arith.mulf %sub3A_888, %tanh3A_884 : vector<2000x32xf32>
    %add3A_890 = arith.addf %mul3A_885, %mul3A_889 : vector<2000x32xf32>
    %slice3A_891 = vector.extract_strided_slice %get3A_4 {offsets = [9, 11], sizes = [1, 1], strides = [1, 1]} : vector<16x32xf32> to vector<1x1xf32>
    %mul3A_892 = vector.broadcast %slice3A_891 : vector<1x1xf32> to vector<2000x32xf32>
    %mul3A_893 = arith.mulf %mul3A_892, %add3A_890 : vector<2000x32xf32>
    %add3A_894 = arith.addf %add3A_820, %mul3A_893 : vector<2000x32xf32>
    %max3A = arith.constant 0.000000e+00 : f32
    %max3A_895 = vector.broadcast %max3A : f32 to vector<2000x32xf32>
    %max3A_896 = arith.maximumf %add3A_894, %max3A_895 : vector<2000x32xf32>
    %slice3A_897 = vector.extract_strided_slice %get3A_10 {offsets = [0, 0], sizes = [32, 12], strides = [1, 1]} : vector<40x12xf32> to vector<32x12xf32>
    %dot_general3A_898 = arith.constant dense<0.000000e+00> : vector<2000x12xf32>
    %dot_general3A_899 = tpu.matmul %max3A_896, %slice3A_897, %dot_general3A_898 {dimension_numbers = #tpu.dot_dimension_numbers<[1], [0], [0], [1], [0, 0, 1, 1], [], []>, transpose_lhs_hint = false} : vector<2000x32xf32>, vector<32x12xf32>, vector<2000x12xf32> -> vector<2000x12xf32>
    %slice3A_900 = vector.extract_strided_slice %get3A_10 {offsets = [32, 0], sizes = [1, 12], strides = [1, 1]} : vector<40x12xf32> to vector<1x12xf32>
    %add3A_901 = vector.broadcast %slice3A_900 : vector<1x12xf32> to vector<2000x12xf32>
    %add3A_902 = arith.addf %dot_general3A_899, %add3A_901 : vector<2000x12xf32>
    %swap3A = arith.constant 0 : index
    %swap3A_903 = arith.constant 0 : index
    %swap3A_904 = vector.load %arg5[%swap3A, %swap3A_903] : memref<2000x12xf32, #tpu.memory_space<vmem>>, vector<2000x12xf32>
    tpu.vector_store %arg5[%swap3A, %swap3A_903], %add3A_902 {strides = array<i32>} : memref<2000x12xf32, #tpu.memory_space<vmem>>, vector<2000x12xf32>,
    return
  }
  func.func @transform_0(%arg0: i32) -> (i32, i32) {
    %c0_i32 = arith.constant 0 : i32
    %c0_i32_0 = arith.constant 0 : i32
    return %arg0, %c0_i32 : i32, i32
  }
  func.func @transform_1(%arg0: i32) -> (i32, i32) {
    %c0_i32 = arith.constant 0 : i32
    %c0_i32_0 = arith.constant 0 : i32
    %c0_i32_1 = arith.constant 0 : i32
    return %c0_i32, %c0_i32_0 : i32, i32
  }
  func.func @transform_2(%arg0: i32) -> (i32, i32) {
    %c0_i32 = arith.constant 0 : i32
    %c0_i32_0 = arith.constant 0 : i32
    %c0_i32_1 = arith.constant 0 : i32
    return %c0_i32, %c0_i32_0 : i32, i32
  }
  func.func @transform_3(%arg0: i32) -> (i32, i32) {
    %c0_i32 = arith.constant 0 : i32
    %c0_i32_0 = arith.constant 0 : i32
    %c0_i32_1 = arith.constant 0 : i32
    return %c0_i32, %c0_i32_0 : i32, i32
  }
  func.func @transform_4(%arg0: i32) -> (i32, i32) {
    %c0_i32 = arith.constant 0 : i32
    %c0_i32_0 = arith.constant 0 : i32
    return %arg0, %c0_i32 : i32, i32
  }
}

</mosaic_0001>

<sc_bundles>
// kernel: scatter_offload_async_start.1
scs
__scs_entry_jumppad:
0x0: {  	(pc) =	sbr.rel $0x88, $3  }
0x1: {  	(tag) =	ssettag $0x0;
	lr =	simm.s32 $0x1  }
0x2: {  	[smem:$0x3F8F] =	sst lr;
	_ =	strace $0xD0000000  }
0x3: {  	_ = 	snop  }
0x4: {  	_ = 	snop  }
0x5: {  	_ = 	snop  }
0x6: {  	_ = 	snop  }
0x7: {  	_ = 	snop  }
__scs_overlays_trampoline_lowered:
0x8: {  	[smem:$0x3F9E] =	sst s0  }
0x9: {  	[smem:$0x3F9F] =	sst s1  }
0xa: {  	[smem:$0x3FA0] =	sst s2  }
0xb: {  	[smem:$0x3FA1] =	sst s3  }
0xc: {  	[smem:$0x3FA2] =	sst s4  }
0xd: {  	[smem:$0x3FA3] =	sst s5  }
0xe: {  	[smem:$0x3FA4] =	sst s6  }
0xf: {  	[smem:$0x3FA5] =	sst s7  }
0x10: {  	[smem:$0x3FA6] =	sst s8  }
0x11: {  	[smem:$0x3FA7] =	sst s9;
	s0 =	simm.s32 @!p0 $0x0  }
0x12: {  	s1 =	sld [smem:$0x3F8D];
	s0 =	simm.s32 @p0 $0x1  }
0x13: {  	[smem:$0x3FA8] =	sst s0;
	s0 =	simm.s32 @!p1 $0x0  }
0x14: {  	s2 =	sld [smem:$0x3F8C];
	s0 =	simm.s32 @p1 $0x1  }
0x15: {  	[smem:$0x3FA9] =	sst s0;
	s0 =	simm.s32 @!p2 $0x0  }
0x16: {  	s3 =	sld [smem:$0x3FDB];
	s0 =	simm.s32 @p2 $0x1  }
0x17: {  	s4 =	simm.s32 $0x1BF5;
	[smem:$0x3FAB] =	sst s0  }
0x18: {  	s0 =	sld [smem:$0x3F8E];
	_ =	swait.ge [sflag:s4], $0x0  }
0x19: {  	s7 =	sld [smem:$0x3F8F]  }
0x1a: {  	s8 =	sadd.s32 $0xFFFFE003, lr  }
0x1b: {  	s9 =	sadd.s32 $0xFFFFFEF7, lr;
	s5 =	simm.s32 $0xFFFFFFFF;
	p2 =	slt.u32 s8, $0xFFFFF086  }
0x1c: {  	p1 =	slt.u32 s9, $0xF7A;
	s5 =	simm.s32 @!p2 $0x0  }
0x1d: {  	s5 =	simm.s32 @p1 $0x1;
	p0 =	seq.s32 s7, s2  }
0x1e: {  	s7 =	smul.u32 @!p0 $0xF7A, s2;
	p2 =	seq.s32 @!p0 s5, $0x0  }
0x1f: {  	s9 =	smul.u32 $0xF7A, s1;
	s8 =	simm.s32 @!p0 $0x1BF5;
	p2 =	por !p2, p0  }
0x20: {  	[sflag:s8] =	ssyncset.s32 @!p0 $0xFFFFF086;
	s6 =	sadd.s32 @!p0 s3, s7;
	s7 =	simm.s32 @!p0 $0x108  }
0x21: {  	s3 =	sadd.s32 s3, s9;
	s6 =	sadd.s32 @!p0 $0x88, s6;
	s7 =	simm.s32 @p2 $0x1082  }
0x22: {  	[simem:s7], [sflag:s8] =	dma.local @!p0 [hbm:s6], $0xF7A  }
0x23: {  	s9 =	sor.u32 $0xD0000000, s2;
	s6 =	simm.s32 $0x108;
	_ =	swait.ge @!p0 [sflag:s8], $0x0  }
0x24: {  	s3 =	sadd.s32 $0x88, s3;
	s6 =	simm.s32 @!p1 $0x1082;
	[sflag:s4] =	ssyncset.s32 $0xFFFFF086  }
0x25: {  	[simem:s6], [sflag:s4] =	dma.local [hbm:s3], $0xF7A  }
0x26: {  	[smem:$0x3F8F] =	sst s1;
	(tag) =	ssettag s2;
	_ =	strace s9  }
0x27: {  	s1 =	sld [smem:$0x3F9F]  }
0x28: {  	s2 =	sld [smem:$0x3FA0]  }
0x29: {  	s4 =	sld [smem:$0x3FA2]  }
0x2a: {  	p0 =	seq.s32 s5, $0x0;
	s5 =	sld [smem:$0x3FA3]  }
0x2b: {  	s6 =	sld [smem:$0x3FA4]  }
0x2c: {  	s7 =	sld [smem:$0x3FA5]  }
0x2d: {  	s3 =	simm.s32 $0x108;
	s8 =	sld [smem:$0x3FA6]  }
0x2e: {  	s3 =	simm.s32 @!p0 $0x1082;
	s9 =	sld [smem:$0x3FA7]  }
0x2f: {  	lr =	sadd.s32 s0, s3;
	s0 =	sld [smem:$0x3F9E]  }
0x30: {  	s3 =	sld [smem:$0x3FA1]  }
0x31: {  	[smem:$0x3FAA] =	sst s10  }
0x32: {  	s10 =	sld [smem:$0x3FA8];
	_ =	sdelay $0x3  }
0x33: {  	p0 =	seq.s32 s10, $0x1;
	s10 =	sld [smem:$0x3FAA];
	_ =	sdelay $0x3  }
0x34: {  	[smem:$0x3FAA] =	sst s10  }
0x35: {  	s10 =	sld [smem:$0x3FA9];
	_ =	sdelay $0x3  }
0x36: {  	p1 =	seq.s32 s10, $0x1;
	s10 =	sld [smem:$0x3FAA];
	_ =	sdelay $0x3  }
0x37: {  	[smem:$0x3FAA] =	sst s10  }
0x38: {  	s10 =	sld [smem:$0x3FAB]  }
0x39: {  	_ = 	snop;
	(pc) =	sbr.ind lr, $3  }
0x3a: {  	_ = 	snop  }
0x3b: {  	_ = 	snop  }
0x3c: {  	p2 =	seq.s32 s10, $0x1;
	s10 =	sld [smem:$0x3FAA]  }
0x3d: {  	_ =	shalt  }
0x3e: {  	_ =	shalt  }
0x3f: {  	_ =	shalt  }
0x40: {  	_ =	shalt  }
0x41: {  	_ =	shalt  }
0x42: {  	_ =	shalt  }
0x43: {  	_ =	shalt  }
0x44: {  	_ =	shalt  }
0x45: {  	_ =	shalt  }
0x46: {  	_ =	shalt  }
0x47: {  	_ =	shalt  }
0x48: {  	_ =	shalt  }
0x49: {  	_ =	shalt  }
0x4a: {  	_ =	shalt  }
0x4b: {  	_ =	shalt  }
0x4c: {  	_ =	shalt  }
0x4d: {  	_ =	shalt  }
0x4e: {  	_ =	shalt  }
0x4f: {  	_ =	shalt  }
0x50: {  	_ =	shalt  }
0x51: {  	_ =	shalt  }
0x52: {  	_ =	shalt  }
0x53: {  	_ =	shalt  }
0x54: {  	_ =	shalt  }
0x55: {  	_ =	shalt  }
0x56: {  	_ =	shalt  }
0x57: {  	_ =	shalt  }
0x58: {  	_ =	shalt  }
0x59: {  	_ =	shalt  }
0x5a: {  	_ =	shalt  }
0x5b: {  	_ =	shalt  }
0x5c: {  	_ =	shalt  }
0x5d: {  	_ =	shalt  }
0x5e: {  	_ =	shalt  }
0x5f: {  	_ =	shalt  }
0x60: {  	_ =	shalt  }
0x61: {  	_ =	shalt  }
0x62: {  	_ =	shalt  }
0x63: {  	_ =	shalt  }
0x64: {  	_ =	shalt  }
0x65: {  	_ =	shalt  }
0x66: {  	_ =	shalt  }
0x67: {  	_ =	shalt  }
0x68: {  	_ =	shalt  }
0x69: {  	_ =	shalt  }
0x6a: {  	_ =	shalt  }
0x6b: {  	_ =	shalt  }
0x6c: {  	_ =	shalt  }
0x6d: {  	_ =	shalt  }
0x6e: {  	_ =	shalt  }
0x6f: {  	_ =	shalt  }
0x70: {  	_ =	shalt  }
0x71: {  	_ =	shalt  }
0x72: {  	_ =	shalt  }
0x73: {  	_ =	shalt  }
0x74: {  	_ =	shalt  }
0x75: {  	_ =	shalt  }
0x76: {  	_ =	shalt  }
0x77: {  	_ =	shalt  }
0x78: {  	_ =	shalt  }
0x79: {  	_ =	shalt  }
0x7a: {  	_ =	shalt  }
0x7b: {  	_ =	shalt  }
0x7c: {  	_ =	shalt  }
0x7d: {  	_ =	shalt  }
0x7e: {  	_ =	shalt  }
0x7f: {  	_ =	shalt  }
0x80: {  	_ =	shalt  }
0x81: {  	_ =	shalt  }
0x82: {  	_ =	shalt  }
0x83: {  	_ =	shalt  }
0x84: {  	_ =	shalt  }
0x85: {  	_ =	shalt  }
0x86: {  	_ =	shalt  }
0x87: {  	_ =	shalt  }
.Lfunc_end0:
.L_simem_size_0:
called_computation.1_lowered:
.L_overlay_start_0:
0x88: {  	s2 =	sld [smem:$0x3FD9]  }
0x89: {  	s3 =	sld [smem:$0x3FFE];
	_ =	sdelay $0x1  }
0x8a: {  	s1 =	srdreg.scid  }
0x8b: {  	s0 =	sand.u32 $0x1, s1  }
0x8c: {  	s15 =	sshll.u32 s0, $0xA;
	s2 =	sadd.s32 s3, s2  }
0x8d: {  	s2 =	sadd.s32 s2, s15  }
0x8e: {  	[smem:$0x3FB6] =	sst s2  }
0x8f: {  	_ = 	snop  }
0x90: {  	(tm) =	ssettm $0x1  }
0x91: {  	s16 =	sld [smem:$0x3FFB];
	_ =	sdelay $0x3  }
0x92: {  	_ =	strace s16  }
0x93: {  	s2 =	sld [smem:$0x3FFC];
	_ =	sdelay $0x3  }
0x94: {  	_ =	strace s2  }
0x95: {  	s2 =	sld [smem:$0x3FFD];
	_ =	sdelay $0x3  }
0x96: {  	_ =	strace s2  }
0x97: {  	_ =	strace $0x8FFFFFFF  }
0x98: {  	s17 =	sld [smem:$0x3FDB];
	_ =	sdelay $0x1  }
0x99: {  	s18 =	simm.s32 $_scs_section_size  }
0x9a: {  	s4 =	simm.s32 $_size__tile_overlayer_lowered;
	s5 =	simm.s32 $_tile_overlayer_lowered  }
0x9b: {  	s21 =	simm.s32 $0x1BFF;
	s20 =	sshll.u32 s5, $0x1;
	s2 =	sadd.s32 s18, s17  }
0x9c: {  	s6 =	simm.s32 $0x0;
	s19 =	sshll.u32 s4, $0x1;
	s4 =	sadd.s32 s20, s2  }
0x9d: {  	[timem:s6], [sflag:s21] =	dma.local [hbm:s4], s19  }
0x9e: {  	_ =	swait.ge [sflag:s21], s19  }
0x9f: {  	s3 =	ssub.s32 $0x0, s19;
	[sflag:s21] =	ssyncset.done $0x0  }
0xa0: {  	[sflag:s21] =	ssyncadd.s32 s3;
	_ =	sdelay $0x1  }
0xa1: {  	s22 =	simm.s32 $0x1B8B  }
0xa2: {  	_ =	swait.ge [sflag:s22], $0x1  }
0xa3: {  	[sflag:s22] =	ssyncset.done $0x0  }
0xa4: {  	s23 =	sld [smem:$0x3FFE];
	[sflag:s22] =	ssyncadd.s32 $0xFFFFFFFF  }
0xa5: {  	s25 =	simm.s32 $0x1B8E;
	s24 =	sld [smem:$0x0]  }
0xa6: {  	s26 =	simm.s32 $execute0_lowered;
	[smem:$0x3FD2] =	sst s25  }
0xa7: {  	s5 =	sshll.u32 s26, $0x1;
	_ =	strace $0x80000049;
	[dreg:$0x1] =	wrdreg $0xFFFFFFFF  }
0xa8: {  	s28 =	simm.s32 $_size_execute0_lowered;
	s2 =	sadd.s32 s2, s5;
	[dreg:$0x0] =	wrdreg $0x0  }
0xa9: {  	s5 =	sshll.u32 s28, $0x1;
	[dreg:$0x2] =	wrdreg s2  }
0xaa: {  	[dreg:$0x3] =	wrdreg s5  }
0xab: {  	[dreg:$0x4] =	wrdreg $0xC0  }
0xac: {  	_ =	task [dreg:s6], $0x5FFFF  }
0xad: {  	[dreg:$0x1] =	wrdreg $0xFFFFFFFF  }
0xae: {  	[dreg:$0x0] =	wrdreg $0x60  }
0xaf: {  	[dreg:$0x2] =	wrdreg s23  }
0xb0: {  	[dreg:$0x3] =	wrdreg s1  }
0xb1: {  	[dreg:$0x4] =	wrdreg s24  }
0xb2: {  	[dreg:$0x5] =	wrdreg $0x9  }
0xb3: {  	_ =	task.clear_ibuf [dreg:s6], $0x6FFFF;
	_ =	strace $0x90000049  }
0xb4: {  	s29 =	simm.s32 $0x9;
	_ =	strace $0x8000004B  }
0xb5: {  	_ =	swait.ge [sflag:s29], $0x1  }
0xb6: {  	[sflag:s29] =	ssyncadd.s32 $0xFFFFFFFF  }
0xb7: {  	_ =	strace $0x9000004B  }
0xb8: {  	_ =	sfence  }
0xb9: {  	s30 =	sld [smem:$0x0];
	_ =	sdelay $0x2  }
0xba: {  	s31 =	sshll.u32 s1, $0xD;
	s1 =	sshrl.u32 s1, $0x2  }
0xbb: {  	s3 =	sand.u32 $0x4000, s31;
	s1 =	sadd.s32 s1, s30  }
0xbc: {  	s0 =	sor.u32 s3, s0;
	s1 =	sshll.u32 s1, $0x11  }
0xbd: {  	s0 =	sor.u32 s1, s0  }
0xbe: {  	s0 =	sadd.s32 $0x8F2B, s0  }
0xbf: {  	[sflag:s0] =	ssyncadd.remote.s32 $0x1  }
0xc0: {  	_ =	sfence.sel $0xFFFF  }
0xc1: {  	[dreg:$0x0] =	wrdreg $0xFFFFFFFF;
	(pc) =	sbr.abs _section_cstart, $3  }
0xc2: {  	[dreg:$0x1] =	wrdreg $0xFFFFFFFF  }
0xc3: {  	_ =	task.clear_ibuf [dreg:s6], $0x2FFFF;
	_ =	strace $0x9FFFFFFF  }
0xc4: {  	(tm) =	ssettm $0x7FFFFFFF  }
0xc5: {  	_ =	shalt  }
tec
execute0_lowered:
.L_overlay_start_1:
0x0: {  	(tag) =	ssettag $0x1  }
0x1: {  	s6 =	rddreg [dreg:$0x0]  }
0x2: {  	s2 =	rddreg [dreg:$0x1];
	_ =	strace $0x8000004A;
	s7 =	simm.s32 $0x1  }
0x3: {  	v0 =	vimm.s32 $0x0;
	[sflag:s7] =	ssyncpa.u1 $0x0  }
0x4: {  	[tilespmem:$0x48] =	vst v0  }
0x5: {  	[tilespmem:$0x58] =	vst v0  }
0x6: {  	[tilespmem:$0x68] =	vst v0  }
0x7: {  	[tilespmem:$0x78] =	vst v0  }
0x8: {  	[tilespmem:$0x88] =	vst v0  }
0x9: {  	[tilespmem:$0x98] =	vst v0  }
0xa: {  	[tilespmem:$0xA8] =	vst v0  }
0xb: {  	[tilespmem:$0xB8] =	vst v0  }
0xc: {  	[tilespmem:$0xC8] =	vst v0  }
0xd: {  	[tilespmem:$0xD8] =	vst v0  }
0xe: {  	[tilespmem:$0xE8] =	vst v0  }
0xf: {  	[tilespmem:$0xF8] =	vst v0  }
0x10: {  	[tilespmem:$0x108] =	vst v0  }
0x11: {  	[tilespmem:$0x118] =	vst v0  }
0x12: {  	[tilespmem:$0x128] =	vst v0  }
0x13: {  	[tilespmem:$0x138] =	vst v0  }
0x14: {  	[tilespmem:$0x148] =	vst v0  }
0x15: {  	[tilespmem:$0x158] =	vst v0  }
0x16: {  	[tilespmem:$0x168] =	vst v0  }
0x17: {  	[tilespmem:$0x178] =	vst v0  }
0x18: {  	[tilespmem:$0x188] =	vst v0  }
0x19: {  	[tilespmem:$0x198] =	vst v0  }
0x1a: {  	[tilespmem:$0x1A8] =	vst v0  }
0x1b: {  	[tilespmem:$0x1B8] =	vst v0  }
0x1c: {  	[tilespmem:$0x1C8] =	vst v0  }
0x1d: {  	[tilespmem:$0x1D8] =	vst v0  }
0x1e: {  	[tilespmem:$0x1E8] =	vst v0  }
0x1f: {  	[tilespmem:$0x1F8] =	vst v0  }
0x20: {  	[tilespmem:$0x208] =	vst v0  }
0x21: {  	[tilespmem:$0x218] =	vst v0  }
0x22: {  	[tilespmem:$0x228] =	vst v0  }
0x23: {  	[tilespmem:$0x238] =	vst v0  }
0x24: {  	[tilespmem:$0x248] =	vst v0  }
0x25: {  	[tilespmem:$0x258] =	vst v0  }
0x26: {  	[tilespmem:$0x268] =	vst v0  }
0x27: {  	[tilespmem:$0x278] =	vst v0  }
0x28: {  	[tilespmem:$0x288] =	vst v0  }
0x29: {  	[tilespmem:$0x298] =	vst v0  }
0x2a: {  	[tilespmem:$0x2A8] =	vst v0  }
0x2b: {  	[tilespmem:$0x2B8] =	vst v0  }
0x2c: {  	[tilespmem:$0x2C8] =	vst v0  }
0x2d: {  	[tilespmem:$0x2D8] =	vst v0  }
0x2e: {  	[tilespmem:$0x2E8] =	vst v0  }
0x2f: {  	[tilespmem:$0x2F8] =	vst v0  }
0x30: {  	[tilespmem:$0x308] =	vst v0  }
0x31: {  	[tilespmem:$0x318] =	vst v0  }
0x32: {  	[tilespmem:$0x328] =	vst v0  }
0x33: {  	[tilespmem:$0x338] =	vst v0  }
0x34: {  	[tilespmem:$0x348] =	vst v0  }
0x35: {  	[tilespmem:$0x358] =	vst v0  }
0x36: {  	[tilespmem:$0x368] =	vst v0  }
0x37: {  	[tilespmem:$0x378] =	vst v0  }
0x38: {  	[tilespmem:$0x388] =	vst v0  }
0x39: {  	[tilespmem:$0x398] =	vst v0  }
0x3a: {  	[tilespmem:$0x3A8] =	vst v0  }
0x3b: {  	[tilespmem:$0x3B8] =	vst v0  }
0x3c: {  	[tilespmem:$0x3C8] =	vst v0  }
0x3d: {  	[tilespmem:$0x3D8] =	vst v0  }
0x3e: {  	[tilespmem:$0x3E8] =	vst v0  }
0x3f: {  	[tilespmem:$0x3F8] =	vst v0  }
0x40: {  	[tilespmem:$0x408] =	vst v0  }
0x41: {  	[tilespmem:$0x418] =	vst v0  }
0x42: {  	[tilespmem:$0x428] =	vst v0  }
0x43: {  	[tilespmem:$0x438] =	vst v0  }
0x44: {  	[tilespmem:$0x448] =	vst v0  }
0x45: {  	[tilespmem:$0x458] =	vst v0  }
0x46: {  	[tilespmem:$0x468] =	vst v0  }
0x47: {  	[tilespmem:$0x478] =	vst v0  }
0x48: {  	[tilespmem:$0x488] =	vst v0  }
0x49: {  	[tilespmem:$0x498] =	vst v0  }
0x4a: {  	[tilespmem:$0x4A8] =	vst v0  }
0x4b: {  	[tilespmem:$0x4B8] =	vst v0  }
0x4c: {  	[tilespmem:$0x4C8] =	vst v0  }
0x4d: {  	[tilespmem:$0x4D8] =	vst v0  }
0x4e: {  	[tilespmem:$0x4E8] =	vst v0  }
0x4f: {  	[tilespmem:$0x4F8] =	vst v0  }
0x50: {  	[tilespmem:$0x508] =	vst v0  }
0x51: {  	[tilespmem:$0x518] =	vst v0  }
0x52: {  	[tilespmem:$0x528] =	vst v0  }
0x53: {  	[tilespmem:$0x538] =	vst v0  }
0x54: {  	[tilespmem:$0x548] =	vst v0  }
0x55: {  	[tilespmem:$0x558] =	vst v0  }
0x56: {  	[tilespmem:$0x568] =	vst v0  }
0x57: {  	[tilespmem:$0x578] =	vst v0  }
0x58: {  	[tilespmem:$0x588] =	vst v0  }
0x59: {  	[tilespmem:$0x598] =	vst v0  }
0x5a: {  	[tilespmem:$0x5A8] =	vst v0  }
0x5b: {  	[tilespmem:$0x5B8] =	vst v0  }
0x5c: {  	[tilespmem:$0x5C8] =	vst v0  }
0x5d: {  	[tilespmem:$0x5D8] =	vst v0  }
0x5e: {  	[tilespmem:$0x5E8] =	vst v0  }
0x5f: {  	[tilespmem:$0x5F8] =	vst v0  }
0x60: {  	[tilespmem:$0x608] =	vst v0  }
0x61: {  	[tilespmem:$0x618] =	vst v0  }
0x62: {  	[tilespmem:$0x628] =	vst v0  }
0x63: {  	[tilespmem:$0x638] =	vst v0  }
0x64: {  	[tilespmem:$0x648] =	vst v0  }
0x65: {  	[tilespmem:$0x658] =	vst v0  }
0x66: {  	[tilespmem:$0x668] =	vst v0  }
0x67: {  	[tilespmem:$0x678] =	vst v0  }
0x68: {  	[tilespmem:$0x688] =	vst v0  }
0x69: {  	[tilespmem:$0x698] =	vst v0  }
0x6a: {  	[tilespmem:$0x6A8] =	vst v0  }
0x6b: {  	[tilespmem:$0x6B8] =	vst v0  }
0x6c: {  	[tilespmem:$0x6C8] =	vst v0  }
0x6d: {  	[tilespmem:$0x6D8] =	vst v0  }
0x6e: {  	[tilespmem:$0x6E8] =	vst v0  }
0x6f: {  	[tilespmem:$0x6F8] =	vst v0  }
0x70: {  	[tilespmem:$0x708] =	vst v0  }
0x71: {  	[tilespmem:$0x718] =	vst v0  }
0x72: {  	[tilespmem:$0x728] =	vst v0  }
0x73: {  	[tilespmem:$0x738] =	vst v0  }
0x74: {  	[tilespmem:$0x748] =	vst v0  }
0x75: {  	[tilespmem:$0x758] =	vst v0  }
0x76: {  	[tilespmem:$0x768] =	vst v0  }
0x77: {  	[tilespmem:$0x778] =	vst v0  }
0x78: {  	[tilespmem:$0x788] =	vst v0  }
0x79: {  	[tilespmem:$0x798] =	vst v0  }
0x7a: {  	[tilespmem:$0x7A8] =	vst v0  }
0x7b: {  	[tilespmem:$0x7B8] =	vst v0  }
0x7c: {  	[tilespmem:$0x7C8] =	vst v0  }
0x7d: {  	[tilespmem:$0x7D8] =	vst v0  }
0x7e: {  	[tilespmem:$0x7E8] =	vst v0  }
0x7f: {  	[tilespmem:$0x7F8] =	vst v0  }
0x80: {  	[tilespmem:$0x808] =	vst v0  }
0x81: {  	[tilespmem:$0x818] =	vst v0  }
0x82: {  	[tilespmem:$0x828] =	vst v0  }
0x83: {  	[tilespmem:$0x838] =	vst v0  }
0x84: {  	[tilespmem:$0x848] =	vst v0  }
0x85: {  	[tilespmem:$0x858] =	vst v0  }
0x86: {  	[tilespmem:$0x868] =	vst v0  }
0x87: {  	[tilespmem:$0x878] =	vst v0  }
0x88: {  	[tilespmem:$0x888] =	vst v0  }
0x89: {  	[tilespmem:$0x898] =	vst v0  }
0x8a: {  	[tilespmem:$0x8A8] =	vst v0  }
0x8b: {  	[tilespmem:$0x8B8] =	vst v0  }
0x8c: {  	[tilespmem:$0x8C8] =	vst v0  }
0x8d: {  	[tilespmem:$0x8D8] =	vst v0  }
0x8e: {  	[tilespmem:$0x8E8] =	vst v0  }
0x8f: {  	[tilespmem:$0x8F8] =	vst v0  }
0x90: {  	[tilespmem:$0x908] =	vst v0  }
0x91: {  	[tilespmem:$0x918] =	vst v0  }
0x92: {  	[tilespmem:$0x928] =	vst v0  }
0x93: {  	[tilespmem:$0x938] =	vst v0  }
0x94: {  	[tilespmem:$0x948] =	vst v0  }
0x95: {  	[tilespmem:$0x958] =	vst v0  }
0x96: {  	[tilespmem:$0x968] =	vst v0  }
0x97: {  	[tilespmem:$0x978] =	vst v0  }
0x98: {  	[tilespmem:$0x988] =	vst v0  }
0x99: {  	[tilespmem:$0x998] =	vst v0  }
0x9a: {  	[tilespmem:$0x9A8] =	vst v0  }
0x9b: {  	[tilespmem:$0x9B8] =	vst v0  }
0x9c: {  	[tilespmem:$0x9C8] =	vst v0  }
0x9d: {  	[tilespmem:$0x9D8] =	vst v0  }
0x9e: {  	[tilespmem:$0x9E8] =	vst v0  }
0x9f: {  	[tilespmem:$0x9F8] =	vst v0  }
0xa0: {  	[tilespmem:$0xA08] =	vst v0  }
0xa1: {  	[tilespmem:$0xA18] =	vst v0  }
0xa2: {  	[tilespmem:$0xA28] =	vst v0  }
0xa3: {  	[tilespmem:$0xA38] =	vst v0  }
0xa4: {  	[tilespmem:$0xA48] =	vst v0  }
0xa5: {  	[tilespmem:$0xA58] =	vst v0  }
0xa6: {  	[tilespmem:$0xA68] =	vst v0  }
0xa7: {  	[tilespmem:$0xA78] =	vst v0  }
0xa8: {  	[tilespmem:$0xA88] =	vst v0  }
0xa9: {  	[tilespmem:$0xA98] =	vst v0  }
0xaa: {  	[tilespmem:$0xAA8] =	vst v0  }
0xab: {  	[tilespmem:$0xAB8] =	vst v0  }
0xac: {  	[tilespmem:$0xAC8] =	vst v0  }
0xad: {  	[tilespmem:$0xAD8] =	vst v0  }
0xae: {  	[tilespmem:$0xAE8] =	vst v0  }
0xaf: {  	[tilespmem:$0xAF8] =	vst v0  }
0xb0: {  	[tilespmem:$0xB08] =	vst v0  }
0xb1: {  	[tilespmem:$0xB18] =	vst v0  }
0xb2: {  	[tilespmem:$0xB28] =	vst v0  }
0xb3: {  	[tilespmem:$0xB38] =	vst v0  }
0xb4: {  	[tilespmem:$0xB48] =	vst v0  }
0xb5: {  	[tilespmem:$0xB58] =	vst v0  }
0xb6: {  	[tilespmem:$0xB68] =	vst v0  }
0xb7: {  	[tilespmem:$0xB78] =	vst v0  }
0xb8: {  	[tilespmem:$0xB88] =	vst v0  }
0xb9: {  	[tilespmem:$0xB98] =	vst v0  }
0xba: {  	[tilespmem:$0xBA8] =	vst v0  }
0xbb: {  	[tilespmem:$0xBB8] =	vst v0  }
0xbc: {  	[tilespmem:$0xBC8] =	vst v0  }
0xbd: {  	[tilespmem:$0xBD8] =	vst v0  }
0xbe: {  	[tilespmem:$0xBE8] =	vst v0  }
0xbf: {  	[tilespmem:$0xBF8] =	vst v0  }
0xc0: {  	[tilespmem:$0xC08] =	vst v0  }
0xc1: {  	[tilespmem:$0xC18] =	vst v0  }
0xc2: {  	[tilespmem:$0xC28] =	vst v0  }
0xc3: {  	[tilespmem:$0xC38] =	vst v0  }
0xc4: {  	[tilespmem:$0xC48] =	vst v0  }
0xc5: {  	[tilespmem:$0xC58] =	vst v0  }
0xc6: {  	[tilespmem:$0xC68] =	vst v0  }
0xc7: {  	[tilespmem:$0xC78] =	vst v0  }
0xc8: {  	[tilespmem:$0xC88] =	vst v0  }
0xc9: {  	[tilespmem:$0xC98] =	vst v0  }
0xca: {  	[tilespmem:$0xCA8] =	vst v0  }
0xcb: {  	[tilespmem:$0xCB8] =	vst v0  }
0xcc: {  	[tilespmem:$0xCC8] =	vst v0  }
0xcd: {  	[tilespmem:$0xCD8] =	vst v0  }
0xce: {  	[tilespmem:$0xCE8] =	vst v0  }
0xcf: {  	[tilespmem:$0xCF8] =	vst v0  }
0xd0: {  	[tilespmem:$0xD08] =	vst v0  }
0xd1: {  	[tilespmem:$0xD18] =	vst v0  }
0xd2: {  	[tilespmem:$0xD28] =	vst v0  }
0xd3: {  	[tilespmem:$0xD38] =	vst v0  }
0xd4: {  	[tilespmem:$0xD48] =	vst v0  }
0xd5: {  	[tilespmem:$0xD58] =	vst v0  }
0xd6: {  	[tilespmem:$0xD68] =	vst v0  }
0xd7: {  	[tilespmem:$0xD78] =	vst v0  }
0xd8: {  	[tilespmem:$0xD88] =	vst v0  }
0xd9: {  	[tilespmem:$0xD98] =	vst v0  }
0xda: {  	[tilespmem:$0xDA8] =	vst v0  }
0xdb: {  	[tilespmem:$0xDB8] =	vst v0  }
0xdc: {  	[tilespmem:$0xDC8] =	vst v0  }
0xdd: {  	[tilespmem:$0xDD8] =	vst v0  }
0xde: {  	[tilespmem:$0xDE8] =	vst v0  }
0xdf: {  	[tilespmem:$0xDF8] =	vst v0  }
0xe0: {  	[tilespmem:$0xE08] =	vst v0  }
0xe1: {  	[tilespmem:$0xE18] =	vst v0  }
0xe2: {  	[tilespmem:$0xE28] =	vst v0  }
0xe3: {  	[tilespmem:$0xE38] =	vst v0  }
0xe4: {  	[tilespmem:$0xE48] =	vst v0  }
0xe5: {  	[tilespmem:$0xE58] =	vst v0  }
0xe6: {  	[tilespmem:$0xE68] =	vst v0  }
0xe7: {  	[tilespmem:$0xE78] =	vst v0  }
0xe8: {  	[tilespmem:$0xE88] =	vst v0  }
0xe9: {  	[tilespmem:$0xE98] =	vst v0  }
0xea: {  	[tilespmem:$0xEA8] =	vst v0  }
0xeb: {  	[tilespmem:$0xEB8] =	vst v0  }
0xec: {  	[tilespmem:$0xEC8] =	vst v0  }
0xed: {  	[tilespmem:$0xED8] =	vst v0  }
0xee: {  	[tilespmem:$0xEE8] =	vst v0  }
0xef: {  	[tilespmem:$0xEF8] =	vst v0  }
0xf0: {  	[tilespmem:$0xF08] =	vst v0  }
0xf1: {  	[tilespmem:$0xF18] =	vst v0  }
0xf2: {  	[tilespmem:$0xF28] =	vst v0  }
0xf3: {  	[tilespmem:$0xF38] =	vst v0  }
0xf4: {  	[tilespmem:$0xF48] =	vst v0  }
0xf5: {  	[tilespmem:$0xF58] =	vst v0  }
0xf6: {  	[tilespmem:$0xF68] =	vst v0  }
0xf7: {  	[tilespmem:$0xF78] =	vst v0  }
0xf8: {  	[tilespmem:$0xF88] =	vst v0  }
0xf9: {  	[tilespmem:$0xF98] =	vst v0  }
0xfa: {  	[tilespmem:$0xFA8] =	vst v0  }
0xfb: {  	[tilespmem:$0xFB8] =	vst v0  }
0xfc: {  	[tilespmem:$0xFC8] =	vst v0  }
0xfd: {  	[tilespmem:$0xFD8] =	vst v0  }
0xfe: {  	[tilespmem:$0xFE8] =	vst v0  }
0xff: {  	[tilespmem:$0xFF8] =	vst v0  }
0x100: {  	[tilespmem:$0x1008] =	vst v0  }
0x101: {  	[tilespmem:$0x1018] =	vst v0  }
0x102: {  	[tilespmem:$0x1028] =	vst v0  }
0x103: {  	[tilespmem:$0x1178] =	vst v0  }
0x104: {  	[tilespmem:$0x1038] =	vst v0  }
0x105: {  	[tilespmem:$0x1048] =	vst v0  }
0x106: {  	[tilespmem:$0x1058] =	vst v0  }
0x107: {  	[tilespmem:$0x1068] =	vst v0  }
0x108: {  	[tilespmem:$0x1078] =	vst v0  }
0x109: {  	[tilespmem:$0x1088] =	vst v0  }
0x10a: {  	[tilespmem:$0x1098] =	vst v0  }
0x10b: {  	[tilespmem:$0x10A8] =	vst v0  }
0x10c: {  	[tilespmem:$0x10B8] =	vst v0  }
0x10d: {  	[tilespmem:$0x10C8] =	vst v0  }
0x10e: {  	[tilespmem:$0x10D8] =	vst v0  }
0x10f: {  	[tilespmem:$0x10E8] =	vst v0  }
0x110: {  	[tilespmem:$0x10F8] =	vst v0  }
0x111: {  	[tilespmem:$0x1108] =	vst v0  }
0x112: {  	[tilespmem:$0x1118] =	vst v0  }
0x113: {  	[tilespmem:$0x1128] =	vst v0  }
0x114: {  	[tilespmem:$0x1138] =	vst v0  }
0x115: {  	[tilespmem:$0x1148] =	vst v0  }
0x116: {  	[tilespmem:$0x1158] =	vst v0  }
0x117: {  	[tilespmem:$0x1168] =	vst v0  }
0x118: {  	[tilespmem:$0x1188] =	vst v0  }
0x119: {  	[tilespmem:$0x1198] =	vst v0  }
0x11a: {  	[tilespmem:$0x11A8] =	vst v0  }
0x11b: {  	[tilespmem:$0x11B8] =	vst v0  }
0x11c: {  	[tilespmem:$0x11C8] =	vst v0  }
0x11d: {  	[tilespmem:$0x11D8] =	vst v0  }
0x11e: {  	[tilespmem:$0x11E8] =	vst v0  }
0x11f: {  	[tilespmem:$0x11F8] =	vst v0  }
0x120: {  	[tilespmem:$0x1208] =	vst v0  }
0x121: {  	[tilespmem:$0x1218] =	vst v0  }
0x122: {  	[tilespmem:$0x1228] =	vst v0  }
0x123: {  	[tilespmem:$0x1238] =	vst v0  }
0x124: {  	[tilespmem:$0x1248] =	vst v0  }
0x125: {  	[tilespmem:$0x1258] =	vst v0  }
0x126: {  	[tilespmem:$0x1268] =	vst v0  }
0x127: {  	[tilespmem:$0x1278] =	vst v0  }
0x128: {  	[tilespmem:$0x1288] =	vst v0  }
0x129: {  	[tilespmem:$0x1298] =	vst v0  }
0x12a: {  	[tilespmem:$0x12A8] =	vst v0  }
0x12b: {  	[tilespmem:$0x12B8] =	vst v0  }
0x12c: {  	[tilespmem:$0x12C8] =	vst v0  }
0x12d: {  	[tilespmem:$0x12D8] =	vst v0  }
0x12e: {  	[tilespmem:$0x12E8] =	vst v0  }
0x12f: {  	[tilespmem:$0x12F8] =	vst v0  }
0x130: {  	[tilespmem:$0x1308] =	vst v0  }
0x131: {  	[tilespmem:$0x1318] =	vst v0  }
0x132: {  	[tilespmem:$0x1328] =	vst v0  }
0x133: {  	[tilespmem:$0x1338] =	vst v0  }
0x134: {  	[tilespmem:$0x1348] =	vst v0  }
0x135: {  	[tilespmem:$0x1358] =	vst v0  }
0x136: {  	[tilespmem:$0x1368] =	vst v0  }
0x137: {  	[tilespmem:$0x1378] =	vst v0  }
0x138: {  	[tilespmem:$0x1388] =	vst v0  }
0x139: {  	[tilespmem:$0x1398] =	vst v0  }
0x13a: {  	[tilespmem:$0x13A8] =	vst v0  }
0x13b: {  	[tilespmem:$0x13B8] =	vst v0  }
0x13c: {  	[tilespmem:$0x13C8] =	vst v0  }
0x13d: {  	[tilespmem:$0x13D8] =	vst v0  }
0x13e: {  	[tilespmem:$0x13E8] =	vst v0  }
0x13f: {  	[tilespmem:$0x13F8] =	vst v0  }
0x140: {  	[tilespmem:$0x1408] =	vst v0  }
0x141: {  	[tilespmem:$0x1418] =	vst v0  }
0x142: {  	[tilespmem:$0x1428] =	vst v0  }
0x143: {  	[tilespmem:$0x1438] =	vst v0  }
0x144: {  	[tilespmem:$0x1448] =	vst v0  }
0x145: {  	[tilespmem:$0x1458] =	vst v0  }
0x146: {  	[tilespmem:$0x1468] =	vst v0  }
0x147: {  	[tilespmem:$0x1478] =	vst v0  }
0x148: {  	[tilespmem:$0x1488] =	vst v0  }
0x149: {  	[tilespmem:$0x1498] =	vst v0  }
0x14a: {  	[tilespmem:$0x14A8] =	vst v0  }
0x14b: {  	[tilespmem:$0x14B8] =	vst v0  }
0x14c: {  	[tilespmem:$0x14C8] =	vst v0  }
0x14d: {  	[tilespmem:$0x14D8] =	vst v0  }
0x14e: {  	[tilespmem:$0x14E8] =	vst v0  }
0x14f: {  	[tilespmem:$0x14F8] =	vst v0  }
0x150: {  	[tilespmem:$0x1508] =	vst v0  }
0x151: {  	[tilespmem:$0x1518] =	vst v0  }
0x152: {  	[tilespmem:$0x1528] =	vst v0  }
0x153: {  	[tilespmem:$0x1538] =	vst v0  }
0x154: {  	[tilespmem:$0x1548] =	vst v0  }
0x155: {  	[tilespmem:$0x1558] =	vst v0  }
0x156: {  	[tilespmem:$0x1568] =	vst v0  }
0x157: {  	[tilespmem:$0x1578] =	vst v0  }
0x158: {  	[tilespmem:$0x1588] =	vst v0  }
0x159: {  	[tilespmem:$0x1598] =	vst v0  }
0x15a: {  	[tilespmem:$0x15A8] =	vst v0  }
0x15b: {  	[tilespmem:$0x15B8] =	vst v0  }
0x15c: {  	[tilespmem:$0x15C8] =	vst v0  }
0x15d: {  	[tilespmem:$0x15D8] =	vst v0  }
0x15e: {  	[tilespmem:$0x15E8] =	vst v0  }
0x15f: {  	[tilespmem:$0x15F8] =	vst v0  }
0x160: {  	[tilespmem:$0x1608] =	vst v0  }
0x161: {  	[tilespmem:$0x1618] =	vst v0  }
0x162: {  	[tilespmem:$0x1628] =	vst v0  }
0x163: {  	[tilespmem:$0x1638] =	vst v0  }
0x164: {  	[tilespmem:$0x1648] =	vst v0  }
0x165: {  	[tilespmem:$0x1658] =	vst v0  }
0x166: {  	[tilespmem:$0x1668] =	vst v0  }
0x167: {  	[tilespmem:$0x1678] =	vst v0  }
0x168: {  	[tilespmem:$0x1688] =	vst v0  }
0x169: {  	[tilespmem:$0x1698] =	vst v0  }
0x16a: {  	[tilespmem:$0x16A8] =	vst v0  }
0x16b: {  	[tilespmem:$0x16B8] =	vst v0  }
0x16c: {  	[tilespmem:$0x16C8] =	vst v0  }
0x16d: {  	[tilespmem:$0x16D8] =	vst v0  }
0x16e: {  	[tilespmem:$0x16E8] =	vst v0  }
0x16f: {  	[tilespmem:$0x16F8] =	vst v0  }
0x170: {  	[tilespmem:$0x1708] =	vst v0  }
0x171: {  	[tilespmem:$0x1718] =	vst v0  }
0x172: {  	[tilespmem:$0x1728] =	vst v0  }
0x173: {  	[tilespmem:$0x1738] =	vst v0  }
0x174: {  	[tilespmem:$0x1748] =	vst v0  }
0x175: {  	[tilespmem:$0x1758] =	vst v0  }
0x176: {  	[tilespmem:$0x1768] =	vst v0  }
0x177: {  	[tilespmem:$0x1778] =	vst v0  }
0x178: {  	[tilespmem:$0x1788] =	vst v0  }
0x179: {  	[tilespmem:$0x1798] =	vst v0  }
0x17a: {  	[tilespmem:$0x17A8] =	vst v0  }
0x17b: {  	[tilespmem:$0x17B8] =	vst v0  }
0x17c: {  	[tilespmem:$0x17C8] =	vst v0  }
0x17d: {  	[tilespmem:$0x17D8] =	vst v0  }
0x17e: {  	[tilespmem:$0x17E8] =	vst v0  }
0x17f: {  	[tilespmem:$0x17F8] =	vst v0  }
0x180: {  	[tilespmem:$0x1808] =	vst v0  }
0x181: {  	[tilespmem:$0x1818] =	vst v0  }
0x182: {  	[tilespmem:$0x1828] =	vst v0  }
0x183: {  	[tilespmem:$0x1838] =	vst v0  }
0x184: {  	[tilespmem:$0x1848] =	vst v0  }
0x185: {  	[tilespmem:$0x1858] =	vst v0  }
0x186: {  	[tilespmem:$0x1868] =	vst v0  }
0x187: {  	[tilespmem:$0x1878] =	vst v0  }
0x188: {  	[tilespmem:$0x1888] =	vst v0  }
0x189: {  	[tilespmem:$0x1898] =	vst v0  }
0x18a: {  	[tilespmem:$0x18A8] =	vst v0  }
0x18b: {  	[tilespmem:$0x18B8] =	vst v0  }
0x18c: {  	[tilespmem:$0x18C8] =	vst v0  }
0x18d: {  	[tilespmem:$0x18D8] =	vst v0  }
0x18e: {  	[tilespmem:$0x18E8] =	vst v0  }
0x18f: {  	[tilespmem:$0x18F8] =	vst v0  }
0x190: {  	[tilespmem:$0x1908] =	vst v0  }
0x191: {  	[tilespmem:$0x1918] =	vst v0  }
0x192: {  	[tilespmem:$0x1928] =	vst v0  }
0x193: {  	[tilespmem:$0x1938] =	vst v0  }
0x194: {  	[tilespmem:$0x1948] =	vst v0  }
0x195: {  	[tilespmem:$0x1958] =	vst v0  }
0x196: {  	[tilespmem:$0x1968] =	vst v0  }
0x197: {  	[tilespmem:$0x1978] =	vst v0  }
0x198: {  	[tilespmem:$0x1988] =	vst v0  }
0x199: {  	[tilespmem:$0x1998] =	vst v0  }
0x19a: {  	[tilespmem:$0x19A8] =	vst v0  }
0x19b: {  	[tilespmem:$0x19B8] =	vst v0  }
0x19c: {  	[tilespmem:$0x19C8] =	vst v0  }
0x19d: {  	[tilespmem:$0x19D8] =	vst v0  }
0x19e: {  	[tilespmem:$0x19E8] =	vst v0  }
0x19f: {  	[tilespmem:$0x19F8] =	vst v0  }
0x1a0: {  	[tilespmem:$0x1A08] =	vst v0  }
0x1a1: {  	[tilespmem:$0x1A18] =	vst v0  }
0x1a2: {  	[tilespmem:$0x1A28] =	vst v0  }
0x1a3: {  	[tilespmem:$0x1A38] =	vst v0  }
0x1a4: {  	[tilespmem:$0x1A48] =	vst v0  }
0x1a5: {  	[tilespmem:$0x1A58] =	vst v0  }
0x1a6: {  	[tilespmem:$0x1A68] =	vst v0  }
0x1a7: {  	[tilespmem:$0x1A78] =	vst v0  }
0x1a8: {  	[tilespmem:$0x1A88] =	vst v0  }
0x1a9: {  	[tilespmem:$0x1A98] =	vst v0  }
0x1aa: {  	[tilespmem:$0x1AA8] =	vst v0  }
0x1ab: {  	[tilespmem:$0x1AB8] =	vst v0  }
0x1ac: {  	[tilespmem:$0x1AC8] =	vst v0  }
0x1ad: {  	[tilespmem:$0x1AD8] =	vst v0  }
0x1ae: {  	[tilespmem:$0x1AE8] =	vst v0  }
0x1af: {  	[tilespmem:$0x1AF8] =	vst v0  }
0x1b0: {  	[tilespmem:$0x1B08] =	vst v0  }
0x1b1: {  	[tilespmem:$0x1B18] =	vst v0  }
0x1b2: {  	[tilespmem:$0x1B28] =	vst v0  }
0x1b3: {  	[tilespmem:$0x1B38] =	vst v0  }
0x1b4: {  	[tilespmem:$0x1B48] =	vst v0  }
0x1b5: {  	[tilespmem:$0x1B58] =	vst v0  }
0x1b6: {  	[tilespmem:$0x1B68] =	vst v0  }
0x1b7: {  	[tilespmem:$0x1B78] =	vst v0  }
0x1b8: {  	[tilespmem:$0x1B88] =	vst v0  }
0x1b9: {  	[tilespmem:$0x1B98] =	vst v0  }
0x1ba: {  	[tilespmem:$0x1BA8] =	vst v0  }
0x1bb: {  	[tilespmem:$0x1BB8] =	vst v0  }
0x1bc: {  	[tilespmem:$0x1BC8] =	vst v0  }
0x1bd: {  	[tilespmem:$0x1BD8] =	vst v0  }
0x1be: {  	[tilespmem:$0x1BE8] =	vst v0  }
0x1bf: {  	[tilespmem:$0x1BF8] =	vst v0  }
0x1c0: {  	[tilespmem:$0x1C08] =	vst v0  }
0x1c1: {  	[tilespmem:$0x1C18] =	vst v0  }
0x1c2: {  	[tilespmem:$0x1C28] =	vst v0  }
0x1c3: {  	[tilespmem:$0x1C38] =	vst v0  }
0x1c4: {  	[tilespmem:$0x1C48] =	vst v0  }
0x1c5: {  	[tilespmem:$0x1C58] =	vst v0  }
0x1c6: {  	[tilespmem:$0x1C68] =	vst v0  }
0x1c7: {  	[tilespmem:$0x1C78] =	vst v0  }
0x1c8: {  	[tilespmem:$0x1C88] =	vst v0  }
0x1c9: {  	[tilespmem:$0x1C98] =	vst v0  }
0x1ca: {  	[tilespmem:$0x1CA8] =	vst v0  }
0x1cb: {  	[tilespmem:$0x1CB8] =	vst v0  }
0x1cc: {  	[tilespmem:$0x1CC8] =	vst v0  }
0x1cd: {  	[tilespmem:$0x1CD8] =	vst v0  }
0x1ce: {  	[tilespmem:$0x1CE8] =	vst v0  }
0x1cf: {  	[tilespmem:$0x1CF8] =	vst v0  }
0x1d0: {  	[tilespmem:$0x1D08] =	vst v0  }
0x1d1: {  	[tilespmem:$0x1D18] =	vst v0  }
0x1d2: {  	[tilespmem:$0x1D28] =	vst v0  }
0x1d3: {  	[tilespmem:$0x1D38] =	vst v0  }
0x1d4: {  	[tilespmem:$0x1D48] =	vst v0  }
0x1d5: {  	[tilespmem:$0x1D58] =	vst v0  }
0x1d6: {  	[tilespmem:$0x1D68] =	vst v0  }
0x1d7: {  	[tilespmem:$0x1D78] =	vst v0  }
0x1d8: {  	[tilespmem:$0x1D88] =	vst v0  }
0x1d9: {  	[tilespmem:$0x1D98] =	vst v0  }
0x1da: {  	[tilespmem:$0x1DA8] =	vst v0  }
0x1db: {  	[tilespmem:$0x1DB8] =	vst v0  }
0x1dc: {  	[tilespmem:$0x1DC8] =	vst v0  }
0x1dd: {  	[tilespmem:$0x1DD8] =	vst v0  }
0x1de: {  	[tilespmem:$0x1DE8] =	vst v0  }
0x1df: {  	[tilespmem:$0x1DF8] =	vst v0  }
0x1e0: {  	[tilespmem:$0x1E08] =	vst v0  }
0x1e1: {  	[tilespmem:$0x1E18] =	vst v0  }
0x1e2: {  	[tilespmem:$0x1E28] =	vst v0  }
0x1e3: {  	[tilespmem:$0x1E38] =	vst v0  }
0x1e4: {  	[tilespmem:$0x1E48] =	vst v0  }
0x1e5: {  	[tilespmem:$0x1E58] =	vst v0  }
0x1e6: {  	[tilespmem:$0x1E68] =	vst v0  }
0x1e7: {  	[tilespmem:$0x1E78] =	vst v0  }
0x1e8: {  	[tilespmem:$0x1E88] =	vst v0  }
0x1e9: {  	[tilespmem:$0x1E98] =	vst v0  }
0x1ea: {  	[tilespmem:$0x1EA8] =	vst v0  }
0x1eb: {  	[tilespmem:$0x1EB8] =	vst v0  }
0x1ec: {  	[tilespmem:$0x1EC8] =	vst v0  }
0x1ed: {  	[tilespmem:$0x1ED8] =	vst v0  }
0x1ee: {  	[tilespmem:$0x1EE8] =	vst v0  }
0x1ef: {  	[tilespmem:$0x1EF8] =	vst v0  }
0x1f0: {  	[tilespmem:$0x1F08] =	vst v0  }
0x1f1: {  	[tilespmem:$0x1F18] =	vst v0  }
0x1f2: {  	[tilespmem:$0x1F28] =	vst v0  }
0x1f3: {  	[tilespmem:$0x1F38] =	vst v0  }
0x1f4: {  	[tilespmem:$0x1F48] =	vst v0  }
0x1f5: {  	[tilespmem:$0x1F58] =	vst v0  }
0x1f6: {  	[tilespmem:$0x1F68] =	vst v0  }
0x1f7: {  	[tilespmem:$0x1F78] =	vst v0  }
0x1f8: {  	[tilespmem:$0x1F88] =	vst v0  }
0x1f9: {  	[tilespmem:$0x1F98] =	vst v0  }
0x1fa: {  	[tilespmem:$0x1FA8] =	vst v0  }
0x1fb: {  	[tilespmem:$0x1FB8] =	vst v0  }
0x1fc: {  	[tilespmem:$0x1FC8] =	vst v0  }
0x1fd: {  	[tilespmem:$0x1FD8] =	vst v0  }
0x1fe: {  	[tilespmem:$0x1FE8] =	vst v0  }
0x1ff: {  	[tilespmem:$0x1FF8] =	vst v0  }
0x200: {  	[tilespmem:$0x2008] =	vst v0  }
0x201: {  	[tilespmem:$0x2018] =	vst v0  }
0x202: {  	[tilespmem:$0x2028] =	vst v0  }
0x203: {  	[tilespmem:$0x2038] =	vst v0  }
0x204: {  	[tilespmem:$0x2048] =	vst v0  }
0x205: {  	[tilespmem:$0x2058] =	vst v0  }
0x206: {  	[tilespmem:$0x2068] =	vst v0  }
0x207: {  	[tilespmem:$0x2078] =	vst v0  }
0x208: {  	[tilespmem:$0x2088] =	vst v0  }
0x209: {  	[tilespmem:$0x2098] =	vst v0  }
0x20a: {  	[tilespmem:$0x20A8] =	vst v0  }
0x20b: {  	[tilespmem:$0x20B8] =	vst v0  }
0x20c: {  	[tilespmem:$0x20C8] =	vst v0  }
0x20d: {  	[tilespmem:$0x20D8] =	vst v0  }
0x20e: {  	[tilespmem:$0x20E8] =	vst v0  }
0x20f: {  	[tilespmem:$0x20F8] =	vst v0  }
0x210: {  	[tilespmem:$0x2108] =	vst v0  }
0x211: {  	[tilespmem:$0x2118] =	vst v0  }
0x212: {  	[tilespmem:$0x2128] =	vst v0  }
0x213: {  	[tilespmem:$0x2138] =	vst v0  }
0x214: {  	[tilespmem:$0x2148] =	vst v0  }
0x215: {  	[tilespmem:$0x2158] =	vst v0  }
0x216: {  	[tilespmem:$0x2168] =	vst v0  }
0x217: {  	[tilespmem:$0x2198] =	vst v0  }
0x218: {  	[tilespmem:$0x2258] =	vst v0  }
0x219: {  	[tilespmem:$0x21D8] =	vst v0  }
0x21a: {  	[tilespmem:$0x3058] =	vst v0  }
0x21b: {  	[tilespmem:$0x3048] =	vst v0  }
0x21c: {  	[tilespmem:$0x3038] =	vst v0  }
0x21d: {  	[tilespmem:$0x3028] =	vst v0  }
0x21e: {  	[tilespmem:$0x3018] =	vst v0  }
0x21f: {  	[tilespmem:$0x3008] =	vst v0  }
0x220: {  	[tilespmem:$0x2FF8] =	vst v0  }
0x221: {  	[tilespmem:$0x2FE8] =	vst v0  }
0x222: {  	[tilespmem:$0x2FD8] =	vst v0  }
0x223: {  	[tilespmem:$0x2FC8] =	vst v0  }
0x224: {  	[tilespmem:$0x2FB8] =	vst v0  }
0x225: {  	[tilespmem:$0x2FA8] =	vst v0  }
0x226: {  	[tilespmem:$0x2F98] =	vst v0  }
0x227: {  	[tilespmem:$0x2F88] =	vst v0  }
0x228: {  	[tilespmem:$0x2F78] =	vst v0  }
0x229: {  	[tilespmem:$0x2F68] =	vst v0  }
0x22a: {  	[tilespmem:$0x2F58] =	vst v0  }
0x22b: {  	[tilespmem:$0x2F48] =	vst v0  }
0x22c: {  	[tilespmem:$0x2F38] =	vst v0  }
0x22d: {  	[tilespmem:$0x2F28] =	vst v0  }
0x22e: {  	[tilespmem:$0x2F18] =	vst v0  }
0x22f: {  	[tilespmem:$0x2F08] =	vst v0  }
0x230: {  	[tilespmem:$0x2EF8] =	vst v0  }
0x231: {  	[tilespmem:$0x2EE8] =	vst v0  }
0x232: {  	[tilespmem:$0x2ED8] =	vst v0  }
0x233: {  	[tilespmem:$0x2EC8] =	vst v0  }
0x234: {  	[tilespmem:$0x2EB8] =	vst v0  }
0x235: {  	[tilespmem:$0x2EA8] =	vst v0  }
0x236: {  	[tilespmem:$0x2E98] =	vst v0  }
0x237: {  	[tilespmem:$0x2E88] =	vst v0  }
0x238: {  	[tilespmem:$0x2E78] =	vst v0  }
0x239: {  	[tilespmem:$0x2E68] =	vst v0  }
0x23a: {  	[tilespmem:$0x2E58] =	vst v0  }
0x23b: {  	[tilespmem:$0x2E48] =	vst v0  }
0x23c: {  	[tilespmem:$0x2E38] =	vst v0  }
0x23d: {  	[tilespmem:$0x2E28] =	vst v0  }
0x23e: {  	[tilespmem:$0x2E18] =	vst v0  }
0x23f: {  	[tilespmem:$0x2E08] =	vst v0  }
0x240: {  	[tilespmem:$0x2DF8] =	vst v0  }
0x241: {  	[tilespmem:$0x2DE8] =	vst v0  }
0x242: {  	[tilespmem:$0x2DD8] =	vst v0  }
0x243: {  	[tilespmem:$0x2DC8] =	vst v0  }
0x244: {  	[tilespmem:$0x2DB8] =	vst v0  }
0x245: {  	[tilespmem:$0x2DA8] =	vst v0  }
0x246: {  	[tilespmem:$0x2D98] =	vst v0  }
0x247: {  	[tilespmem:$0x2D88] =	vst v0  }
0x248: {  	[tilespmem:$0x2D78] =	vst v0  }
0x249: {  	[tilespmem:$0x2D68] =	vst v0  }
0x24a: {  	[tilespmem:$0x2D58] =	vst v0  }
0x24b: {  	[tilespmem:$0x2D48] =	vst v0  }
0x24c: {  	[tilespmem:$0x2D38] =	vst v0  }
0x24d: {  	[tilespmem:$0x2D28] =	vst v0  }
0x24e: {  	[tilespmem:$0x2D18] =	vst v0  }
0x24f: {  	[tilespmem:$0x2D08] =	vst v0  }
0x250: {  	[tilespmem:$0x2CF8] =	vst v0  }
0x251: {  	[tilespmem:$0x2CE8] =	vst v0  }
0x252: {  	[tilespmem:$0x2CD8] =	vst v0  }
0x253: {  	[tilespmem:$0x2CC8] =	vst v0  }
0x254: {  	[tilespmem:$0x2CB8] =	vst v0  }
0x255: {  	[tilespmem:$0x2CA8] =	vst v0  }
0x256: {  	[tilespmem:$0x2C98] =	vst v0  }
0x257: {  	[tilespmem:$0x2C88] =	vst v0  }
0x258: {  	[tilespmem:$0x2C78] =	vst v0  }
0x259: {  	[tilespmem:$0x2C68] =	vst v0  }
0x25a: {  	[tilespmem:$0x2C58] =	vst v0  }
0x25b: {  	[tilespmem:$0x2C48] =	vst v0  }
0x25c: {  	[tilespmem:$0x2C38] =	vst v0  }
0x25d: {  	[tilespmem:$0x2C28] =	vst v0  }
0x25e: {  	[tilespmem:$0x2C18] =	vst v0  }
0x25f: {  	[tilespmem:$0x2C08] =	vst v0  }
0x260: {  	[tilespmem:$0x2BF8] =	vst v0  }
0x261: {  	[tilespmem:$0x2BE8] =	vst v0  }
0x262: {  	[tilespmem:$0x2BD8] =	vst v0  }
0x263: {  	[tilespmem:$0x2BC8] =	vst v0  }
0x264: {  	[tilespmem:$0x2BB8] =	vst v0  }
0x265: {  	[tilespmem:$0x2BA8] =	vst v0  }
0x266: {  	[tilespmem:$0x2B98] =	vst v0  }
0x267: {  	[tilespmem:$0x2B88] =	vst v0  }
0x268: {  	[tilespmem:$0x2B78] =	vst v0  }
0x269: {  	[tilespmem:$0x2B68] =	vst v0  }
0x26a: {  	[tilespmem:$0x2B58] =	vst v0  }
0x26b: {  	[tilespmem:$0x2B48] =	vst v0  }
0x26c: {  	[tilespmem:$0x2B38] =	vst v0  }
0x26d: {  	[tilespmem:$0x2B28] =	vst v0  }
0x26e: {  	[tilespmem:$0x2B18] =	vst v0  }
0x26f: {  	[tilespmem:$0x2B08] =	vst v0  }
0x270: {  	[tilespmem:$0x2AF8] =	vst v0  }
0x271: {  	[tilespmem:$0x2AE8] =	vst v0  }
0x272: {  	[tilespmem:$0x2AD8] =	vst v0  }
0x273: {  	[tilespmem:$0x2AC8] =	vst v0  }
0x274: {  	[tilespmem:$0x2AB8] =	vst v0  }
0x275: {  	[tilespmem:$0x2AA8] =	vst v0  }
0x276: {  	[tilespmem:$0x2A98] =	vst v0  }
0x277: {  	[tilespmem:$0x2A88] =	vst v0  }
0x278: {  	[tilespmem:$0x2A78] =	vst v0  }
0x279: {  	[tilespmem:$0x2A68] =	vst v0  }
0x27a: {  	[tilespmem:$0x2A58] =	vst v0  }
0x27b: {  	[tilespmem:$0x2A48] =	vst v0  }
0x27c: {  	[tilespmem:$0x2A38] =	vst v0  }
0x27d: {  	[tilespmem:$0x2A28] =	vst v0  }
0x27e: {  	[tilespmem:$0x2A18] =	vst v0  }
0x27f: {  	[tilespmem:$0x2A08] =	vst v0  }
0x280: {  	[tilespmem:$0x29F8] =	vst v0  }
0x281: {  	[tilespmem:$0x29E8] =	vst v0  }
0x282: {  	[tilespmem:$0x29D8] =	vst v0  }
0x283: {  	[tilespmem:$0x29C8] =	vst v0  }
0x284: {  	[tilespmem:$0x29B8] =	vst v0  }
0x285: {  	[tilespmem:$0x29A8] =	vst v0  }
0x286: {  	[tilespmem:$0x2998] =	vst v0  }
0x287: {  	[tilespmem:$0x2988] =	vst v0  }
0x288: {  	[tilespmem:$0x2978] =	vst v0  }
0x289: {  	[tilespmem:$0x2968] =	vst v0  }
0x28a: {  	[tilespmem:$0x2958] =	vst v0  }
0x28b: {  	[tilespmem:$0x2948] =	vst v0  }
0x28c: {  	[tilespmem:$0x2938] =	vst v0  }
0x28d: {  	[tilespmem:$0x2928] =	vst v0  }
0x28e: {  	[tilespmem:$0x2918] =	vst v0  }
0x28f: {  	[tilespmem:$0x2908] =	vst v0  }
0x290: {  	[tilespmem:$0x28F8] =	vst v0  }
0x291: {  	[tilespmem:$0x28E8] =	vst v0  }
0x292: {  	[tilespmem:$0x28D8] =	vst v0  }
0x293: {  	[tilespmem:$0x28C8] =	vst v0  }
0x294: {  	[tilespmem:$0x28B8] =	vst v0  }
0x295: {  	[tilespmem:$0x28A8] =	vst v0  }
0x296: {  	[tilespmem:$0x2898] =	vst v0  }
0x297: {  	[tilespmem:$0x2888] =	vst v0  }
0x298: {  	[tilespmem:$0x2878] =	vst v0  }
0x299: {  	[tilespmem:$0x2868] =	vst v0  }
0x29a: {  	[tilespmem:$0x2858] =	vst v0  }
0x29b: {  	[tilespmem:$0x2848] =	vst v0  }
0x29c: {  	[tilespmem:$0x2838] =	vst v0  }
0x29d: {  	[tilespmem:$0x2828] =	vst v0  }
0x29e: {  	[tilespmem:$0x2818] =	vst v0  }
0x29f: {  	[tilespmem:$0x2808] =	vst v0  }
0x2a0: {  	[tilespmem:$0x27F8] =	vst v0  }
0x2a1: {  	[tilespmem:$0x27E8] =	vst v0  }
0x2a2: {  	[tilespmem:$0x27D8] =	vst v0  }
0x2a3: {  	[tilespmem:$0x27C8] =	vst v0  }
0x2a4: {  	[tilespmem:$0x27B8] =	vst v0  }
0x2a5: {  	[tilespmem:$0x27A8] =	vst v0  }
0x2a6: {  	[tilespmem:$0x2798] =	vst v0  }
0x2a7: {  	[tilespmem:$0x2788] =	vst v0  }
0x2a8: {  	[tilespmem:$0x2778] =	vst v0  }
0x2a9: {  	[tilespmem:$0x2768] =	vst v0  }
0x2aa: {  	[tilespmem:$0x2758] =	vst v0  }
0x2ab: {  	[tilespmem:$0x2748] =	vst v0  }
0x2ac: {  	[tilespmem:$0x2738] =	vst v0  }
0x2ad: {  	[tilespmem:$0x2728] =	vst v0  }
0x2ae: {  	[tilespmem:$0x2718] =	vst v0  }
0x2af: {  	[tilespmem:$0x2708] =	vst v0  }
0x2b0: {  	[tilespmem:$0x26F8] =	vst v0  }
0x2b1: {  	[tilespmem:$0x26E8] =	vst v0  }
0x2b2: {  	[tilespmem:$0x26D8] =	vst v0  }
0x2b3: {  	[tilespmem:$0x26C8] =	vst v0  }
0x2b4: {  	[tilespmem:$0x26B8] =	vst v0  }
0x2b5: {  	[tilespmem:$0x26A8] =	vst v0  }
0x2b6: {  	[tilespmem:$0x2698] =	vst v0  }
0x2b7: {  	[tilespmem:$0x2688] =	vst v0  }
0x2b8: {  	[tilespmem:$0x2678] =	vst v0  }
0x2b9: {  	[tilespmem:$0x2668] =	vst v0  }
0x2ba: {  	[tilespmem:$0x2658] =	vst v0  }
0x2bb: {  	[tilespmem:$0x2648] =	vst v0  }
0x2bc: {  	[tilespmem:$0x2638] =	vst v0  }
0x2bd: {  	[tilespmem:$0x2628] =	vst v0  }
0x2be: {  	[tilespmem:$0x2618] =	vst v0  }
0x2bf: {  	[tilespmem:$0x2608] =	vst v0  }
0x2c0: {  	[tilespmem:$0x25F8] =	vst v0  }
0x2c1: {  	[tilespmem:$0x25E8] =	vst v0  }
0x2c2: {  	[tilespmem:$0x25D8] =	vst v0  }
0x2c3: {  	[tilespmem:$0x25C8] =	vst v0  }
0x2c4: {  	[tilespmem:$0x25B8] =	vst v0  }
0x2c5: {  	[tilespmem:$0x25A8] =	vst v0  }
0x2c6: {  	[tilespmem:$0x2598] =	vst v0  }
0x2c7: {  	[tilespmem:$0x2588] =	vst v0  }
0x2c8: {  	[tilespmem:$0x2578] =	vst v0  }
0x2c9: {  	[tilespmem:$0x2568] =	vst v0  }
0x2ca: {  	[tilespmem:$0x2558] =	vst v0  }
0x2cb: {  	[tilespmem:$0x2548] =	vst v0  }
0x2cc: {  	[tilespmem:$0x2538] =	vst v0  }
0x2cd: {  	[tilespmem:$0x2528] =	vst v0  }
0x2ce: {  	[tilespmem:$0x2518] =	vst v0  }
0x2cf: {  	[tilespmem:$0x2508] =	vst v0  }
0x2d0: {  	[tilespmem:$0x24F8] =	vst v0  }
0x2d1: {  	[tilespmem:$0x24E8] =	vst v0  }
0x2d2: {  	[tilespmem:$0x24D8] =	vst v0  }
0x2d3: {  	[tilespmem:$0x24C8] =	vst v0  }
0x2d4: {  	[tilespmem:$0x24B8] =	vst v0  }
0x2d5: {  	[tilespmem:$0x24A8] =	vst v0  }
0x2d6: {  	[tilespmem:$0x2498] =	vst v0  }
0x2d7: {  	[tilespmem:$0x2488] =	vst v0  }
0x2d8: {  	[tilespmem:$0x2478] =	vst v0  }
0x2d9: {  	[tilespmem:$0x2468] =	vst v0  }
0x2da: {  	[tilespmem:$0x2458] =	vst v0  }
0x2db: {  	[tilespmem:$0x2448] =	vst v0  }
0x2dc: {  	[tilespmem:$0x2438] =	vst v0  }
0x2dd: {  	[tilespmem:$0x2428] =	vst v0  }
0x2de: {  	[tilespmem:$0x2418] =	vst v0  }
0x2df: {  	[tilespmem:$0x2408] =	vst v0  }
0x2e0: {  	[tilespmem:$0x23F8] =	vst v0  }
0x2e1: {  	[tilespmem:$0x23E8] =	vst v0  }
0x2e2: {  	[tilespmem:$0x23D8] =	vst v0  }
0x2e3: {  	[tilespmem:$0x23C8] =	vst v0  }
0x2e4: {  	[tilespmem:$0x23B8] =	vst v0  }
0x2e5: {  	[tilespmem:$0x23A8] =	vst v0  }
0x2e6: {  	[tilespmem:$0x2398] =	vst v0  }
0x2e7: {  	[tilespmem:$0x2388] =	vst v0  }
0x2e8: {  	[tilespmem:$0x2378] =	vst v0  }
0x2e9: {  	[tilespmem:$0x2368] =	vst v0  }
0x2ea: {  	[tilespmem:$0x2358] =	vst v0  }
0x2eb: {  	[tilespmem:$0x2348] =	vst v0  }
0x2ec: {  	[tilespmem:$0x2338] =	vst v0  }
0x2ed: {  	[tilespmem:$0x2328] =	vst v0  }
0x2ee: {  	[tilespmem:$0x2318] =	vst v0  }
0x2ef: {  	[tilespmem:$0x2308] =	vst v0  }
0x2f0: {  	[tilespmem:$0x22F8] =	vst v0  }
0x2f1: {  	[tilespmem:$0x22E8] =	vst v0  }
0x2f2: {  	[tilespmem:$0x22D8] =	vst v0  }
0x2f3: {  	[tilespmem:$0x22C8] =	vst v0  }
0x2f4: {  	[tilespmem:$0x22B8] =	vst v0  }
0x2f5: {  	[tilespmem:$0x22A8] =	vst v0  }
0x2f6: {  	[tilespmem:$0x2298] =	vst v0  }
0x2f7: {  	[tilespmem:$0x2288] =	vst v0  }
0x2f8: {  	s4 =	stileid.u32;
	[tilespmem:$0x2278] =	vst v0  }
0x2f9: {  	s0 =	smul.u32 $0x82, s4;
	[tilespmem:$0x2268] =	vst v0  }
0x2fa: {  	s1 =	smin.u32 s4, $0x4;
	[tilespmem:$0x2238] =	vst v0  }
0x2fb: {  	[tilespmem:$0x2248] =	vst v0;
	s0 =	sadd.s32 s1, s0  }
0x2fc: {  	p0 =	slt.u32 s4, $0x4;
	[tilespmem:$0x2228] =	vst v0;
	s1 =	simm.s32 $0xC480;
	s8 =	smul.u32 $0x180, s0  }
0x2fd: {  	s1 =	simm.s32 @!p0 $0xC300;
	[tilespmem:$0x21A8] =	vst v0  }
0x2fe: {  	[tilespmem:$0x2218] =	vst v0;
	s0 =	sadd.s32 s1, s8  }
0x2ff: {  	s3 =	simm.s32 $0x2;
	[tilespmem:$0x2208] =	vst v0;
	s9 =	smin.u32 s0, $0xC3500  }
0x300: {  	s11 =	simm.s32 $0x9;
	s12 =	simm.s32 $0xA;
	[tilespmem:$0x21F8] =	vst v0;
	s0 =	ssub.s32 s9, s8  }
0x301: {  	s16 =	simm.s32 $0x0;
	p4 =	por $0x0, $0x0;
	[tilespmem:$0x21E8] =	vst v0;
	p0 =	sgt.s32 s0, $0x0  }
0x302: {  	s17 =	simm.s32 $0xC;
	s21 =	simm.s32 $0x0;
	[tilespmem:$0x21C8] =	vst v0;
	s0 =	simm.s32 @!p0 $0x0  }
0x303: {  	s18 =	simm.s32 $0x0;
	s2 =	sand.u32 $0x1, s2;
	[tilespmem:$0x21B8] =	vst v0;
	s30 =	smulhi.u32 $0x2AAAAAAB, s0  }
0x304: {  	s20 =	simm.s32 $0x0;
	s31 =	sshll.u32 s4, $0x6;
	[tilespmem:$0x2188] =	vst v0;
	[dreg:$0x5] =	wrdreg s2  }
0x305: {  	s2 =	smul.u32 $0x186A0, s2;
	[tilespmem:$0x2178] =	vst v0;
	[sflag:s3] =	ssyncpa.u1 $0x0;
	s1 =	sshrl.u32 s30, $0x6  }
0x306: {  	v0 =	vimm.s32 $0xFFFFFFFF;
	s3 =	sadd.s32 $0x19B5000, s6;
	[dreg:$0x4] =	wrdreg s31;
	s5 =	smul.u32 $0x180, s1  }
.Ltmp0:
0x307: {  	[tilespmem:$0x6088] =	vst v0;
	[sflag:s11] =	ssyncpa.u1 $0x0;
	s2 =	sadd.s32 s2, s6;
	(pc) =	sbr.rel .LBB2_1-.Ltmp0, $4  }
0x308: {  	[sflag:s12] =	ssyncpa.u1 $0x0;
	s12 =	simm.s32 $0xB;
	p0 =	sne.s32 s0, s5  }
0x309: {  	s6 =	sadd.s32 $0x14B000, s6;
	[sflag:s12] =	ssyncpa.u1 $0x0;
	s7 =	simm.s32 @!p0 $0x0  }
0x30a: {  	s13 =	sadd.s32 $0x11A200, s2;
	s14 =	sadd.s32 $0xE9400, s2;
	s7 =	sadd.s32 s7, s1  }
0x30b: {  	v0 =	vlaneseq.u32;
	s19 =	smov.u32 s8;
	p0 =	por $0x1, $0x1;
	s15 =	sadd.s32 $0x1, s7  }
.LBB2_18:
0x30c: {  	s0 =	simm.s32 $0x2  }
0x30d: {  	_ =	swait.ge [sflag:s0], $0x0  }
0x30e: {  	[sflag:s0] =	ssyncset.done $0x0;
	s0 =	simm.s32 $0x0  }
.LBB2_19:
0x30f: {  	_ =	swait.ge [sflag:s17], s0  }
0x310: {  	s31 =	ssub.s32 $0x0, s0;
	v1 =	vmov s23;
	vm0 =	veq.s32 v0, $0x0;
	[sflag:s17] =	ssyncset.done $0x0  }
0x311: {  	vm15 =	veq.s32 v0, $0x2;
	v1 =	vsel vm0, s28, v1;
	[sflag:s17] =	ssyncadd.s32 s31  }
0x312: {  	v1 =	vsel vm15, s21, v1;
	[sflag:s17] =	ssyncpa.u1 $0x1  }
0x313: {  	[tilespmem:$0x6088] =	vst v1  }
.LBB2_20:
0x314: {  	s0 =	sadd.s32 $0x180, s19  }
0x315: {  	s1 =	smov.u32 s8;
	p1 =	slt.s32 s0, s9  }
0x316: {  	s1 =	smov.u32 @p1 s0;
	p1 =	sne.s32 s20, s15  }
.Ltmp1:
0x317: {  	_ = 	snop;
	(pc) =	sbr.rel @!p1 .LBB2_21-.Ltmp1, $4  }
0x318: {  	_ = 	snop  }
0x319: {  	s21 =	smov.u32 s18  }
0x31a: {  	s31 =	sadd.s32 $0x1, s20;
	s18 =	smov.u32 s19;
	p0 =	por !p0, !p0  }
0x31b: {  	p4 =	por !p4, !p4;
	s20 =	smov.u32 s31;
	s19 =	smov.u32 s1  }
.LBB2_1:
0x31c: {  	p2 =	sge.u32 s20, s7  }
0x31d: {  	s0 =	smulhi.u32 @!p2 $0xAAAAAAAB, s20  }
0x31e: {  	s1 =	smov.u32 s19;
	p3 =	sgt.s32 @!p2 s19, $0xC3380  }
0x31f: {  	s2 =	sshra.s32 @!p2 s19, $0x1F;
	p3 =	por !p3, p2;
	s0 =	sshrl.u32 @!p2 s0, $0x1  }
0x320: {  	s2 =	sand.u32 @!p2 s2, s19;
	s1 =	simm.s32 @p3 $0xC3380;
	s0 =	smul.u32 @!p2 $0x3, s0  }
0x321: {  	s1 =	ssub.s32 @!p2 s1, s2  }
0x322: {  	s22 =	sadd.s32 $0xFFFFFFFF, s20;
	s1 =	sadd.s32 @!p2 $0xFFF3CC80, s1;
	s0 =	ssub.s32 @!p2 s20, s0  }
0x323: {  	s2 =	sshll.u32 @!p2 s1, $0x2;
	p3 =	sgt.s32 @!p2 s1, $0x17F;
	s0 =	smul.u32 @!p2 $0x600, s0  }
0x324: {  	s5 =	sand.u32 @!p2 $0x7, s19;
	s1 =	ssub.s32 @!p2 $0x600, s2;
	p3 =	por !p3, p2  }
0x325: {  	s2 =	sshrl.u32 @!p2 s19, $0x3;
	s1 =	sshrl.u32 @!p2 s1, $0x2;
	s0 =	sshrl.u32 @!p2 s0, $0x2  }
0x326: {  	s2 =	sadd.s32 @!p2 s2, s13;
	s1 =	simm.s32 @!p3 $0x0;
	s0 =	sadd.s32 @!p2 $0x64C8, s0  }
0x327: {  	[tilespmem:s0], [sflag:$0xA] =	stream.linear.gather @!p2 [hbm4b:s2+s5], s1, $0x38;
	[tilespmem:$0x1EC48] =	vst v63  }
0x328: {  	p2 =	sge.u32 s22, s7  }
0x329: {  	p3 =	sgt.s32 @!p2 s18, $0xC3380  }
0x32a: {  	s0 =	smov.u32 s18;
	s1 =	sshra.s32 @!p2 s18, $0x1F;
	p3 =	por !p3, p2  }
0x32b: {  	s1 =	sand.u32 @!p2 s1, s18;
	s0 =	simm.s32 @p3 $0xC3380  }
0x32c: {  	s0 =	ssub.s32 @!p2 s0, s1  }
0x32d: {  	s0 =	sadd.s32 @!p2 $0xFFF3CC80, s0  }
0x32e: {  	s1 =	sshll.u32 @!p2 s0, $0x2  }
0x32f: {  	p3 =	sgt.s32 @!p2 s0, $0x17F;
	s0 =	ssub.s32 @!p2 $0x600, s1  }
0x330: {  	p3 =	por !p3, p2;
	s0 =	sshrl.u32 @!p2 s0, $0x2  }
0x331: {  	s2 =	simm.s32 @!p2 $0xA;
	s1 =	sand.u32 @!p2 $0x1, s22;
	s0 =	simm.s32 @!p3 $0x0  }
0x332: {  	s1 =	smul.u32 @!p2 $0x600, s1;
	_ =	swait.ge @!p2 [sflag:s2], s0  }
0x333: {  	s5 =	ssub.s32 @!p2 $0x0, s0;
	[sflag:s2] =	ssyncset.done @!p2 $0x0  }
0x334: {  	s1 =	sshrl.u32 @!p2 s1, $0x2;
	[sflag:s2] =	ssyncadd.s32 @!p2 s5;
	s2 =	sshrl.u32 @!p2 s18, $0x3  }
0x335: {  	s1 =	sadd.s32 @!p2 $0x6948, s1;
	s5 =	sand.u32 @!p2 $0x7, s18;
	s2 =	sadd.s32 @!p2 s2, s14  }
0x336: {  	[tilespmem:s1], [sflag:$0xB] =	stream.linear.gather @!p2 [hbm4b:s2+s5], s0, $0x38;
	[tilespmem:$0x1EC48] =	vst v63  }
0x337: {  	s0 =	ssub.s32 @!p2 $0xC3500, s18  }
0x338: {  	p3 =	slt.s32 @!p2 s0, $0x1  }
0x339: {  	p3 =	por p2, p3  }
.Ltmp2:
0x33a: {  	_ = 	snop;
	(pc) =	sbr.rel @p3 .LBB2_7-.Ltmp2, $1  }
0x33b: {  	_ =	sdelay $0x3  }
0x33c: {  	s1 =	smulhi.u32 $0xAAAAAAAB, s22;
	_ =	sdelay $0x1  }
0x33d: {  	s1 =	sshrl.u32 s1, $0x1  }
0x33e: {  	s1 =	smul.u32 $0x3, s1;
	_ =	sdelay $0x1  }
0x33f: {  	s1 =	ssub.s32 s22, s1  }
0x340: {  	s2 =	simm.s32 $0x1;
	s1 =	smul.u32 $0x600, s1  }
.Ltmp3:
0x341: {  	s2 =	simm.s32 @!p0 $0x0;
	(pc) =	sbr.rel .LBB2_4-.Ltmp3, $4  }
0x342: {  	s2 =	smul.u32 $0x30000, s2  }
0x343: {  	p3 =	slt.s32 @!p2 s0, $0x180;
	s1 =	sshrl.u32 s1, $0x2  }
0x344: {  	p2 =	por !p3, p2;
	s2 =	sshrl.u32 s2, $0x2;
	s1 =	sadd.s32 $0x64C8, s1  }
0x345: {  	s23 =	simm.s32 $0x0;
	s0 =	simm.s32 @p2 $0x180;
	s22 =	sadd.s32 $0x6C48, s2;
	v1 =	vmov s1  }
.LBB2_3:
0x346: {  	p2 =	sge.s32 s23, s0  }
.Ltmp4:
0x347: {  	_ = 	snop;
	(pc) =	sbr.rel @p2 .LBB2_7-.Ltmp4, $2  }
0x348: {  	_ =	sdelay $0x2  }
0x349: {  	s22 =	sadd.s32 $0x800, s22  }
.LBB2_4:
0x34a: {  	p2 =	sle.s32 s0, s23  }
.Ltmp5:
0x34b: {  	_ = 	snop;
	(pc) =	sbr.rel @p2 .LBB2_3-.Ltmp5, $2  }
0x34c: {  	_ =	sdelay $0x2  }
0x34d: {  	s24 =	smov.u32 s23;
	s23 =	sadd.s32 $0x10, s23  }
0x34e: {  	s1 =	ssub.s32 s0, s24  }
0x34f: {  	p2 =	slt.s32 s1, $0x10  }
0x350: {  	s1 =	simm.s32 @!p2 $0x10  }
0x351: {  	v2 =	vmov s1  }
0x352: {  	vm0 =	vgt.s32 v2, v0;
	_ =	sdelay $0x5  }
0x353: {  	v2 =	vld.idx.msk [tilespmem:v1+s24+$0x0 ss:$0x1], vm0;
	_ =	sdelay $0x2  }
0x354: {  	p2 =	slt.s32 s23, s0;
	s1 =	smov.u32 s0  }
0x355: {  	s2 =	smov.u32 s22;
	s25 =	simm.s32 $0x0;
	s1 =	smov.u32 @p2 s23  }
.LBB2_6:
0x356: {  	(v2sf) =	vpush v2, s25;
	_ =	sdelay $0xc  }
0x357: {  	s25 =	sadd.s32 $0x1, s25  }
0x358: {  	s31 =	sadd.s32 s25, s24  }
0x359: {  	p2 =	slt.s32 s31, s1;
	s5 =	spop (v2sf)  }
.Ltmp6:
0x35a: {  	s5 =	sshll.u32 s5, $0x4;
	(pc) =	sbr.rel @p2 .LBB2_6-.Ltmp6, $4  }
0x35b: {  	s5 =	sand.u32 $0x1FFFFFF0, s5  }
0x35c: {  	s5 =	sadd.s32 s6, s5  }
0x35d: {  	[tilespmem:s2], [sflag:$0x9] =	stream.linear.gather [hbm4b:s5+s16], $0x18, $0x38;
	[tilespmem:$0x1EC48] =	vst v63  }
0x35e: {  	s2 =	sadd.s32 $0x80, s2  }
.Ltmp7:
0x35f: {  	_ = 	snop;
	(pc) =	sbr.rel .LBB2_3-.Ltmp7, $1  }
0x360: {  	_ =	sdelay $0x3  }
.LBB2_7:
0x361: {  	p2 =	slt.u32 s20, $0x2  }
.Ltmp8:
0x362: {  	_ = 	snop;
	(pc) =	sbr.rel @p2 .LBB2_20-.Ltmp8, $1  }
0x363: {  	_ =	sdelay $0x3  }
0x364: {  	s0 =	ssub.s32 $0xC3500, s21;
	p2 =	sgt.s32 s21, $0xC3380  }
0x365: {  	s1 =	smov.u32 s21;
	s2 =	sshra.s32 s21, $0x1F;
	p3 =	slt.s32 s0, $0x180  }
0x366: {  	s1 =	simm.s32 @!p2 $0xC3380;
	s2 =	sand.u32 s2, s21;
	s0 =	simm.s32 @!p3 $0x180  }
0x367: {  	s1 =	ssub.s32 s1, s2;
	s0 =	smul.u32 $0x60, s0  }
0x368: {  	s1 =	sadd.s32 $0xFFF3CC80, s1  }
0x369: {  	s26 =	sshll.u32 s1, $0x2;
	s0 =	sshrl.u32 s0, $0x2  }
0x36a: {  	p2 =	sgt.s32 s1, $0x17F;
	s28 =	ssub.s32 $0x600, s26;
	_ =	swait.ge [sflag:s11], s0  }
0x36b: {  	s0 =	ssub.s32 $0x0, s0;
	s1 =	sshrl.u32 s28, $0x2;
	[sflag:s11] =	ssyncset.done $0x0  }
0x36c: {  	s1 =	simm.s32 @p2 $0x0;
	[sflag:s11] =	ssyncadd.s32 s0  }
0x36d: {  	_ =	swait.ge [sflag:s12], s1  }
0x36e: {  	s29 =	ssub.s32 $0x0, s1;
	[sflag:s12] =	ssyncset.done $0x0  }
0x36f: {  	[sflag:s12] =	ssyncadd.s32 s29  }
0x370: {  	v1 =	vld [tilespmem:$0x6088];
	_ =	sdelay $0x4  }
0x371: {  	(v2sf) =	vpush v1, $0x0  }
0x372: {  	(v2sf) =	vpush v1, $0x1  }
0x373: {  	(v2sf) =	vpush v1, $0x2;
	_ =	sdelay $0x3  }
0x374: {  	s0 =	sadd.s32 $0x180, s21  }
0x375: {  	p2 =	slt.s32 s9, s0;
	s1 =	ssub.s32 $0x186A00, s21  }
0x376: {  	s0 =	smov.u32 @p2 s9;
	p2 =	sgt.s32 s1, $0x0  }
0x377: {  	s0 =	ssub.s32 s0, s21;
	s1 =	simm.s32 @!p2 $0x0  }
0x378: {  	p2 =	slt.s32 s1, s0  }
0x379: {  	s0 =	smov.u32 @p2 s1  }
0x37a: {  	s24 =	simm.s32 $0x1;
	p2 =	slt.s32 s0, $0x1  }
.Ltmp9:
0x37b: {  	s24 =	simm.s32 @!p4 $0x0;
	(pc) =	sbr.rel @p2 .LBB2_12-.Ltmp9, $4  }
0x37c: {  	s30 =	smul.u32 $0x600, s24  }
0x37d: {  	s25 =	spop (v2sf)  }
0x37e: {  	s31 =	sshrl.u32 s30, $0x2;
	s26 =	spop (v2sf)  }
0x37f: {  	s22 =	sadd.s32 $0x6948, s31;
	s21 =	spop (v2sf)  }
0x380: {  	s1 =	smin.u32 s0, $0x10  }
0x381: {  	v1 =	vmov s1  }
0x382: {  	p3 =	sgt.s32 s0, $0x10;
	vm1 =	vgt.u32 v1, v0  }
.Ltmp10:
0x383: {  	_ = 	snop;
	(pc) =	sbr.rel @!p3 .LBB2_11-.Ltmp10, $2  }
0x384: {  	_ =	sdelay $0x2  }
0x385: {  	s28 =	simm.s32 $0x10;
	s29 =	sadd.s32 $0xFFFFFFF0, s0;
	s23 =	smov.u32 s22;
	vm0 =	vmmov vm1  }
.LBB2_10:
0x386: {  	s1 =	smin.u32 s29, $0x10;
	s28 =	sadd.s32 $0x10, s28;
	v1 =	vld.msk [tilespmem:s23+$0x0 ss:$0x1], vm1  }
0x387: {  	v2 =	vmov s1;
	p3 =	slt.s32 s28, s0  }
0x388: {  	vm1 =	vgt.u32 v2, v0  }
.Ltmp11:
0x389: {  	(pc) =	sbr.rel @p3 .LBB2_10-.Ltmp11, $3  }
0x38a: {  	_ =	sdelay $0x1  }
0x38b: {  	v1 =	vshll.u32 v1, $0x4  }
0x38c: {  	s29 =	sadd.s32 $0xFFFFFFF0, s29;
	[tilespmem:s23+$0x0] =	vst.msk vm0, v1;
	s23 =	sadd.s32 $0x10, s23;
	vm0 =	vmmov vm1  }
.LBB2_11:
0x38d: {  	_ =	sdelay $0x4  }
0x38e: {  	v1 =	vld.msk [tilespmem:s23+$0x0 ss:$0x1], vm1;
	_ =	sdelay $0x4  }
0x38f: {  	v1 =	vshll.u32 v1, $0x4  }
0x390: {  	[tilespmem:s23+$0x0] =	vst.msk vm0, v1  }
.LBB2_12:
0x391: {  	s1 =	sand.u32 $0x1, s20  }
0x392: {  	s1 =	smul.u32 $0x180, s1  }
0x393: {  	p3 =	sne.s32 s26, $0xFFFFFFFF  }
0x394: {  	v1 =	vld.msk @!p3 [tilespmem:s1+$0x6948], $0x1;
	_ =	sdelay $0x4  }
0x395: {  	(v2sf) =	vpush @!p3 v1, $0x0;
	_ =	sdelay $0xc  }
.Ltmp12:
0x396: {  	_ = 	snop;
	(pc) =	sbr.rel @p2 .LBB2_18-.Ltmp12, $4  }
0x397: {  	_ = 	snop  }
0x398: {  	s28 =	spop @!p3 (v2sf)  }
0x399: {  	s21 =	simm.s32 @!p3 $0x0;
	s23 =	smov.u32 s28  }
0x39a: {  	[sflag:s17] =	ssyncpa.u1 $0x0;
	s28 =	smov.u32 @p3 s25;
	s23 =	smov.u32 @p3 s26  }
0x39b: {  	v1 =	vld.msk [tilespmem:s22+$0x0], $0x1;
	_ =	sdelay $0x4  }
0x39c: {  	(v2sf) =	vpush v1, $0x0;
	_ =	sdelay $0xd  }
0x39d: {  	s1 =	simm.s32 @!p4 $0x0  }
0x39e: {  	s26 =	smul.u32 $0x30000, s24;
	s29 =	ssub.s32 $0x0, s0;
	s30 =	spop (v2sf)  }
0x39f: {  	s1 =	simm.s32 @p4 $0x1;
	s0 =	sadd.s32 $0x1, s29;
	p2 =	seq.s32 s28, s30  }
0x3a0: {  	[smem:$0x7FD] =	sst s1;
	s1 =	sshrl.u32 s26, $0x2;
	p3 =	sgt.s32 @!p2 s28, $0x0  }
0x3a1: {  	s24 =	sadd.s32 $0x6C58, s1;
	s1 =	smov.u32 s28;
	p3 =	por !p3, p2  }
0x3a2: {  	s1 =	simm.s32 @p3 $0x0;
	p3 =	seq.s32 s0, $0x0  }
.Ltmp13:
0x3a3: {  	_ = 	snop;
	(pc) =	sbr.rel @p3 .LBB2_15-.Ltmp13, $4  }
0x3a4: {  	_ = 	snop  }
0x3a5: {  	s25 =	simm.s32 $0x0;
	s31 =	simm.s32 @!p2 $0x1;
	s2 =	smin.u32 @!p2 s1, $0xC34FD  }
0x3a6: {  	s26 =	sadd.s32 $0x1, s22;
	s31 =	smov.u32 @p2 s25;
	s5 =	sand.u32 @!p2 $0xFFFF8, s2  }
0x3a7: {  	s1 =	simm.s32 @!p2 $0x3068;
	s2 =	sand.u32 @!p2 $0x7, s2;
	s5 =	sadd.s32 @!p2 s3, s5  }
.LBB2_14:
0x3a8: {  	s4 =	smov.u32 s31  }
0x3a9: {  	[tilespmem:s1], [sflag:$0x2] =	stream.linear.gather @!p2 [hbm4b:s5+s2], $0x18, $0x38;
	[tilespmem:$0x1EC48] =	vst v63  }
0x3aa: {  	s0 =	sadd.s32 $0x1, s0;
	s2 =	smov.u32 s30;
	v1 =	vld.msk [tilespmem:s26+$0x0], $0x1  }
0x3ab: {  	p3 =	seq.s32 s0, $0x0;
	_ =	sdelay $0x3  }
0x3ac: {  	(v2sf) =	vpush v1, $0x0;
	_ =	sdelay $0xe  }
0x3ad: {  	s30 =	spop (v2sf)  }
0x3ae: {  	p2 =	seq.s32 s2, s30  }
0x3af: {  	p4 =	sgt.s32 @!p2 s2, $0x0;
	s1 =	sshll.u32 @!p2 s31, $0x7;
	s31 =	sadd.s32 @!p2 $0x1, s31  }
.Ltmp14:
0x3b0: {  	p4 =	por !p4, p2;
	s1 =	sshra.s32 @!p2 s1, $0x2;
	(pc) =	sbr.rel @!p3 .LBB2_14-.Ltmp14, $4  }
0x3b1: {  	s31 =	smov.u32 @p2 s4;
	s2 =	simm.s32 @p4 $0x0;
	s1 =	sadd.s32 @!p2 $0x3068, s1  }
0x3b2: {  	s2 =	smin.u32 @!p2 s2, $0xC34FD  }
0x3b3: {  	s4 =	sand.u32 @!p2 $0xFFFF8, s2;
	s2 =	sand.u32 @!p2 $0x7, s2  }
0x3b4: {  	s26 =	sadd.s32 $0x1, s26;
	s5 =	sadd.s32 @!p2 s3, s4  }
.LBB2_15:
0x3b5: {  	s0 =	smul.u32 $0x60, s31  }
0x3b6: {  	[tilespmem:s1], [sflag:$0x2] =	stream.linear.gather @!p2 [hbm4b:s5+s2], $0x18, $0x38;
	[tilespmem:$0x1EC48] =	vst v63  }
0x3b7: {  	s31 =	simm.s32 $0x2;
	s0 =	sshrl.u32 s0, $0x2  }
0x3b8: {  	_ =	swait.ge [sflag:s31], s0  }
0x3b9: {  	s0 =	ssub.s32 $0x0, s0;
	[sflag:s31] =	ssyncset.done $0x0  }
0x3ba: {  	[sflag:s31] =	ssyncadd.s32 s0  }
0x3bb: {  	v1 =	vld.msk [tilespmem:s22+$0x0], $0x1;
	_ =	sdelay $0x4  }
0x3bc: {  	(v2sf) =	vpush v1, $0x0;
	_ =	sdelay $0xe  }
0x3bd: {  	s26 =	spop (v2sf)  }
0x3be: {  	p2 =	sne.s32 s28, s26  }
0x3bf: {  	p4 =	sne.s32 @p2 s28, s23  }
0x3c0: {  	p3 =	por !p4, !p2  }
0x3c1: {  	s0 =	simm.s32 @!p3 $0x0  }
0x3c2: {  	v1 =	vld @!p3 [tilespmem:s0+$0x3068];
	_ =	sdelay $0x2  }
0x3c3: {  	s1 =	sshll.u32 @!p3 s21, $0x7  }
0x3c4: {  	s1 =	sshra.s32 @!p3 s1, $0x2  }
0x3c5: {  	[tilespmem:s1+$0x48] =	vst.add.f32.msk @!p3 $0xffff, v1  }
0x3c6: {  	v1 =	vld.msk @!p3 [tilespmem:s0+$0x3078], $0xff  }
0x3c7: {  	p5 =	sgt.u32 @!p3 s28, $0xC34FD  }
0x3c8: {  	p6 =	por @p2 p5, !p4  }
0x3c9: {  	p1 =	por p6, !p2;
	p6 =	por p4, !p2  }
0x3ca: {  	s4 =	sand.u32 @!p1 $0xFFFF8, s28;
	s5 =	sshll.u32 @!p6 s21, $0x7;
	s28 =	sand.u32 @!p1 $0x7, s28  }
0x3cb: {  	s0 =	sadd.s32 @!p3 $0x48, s1;
	[tilespmem:s1+$0x58] =	vst.add.f32.msk @!p3 $0xff, v1;
	s1 =	sadd.s32 @!p1 s3, s4;
	s4 =	sshra.s32 @!p6 s5, $0x2  }
0x3cc: {  	[hbm4b:s1+s28] =	stream.linear.scatter @!p1 [tilespmem:s0], [sflag:$0xC], $0x18, $0x38;
	[tilespmem:$0x1EC48] =	vst v63  }
0x3cd: {  	s2 =	rddreg [dreg:$0x4];
	s0 =	sadd.s32 @!p6 $0x48, s4;
	s1 =	simm.s32 @!p6 $0x1  }
0x3ce: {  	[spmem:s2] =	stream.linear.scatter @!p6 [tilespmem:s0], [sflag:$0x1], $0x18, $0x38;
	[tilespmem:$0x1EC48] =	vst v63  }
0x3cf: {  	s0 =	sadd.s32 @p2 $0x1, s21;
	_ =	swait.ge @!p6 [sflag:s1], $0x18  }
0x3d0: {  	s2 =	smulhi.u32 @p2 $0xAAAAAAAB, s0;
	[sflag:s1] =	ssyncset.done @!p6 $0x0  }
0x3d1: {  	[sflag:s1] =	ssyncadd.s32 @!p6 $0xFFFFFFE8  }
0x3d2: {  	s1 =	sshrl.u32 @p2 s2, $0x8;
	v1 =	vld @p2 [tilespmem:s24+$0xFFFFFFF0]  }
0x3d3: {  	s1 =	smul.u32 @p2 $0x180, s1;
	_ =	sdelay $0x1  }
0x3d4: {  	s1 =	ssub.s32 @p2 s0, s1  }
0x3d5: {  	s0 =	sshll.u32 @p2 s1, $0x5  }
0x3d6: {  	[tilespmem:s0+$0x48] =	vst @p2 v1  }
0x3d7: {  	v1 =	vld.msk @p2 [tilespmem:s24+$0x0], $0xff;
	_ =	sdelay $0x4  }
0x3d8: {  	p1 =	por @p2 !p5, !p4;
	[tilespmem:s0+$0x58] =	vst.msk @p2 $0xff, v1  }
0x3d9: {  	s28 =	sadd.s32 $0x1, s29;
	p1 =	por !p1, !p2;
	s0 =	simm.s32 @!p3 $0x0;
	v1 =	vld @!p2 [tilespmem:s24+$0xFFFFFFF0]  }
0x3da: {  	s0 =	simm.s32 @!p1 $0x60;
	p1 =	seq.s32 s28, $0x0  }
.Ltmp15:
0x3db: {  	_ = 	snop;
	(pc) =	sbr.rel @p1 .LBB2_17-.Ltmp15, $4  }
0x3dc: {  	s2 =	sshll.u32 @!p2 s21, $0x7  }
0x3dd: {  	s5 =	sadd.s32 @!p3 $0x0, s0;
	s0 =	sshra.s32 @!p2 s2, $0x2  }
0x3de: {  	s4 =	simm.s32 @p2 $0x1;
	s29 =	simm.s32 $0x0;
	s5 =	smov.u32 @p3 s25;
	[tilespmem:s0+$0x48] =	vst.add.f32.msk @!p2 $0xffff, v1  }
0x3df: {  	s29 =	smov.u32 @p2 s4;
	s21 =	smov.u32 @p2 s1;
	s25 =	smov.u32 @p2 s5;
	v1 =	vld.msk @!p2 [tilespmem:s24+$0x0], $0xff  }
.LBB2_16:
0x3e0: {  	_ =	sdelay $0x3  }
0x3e1: {  	s22 =	sadd.s32 $0x1, s22;
	[tilespmem:s0+$0x58] =	vst.add.f32.msk @!p2 $0xff, v1  }
0x3e2: {  	v1 =	vld.msk [tilespmem:s22+$0x0], $0x1;
	_ =	sdelay $0x4  }
0x3e3: {  	(v2sf) =	vpush v1, $0x0;
	_ =	sdelay $0xe  }
0x3e4: {  	s31 =	smov.u32 s26;
	s26 =	spop (v2sf)  }
0x3e5: {  	p2 =	sne.s32 s31, s26  }
0x3e6: {  	p5 =	sne.s32 @p2 s31, s23  }
0x3e7: {  	p4 =	por !p5, !p2  }
0x3e8: {  	s1 =	sadd.s32 @p2 $0x1, s21;
	s4 =	sadd.s32 @p2 $0x1, s29;
	s5 =	sshll.u32 @!p4 s29, $0x7  }
0x3e9: {  	s2 =	smulhi.u32 @p2 $0xAAAAAAAB, s1;
	s29 =	smov.u32 @p2 s4;
	s4 =	sshra.s32 @!p4 s5, $0x2  }
0x3ea: {  	v1 =	vld @!p4 [tilespmem:s4+$0x3068]  }
0x3eb: {  	s2 =	sshrl.u32 @p2 s2, $0x8  }
0x3ec: {  	s2 =	smul.u32 @p2 $0x180, s2  }
0x3ed: {  	s10 =	sshll.u32 @!p4 s21, $0x7  }
0x3ee: {  	p1 =	sgt.u32 @!p4 s31, $0xC34FD;
	s1 =	ssub.s32 @p2 s1, s2;
	s2 =	sshra.s32 @!p4 s10, $0x2  }
0x3ef: {  	p6 =	por @p2 p1, !p5;
	p1 =	por @p2 !p1, !p5;
	[tilespmem:s2+$0x48] =	vst.add.f32.msk @!p4 $0xffff, v1  }
0x3f0: {  	s5 =	simm.s32 @!p4 $0x0;
	p1 =	por !p1, !p2;
	v1 =	vld.msk @!p4 [tilespmem:s4+$0x3078], $0xff  }
0x3f1: {  	s5 =	simm.s32 @!p1 $0x60  }
0x3f2: {  	s0 =	smov.u32 s21;
	p5 =	por p5, !p2;
	s5 =	sadd.s32 @!p4 s5, s25  }
0x3f3: {  	s0 =	sshll.u32 @!p5 s0, $0x7;
	p1 =	por p6, !p2;
	s5 =	smov.u32 @p4 s25  }
0x3f4: {  	s0 =	sshra.s32 @!p5 s0, $0x2;
	s25 =	smov.u32 @p2 s5;
	s5 =	sand.u32 @!p1 $0xFFFF8, s31  }
0x3f5: {  	s10 =	sadd.s32 @!p4 $0x48, s2;
	s31 =	sand.u32 @!p1 $0x7, s31;
	[tilespmem:s2+$0x58] =	vst.add.f32.msk @!p4 $0xff, v1;
	s2 =	sadd.s32 @!p1 s3, s5  }
0x3f6: {  	[hbm4b:s2+s31] =	stream.linear.scatter @!p1 [tilespmem:s10], [sflag:$0xC], $0x18, $0x38;
	[tilespmem:$0x1EC48] =	vst v63  }
0x3f7: {  	s0 =	sadd.s32 @!p5 $0x48, s0;
	s4 =	rddreg [dreg:$0x4];
	s2 =	simm.s32 @!p5 $0x1  }
0x3f8: {  	[spmem:s4] =	stream.linear.scatter @!p5 [tilespmem:s0], [sflag:$0x1], $0x18, $0x38;
	[tilespmem:$0x1EC48] =	vst v63  }
0x3f9: {  	_ =	swait.ge @!p5 [sflag:s2], $0x18  }
0x3fa: {  	[sflag:s2] =	ssyncset.done @!p5 $0x0  }
0x3fb: {  	s24 =	sadd.s32 $0x80, s24;
	[sflag:s2] =	ssyncadd.s32 @!p5 $0xFFFFFFE8  }
0x3fc: {  	v1 =	vld @p2 [tilespmem:s24+$0xFFFFFFF0];
	_ =	sdelay $0x3  }
0x3fd: {  	s0 =	sshll.u32 @p2 s1, $0x5  }
0x3fe: {  	[tilespmem:s0+$0x48] =	vst @p2 v1  }
0x3ff: {  	v1 =	vld.msk @p2 [tilespmem:s24+$0x0], $0xff;
	_ =	sdelay $0x4  }
0x400: {  	[tilespmem:s0+$0x58] =	vst.msk @p2 $0xff, v1  }
0x401: {  	s28 =	sadd.s32 $0x1, s28;
	v1 =	vld @!p2 [tilespmem:s24+$0xFFFFFFF0]  }
0x402: {  	p3 =	seq.s32 s28, $0x0  }
.Ltmp16:
0x403: {  	_ = 	snop;
	(pc) =	sbr.rel @!p3 .LBB2_16-.Ltmp16, $4  }
0x404: {  	s30 =	sshll.u32 @!p2 s21, $0x7  }
0x405: {  	s0 =	sshra.s32 @!p2 s30, $0x2  }
0x406: {  	[tilespmem:s0+$0x48] =	vst.add.f32.msk @!p2 $0xffff, v1  }
0x407: {  	s21 =	smov.u32 @p2 s1;
	v1 =	vld.msk @!p2 [tilespmem:s24+$0x0], $0xff  }
.LBB2_17:
.Ltmp17:
0x408: {  	_ = 	snop;
	(pc) =	sbr.rel .LBB2_19-.Ltmp17, $2  }
0x409: {  	s1 =	sld [smem:$0x7FD];
	_ =	sdelay $0x2  }
0x40a: {  	s28 =	smov.u32 s26;
	p4 =	seq.s32 s1, $0x1;
	[tilespmem:s0+$0x58] =	vst.add.f32.msk @!p2 $0xff, v1;
	s0 =	sshrl.u32 s25, $0x2  }
.LBB2_21:
0x40b: {  	_ =	sfence.sel $0x180000  }
0x40c: {  	s0 =	simm.s32 $0x9;
	[bflag:$0x0] =	sbarrier.arrive $0xFFFF  }
0x40d: {  	s24 =	simm.s32 $0xA;
	[sflag:s0] =	ssyncpa.u1 $0x1  }
0x40e: {  	s25 =	simm.s32 $0xB;
	[sflag:s24] =	ssyncpa.u1 $0x1  }
0x40f: {  	s26 =	simm.s32 $0x2;
	[sflag:s25] =	ssyncpa.u1 $0x1  }
0x410: {  	[sflag:s26] =	ssyncpa.u1 $0x1  }
0x411: {  	v0 =	vld [tilespmem:$0x6088];
	_ =	sdelay $0x4  }
0x412: {  	(v2sf) =	vpush v0, $0x0  }
0x413: {  	(v2sf) =	vpush v0, $0x1;
	_ =	sdelay $0x1  }
0x414: {  	(v2sf) =	vpush v0, $0x2;
	_ =	sdelay $0xb  }
0x415: {  	s0 =	spop (v2sf)  }
0x416: {  	s1 =	spop (v2sf)  }
0x417: {  	s2 =	smov.u32 s0;
	p0 =	sne.s32 s0, s1  }
0x418: {  	s4 =	spop (v2sf);
	s2 =	simm.s32 @!p0 $0xFFFFFFFF  }
0x419: {  	v2 =	vimm.s32 $0x1;
	v3 =	vlaneseq.u32;
	p0 =	seq.s32 s4, $0xFFFFFFFF;
	v1 =	vmov s2  }
0x41a: {  	s15 =	stileid.u32;
	v0 =	vperm.xlane v0, v2;
	p1 =	sne.s32 @!p0 s0, s1;
	v1 =	vperm.xlane v1, v3  }
0x41b: {  	vm0 =	vcmask $0x3F04;
	s6 =	simm.s32 $0x6088;
	s0 =	simm.s32 @!p0 $0x1;
	p1 =	por !p1, p0  }
0x41c: {  	s2 =	sshll.u32 s15, $0x1;
	s1 =	sshll.u32 @!p0 s4, $0x7;
	s0 =	simm.s32 @p1 $0x0;
	v0 =	vsel vm0, v1, v0  }
0x41d: {  	s5 =	sor.u32 $0x400, s2;
	s1 =	sshra.s32 @!p0 s1, $0x2;
	s0 =	sor.u32 @!p0 s0, s2;
	[tilespmem:$0x6088] =	vst v0  }
0x41e: {  	[spmem:s5] =	stream.linear.scatter [tilespmem:s6], [sflag:$0x1], $0x2, $0x38;
	[tilespmem:$0x1EC48] =	vst v63  }
0x41f: {  	s1 =	sadd.s32 @!p0 $0x48, s1;
	s0 =	sshll.u32 @!p0 s0, $0x5  }
0x420: {  	[spmem:s0] =	stream.linear.scatter @!p0 [tilespmem:s1], [sflag:$0x1], $0x20, $0x38;
	[tilespmem:$0x1EC48] =	vst v63  }
0x421: {  	s0 =	simm.s32 @!p0 $0x22  }
0x422: {  	s28 =	simm.s32 $0x1;
	s0 =	simm.s32 @p0 $0x2  }
0x423: {  	_ =	swait.ge [sflag:s28], s0  }
0x424: {  	s0 =	ssub.s32 $0x0, s0;
	[sflag:s28] =	ssyncset.done $0x0  }
0x425: {  	p0 =	sne.s32 s15, $0x0;
	[sflag:s28] =	ssyncadd.s32 s0  }
.Ltmp18:
0x426: {  	_ =	sfence.stream.spmem;
	(pc) =	sbr.rel @p0 .LBB2_38-.Ltmp18, $4  }
0x427: {  	s29 =	simm.s32 $0x3;
	[bflag:$0x0] =	sbarrier.arrive $0xFFFF  }
0x428: {  	s30 =	simm.s32 $0x4;
	[sflag:s29] =	ssyncpa.u1 $0x1  }
0x429: {  	s31 =	simm.s32 $0x3C;
	[sflag:s30] =	ssyncpa.u1 $0x1  }
0x42a: {  	s16 =	rddreg [dreg:$0x5];
	[sflag:s31] =	ssyncpa.u1 $0x1  }
0x42b: {  	_ =	sfence.stream.spmem;
	s0 =	simm.s32 $0x5  }
0x42c: {  	s1 =	simm.s32 $0x400;
	s2 =	simm.s32 $0x6098;
	[sflag:s0] =	ssyncpa.u1 $0x0  }
0x42d: {  	[tilespmem:s2], [sflag:$0x5] =	stream.linear.gather [spmem:s1], $0x20, $0x38;
	[tilespmem:$0x1EC48] =	vst v63  }
0x42e: {  	s26 =	simm.s32 $0x0;
	s28 =	simm.s32 $0x60B8  }
0x42f: {  	[tilespmem:s28], [sflag:$0x5] =	stream.linear.gather [spmem:s26], $0x400, $0x38;
	[tilespmem:$0x1EC48] =	vst v63  }
0x430: {  	_ =	swait.ge [sflag:s0], $0x420  }
0x431: {  	[sflag:s0] =	ssyncset.done $0x0  }
0x432: {  	s29 =	simm.s32 $0x0;
	[sflag:s0] =	ssyncadd.s32 $0xFFFFFBE0  }
0x433: {  	v0 =	vld.msk [tilespmem:s29+$0x6098], $0x1;
	_ =	sdelay $0x1  }
0x434: {  	s30 =	simm.s32 $0x1  }
0x435: {  	v1 =	vld.msk [tilespmem:s30+$0x6098], $0x1;
	_ =	sdelay $0x1  }
0x436: {  	(v2sf) =	vpush v0, $0x0;
	_ =	sdelay $0x2  }
0x437: {  	(v2sf) =	vpush v1, $0x0;
	_ =	sdelay $0x2  }
0x438: {  	s31 =	simm.s32 $0x2  }
0x439: {  	v0 =	vld.msk [tilespmem:s31+$0x6098], $0x1;
	_ =	sdelay $0x2  }
0x43a: {  	s6 =	simm.s32 $0xFFFFFFFF;
	s1 =	simm.s32 $0xFFFFFFFF;
	s0 =	simm.s32 $0xC  }
.LBB2_23:
0x43b: {  	s2 =	smov.u32 s6;
	s4 =	smov.u32 s1  }
0x43c: {  	s1 =	sshra.s32 s0, $0x2;
	p1 =	sne.s32 s0, $0x7C;
	s0 =	sadd.s32 $0x4, s0;
	(v2sf) =	vpush v0, $0x0  }
0x43d: {  	v0 =	vld.msk [tilespmem:s1+$0x6098], $0x1  }
.Ltmp19:
0x43e: {  	(pc) =	sbr.rel @p1 .LBB2_23-.Ltmp19, $4  }
0x43f: {  	s6 =	spop (v2sf)  }
0x440: {  	p2 =	sne.s32 s4, $0xFFFFFFFF;
	s1 =	smov.u32 s6  }
0x441: {  	p3 =	seq.s32 s6, $0xFFFFFFFF;
	s1 =	smov.u32 @p2 s4  }
0x442: {  	s6 =	smov.u32 @p3 s2;
	s1 =	smov.u32 @p3 s4  }
0x443: {  	(v2sf) =	vpush v0, $0x0;
	_ =	sdelay $0x8  }
0x444: {  	s0 =	spop (v2sf)  }
0x445: {  	p1 =	sne.s32 s1, $0xFFFFFFFF;
	s2 =	smov.u32 s0  }
0x446: {  	s9 =	simm.s32 $0x6;
	p2 =	seq.s32 s0, $0xFFFFFFFF;
	s2 =	smov.u32 @p1 s1  }
0x447: {  	s10 =	simm.s32 $0x6068;
	s2 =	smov.u32 @p2 s1;
	s1 =	spop (v2sf)  }
0x448: {  	s0 =	smov.u32 @p2 s6;
	p1 =	sne.s32 s2, $0xFFFFFFFF;
	s4 =	smov.u32 s1  }
.Ltmp20:
0x449: {  	p2 =	seq.s32 s1, $0xFFFFFFFF;
	s4 =	smov.u32 @p1 s2;
	(pc) =	sbr.rel .LBB2_25-.Ltmp20, $4  }
0x44a: {  	s11 =	simm.s32 $0x0;
	s4 =	smov.u32 @p2 s2;
	s7 =	spop (v2sf)  }
0x44b: {  	[sflag:s9] =	ssyncpa.u1 $0x0;
	p1 =	sne.s32 s4, $0xFFFFFFFF;
	s8 =	smov.u32 s7  }
0x44c: {  	s1 =	smov.u32 @p2 s0;
	p2 =	seq.s32 s7, $0xFFFFFFFF;
	s8 =	smov.u32 @p1 s4  }
0x44d: {  	s6 =	simm.s32 $0x0;
	s7 =	smov.u32 @p2 s1;
	s8 =	smov.u32 @p2 s4  }
.LBB2_31:
0x44e: {  	p1 =	sgt.u32 s12, $0xC34FD  }
0x44f: {  	p2 =	seq.s32 @!p1 s12, s8  }
0x450: {  	p1 =	por p1, p2  }
0x451: {  	p2 =	sne.s32 @!p1 s12, s7  }
0x452: {  	p1 =	por p1, !p2  }
0x453: {  	s0 =	sshll.u32 @p1 s11, $0x7  }
0x454: {  	s0 =	sand.u32 @!p1 $0xFFFF8, s12  }
0x455: {  	s1 =	sand.u32 @!p1 $0x7, s12;
	s0 =	sadd.s32 @!p1 s3, s0  }
0x456: {  	[tilespmem:s10], [sflag:$0x6] =	stream.linear.gather @!p1 [hbm4b:s0+s1], $0x18, $0x38;
	[tilespmem:$0x1EC48] =	vst v63  }
0x457: {  	_ =	swait.ge @!p1 [sflag:s9], $0x18  }
0x458: {  	[sflag:s9] =	ssyncset.done @!p1 $0x0  }
0x459: {  	[sflag:s9] =	ssyncadd.s32 @!p1 $0xFFFFFFE8  }
0x45a: {  	v1 =	vld @!p1 [tilespmem:$0x6068];
	_ =	sdelay $0x2  }
0x45b: {  	s0 =	sshll.u32 @!p1 s11, $0x7  }
0x45c: {  	s1 =	sshrl.u32 @!p1 s0, $0x2  }
0x45d: {  	[tilespmem:s1+$0x60B8] =	vst.add.f32.msk @!p1 $0xffff, v1  }
0x45e: {  	v1 =	vld @!p1 [tilespmem:$0x6078];
	_ =	sdelay $0x4  }
0x45f: {  	[tilespmem:s1+$0x60C8] =	vst.add.f32.msk @!p1 $0xffff, v1  }
0x460: {  	s0 =	sshrl.u32 s0, $0x2;
	[tilespmem:s6+$0x6098] =	vst.msk $0x1, v0  }
0x461: {  	v0 =	vld [tilespmem:s0+$0x60B8];
	_ =	sdelay $0x2  }
0x462: {  	s31 =	sshll.u32 s6, $0x7  }
0x463: {  	s1 =	sshra.s32 s31, $0x2  }
0x464: {  	[tilespmem:s1+$0x60B8] =	vst v0  }
0x465: {  	v0 =	vld [tilespmem:s0+$0x60C8];
	_ =	sdelay $0x4  }
0x466: {  	s6 =	sadd.s32 $0x1, s6;
	[tilespmem:s1+$0x60C8] =	vst v0  }
.LBB2_32:
0x467: {  	s11 =	sadd.s32 $0x1, s11  }
0x468: {  	p1 =	sne.s32 s11, $0x20  }
.Ltmp21:
0x469: {  	_ = 	snop;
	(pc) =	sbr.rel @!p1 .LBB2_33-.Ltmp21, $1  }
0x46a: {  	_ =	sdelay $0x3  }
.LBB2_25:
0x46b: {  	v0 =	vld.msk [tilespmem:s11+$0x6098], $0x1;
	_ =	sdelay $0x4  }
0x46c: {  	(v2sf) =	vpush v0, $0x0;
	_ =	sdelay $0xe  }
0x46d: {  	s12 =	spop (v2sf)  }
0x46e: {  	p1 =	seq.s32 s12, $0xFFFFFFFF  }
.Ltmp22:
0x46f: {  	_ = 	snop;
	(pc) =	sbr.rel @p1 .LBB2_32-.Ltmp22, $1  }
0x470: {  	_ =	sdelay $0x3  }
0x471: {  	p1 =	slt.s32 s6, $0x1  }
.Ltmp23:
0x472: {  	_ = 	snop;
	(pc) =	sbr.rel @p1 .LBB2_31-.Ltmp23, $1  }
0x473: {  	_ =	sdelay $0x3  }
0x474: {  	s0 =	simm.s32 $0x6098;
	p1 =	por $0x0, $0x0  }
0x475: {  	v1 =	vld.msk @!p1 [tilespmem:s0+$0x0], $0x1;
	_ =	sdelay $0x4  }
0x476: {  	(v2sf) =	vpush @!p1 v1, $0x0;
	_ =	sdelay $0xd  }
0x477: {  	p3 =	sne.s32 s6, $0x1  }
.Ltmp24:
0x478: {  	s1 =	spop @!p1 (v2sf);
	(pc) =	sbr.rel @!p3 .LBB2_29-.Ltmp24, $4  }
0x479: {  	p2 =	seq.s32 @!p1 s12, s1  }
0x47a: {  	s13 =	simm.s32 $0x0;
	p2 =	por !p2, p1  }
0x47b: {  	s1 =	simm.s32 $0xFFFFFFFF;
	s13 =	simm.s32 @p2 $0xFFFFFFFF  }
0x47c: {  	s14 =	simm.s32 $0x1;
	s13 =	smov.u32 @p1 s1  }
.LBB2_28:
0x47d: {  	s1 =	smov.u32 s13;
	p1 =	sne.s32 s13, $0xFFFFFFFF  }
0x47e: {  	s0 =	sadd.s32 $0x1, s0;
	s13 =	smov.u32 s14;
	s14 =	sadd.s32 $0x1, s14  }
0x47f: {  	p2 =	sne.s32 s6, s14;
	v1 =	vld.msk @!p1 [tilespmem:s0+$0x0], $0x1;
	_ =	sdelay $0x4  }
0x480: {  	(v2sf) =	vpush @!p1 v1, $0x0;
	_ =	sdelay $0xe  }
.Ltmp25:
0x481: {  	s2 =	spop @!p1 (v2sf);
	(pc) =	sbr.rel @p2 .LBB2_28-.Ltmp25, $4  }
0x482: {  	p3 =	seq.s32 @!p1 s12, s2  }
0x483: {  	p3 =	por !p3, p1  }
0x484: {  	s13 =	simm.s32 @p3 $0xFFFFFFFF  }
0x485: {  	s13 =	smov.u32 @p1 s1  }
.LBB2_29:
0x486: {  	p1 =	seq.s32 s13, $0xFFFFFFFF  }
.Ltmp26:
0x487: {  	_ = 	snop;
	(pc) =	sbr.rel @p1 .LBB2_31-.Ltmp26, $1  }
0x488: {  	_ =	sdelay $0x3  }
0x489: {  	s0 =	sshll.u32 s11, $0x5  }
0x48a: {  	s0 =	sand.u32 $0x3FFFFFE0, s0  }
0x48b: {  	v0 =	vld [tilespmem:s0+$0x60B8];
	_ =	sdelay $0x2  }
0x48c: {  	s1 =	sshll.u32 s13, $0x7  }
0x48d: {  	s1 =	sshra.s32 s1, $0x2  }
0x48e: {  	[tilespmem:s1+$0x60B8] =	vst.add.f32.msk $0xffff, v0  }
0x48f: {  	v0 =	vld [tilespmem:s0+$0x60C8]  }
.Ltmp27:
0x490: {  	_ = 	snop;
	(pc) =	sbr.rel .LBB2_32-.Ltmp27, $2  }
0x491: {  	_ =	sdelay $0x2  }
0x492: {  	[tilespmem:s1+$0x60C8] =	vst.add.f32.msk $0xffff, v0  }
.LBB2_33:
0x493: {  	s0 =	simm.s32 $0x6;
	p1 =	seq.s32 s6, $0x0  }
0x494: {  	[sflag:s0] =	ssyncpa.u1 $0x1;
	v0 =	vimm.s32 @p1 $0xFFFFFFFF  }
0x495: {  	s0 =	sadd.s32 $0xFFFFFFFF, s6;
	[tilespmem:$0x64B8] =	vst @p1 v0  }
0x496: {  	v0 =	vld.msk @!p1 [tilespmem:s0+$0x6098], $0x1;
	_ =	sdelay $0x1  }
0x497: {  	v1 =	vld.msk @!p1 [tilespmem:$0x6098], $0x1;
	_ =	sdelay $0x2  }
0x498: {  	p2 =	seq.s32 @!p1 s0, $0x0;
	v0 =	vbroadcast @!p1 v0, $0x0  }
0x499: {  	vm0 =	vmmov @!p1 $0x1;
	p2 =	por !p2, p1  }
0x49a: {  	v1 =	vnsel @!p1 vm0, $0xFFFFFFFF, v1;
	vm0 =	vcmask @!p1 $0x308;
	v0 =	vpsel !p2, $0xFFFFFFFF, v0  }
0x49b: {  	p2 =	sne.s32 @!p1 s8, s7;
	v0 =	vsel @!p1 vm0, v1, v0  }
0x49c: {  	s1 =	simm.s32 @!p1 $0x60B8;
	s2 =	simm.s32 @!p1 $0x0;
	p3 =	por !p2, p1;
	[tilespmem:$0x64B8] =	vst @!p1 v0  }
0x49d: {  	[spmem:s2] =	stream.linear.scatter @!p1 [tilespmem:s1], [sflag:$0x1], $0x20, $0x38;
	[tilespmem:$0x1EC48] =	vst v63  }
0x49e: {  	s1 =	sshll.u32 @!p3 s0, $0x7  }
0x49f: {  	s1 =	sshra.s32 @!p3 s1, $0x2  }
0x4a0: {  	s2 =	simm.s32 @!p3 $0x20;
	s1 =	sadd.s32 @!p3 $0x60B8, s1  }
0x4a1: {  	[spmem:s2] =	stream.linear.scatter @!p3 [tilespmem:s1], [sflag:$0x1], $0x20, $0x38;
	[tilespmem:$0x1EC48] =	vst v63  }
0x4a2: {  	s1 =	simm.s32 @!p3 $0x1  }
0x4a3: {  	_ =	swait.ge @!p3 [sflag:s1], $0x40  }
0x4a4: {  	p1 =	por p2, p1;
	[sflag:s1] =	ssyncset.done @!p3 $0x0  }
0x4a5: {  	[sflag:s1] =	ssyncadd.s32 @!p3 $0xFFFFFFC0;
	s1 =	simm.s32 @!p1 $0x1  }
0x4a6: {  	_ =	swait.ge @!p1 [sflag:s1], $0x20  }
0x4a7: {  	s29 =	simm.s32 $0x64B8;
	[sflag:s1] =	ssyncset.done @!p1 $0x0  }
0x4a8: {  	s30 =	simm.s32 $0x400;
	s31 =	simm.s32 $0x1;
	[sflag:s1] =	ssyncadd.s32 @!p1 $0xFFFFFFE0  }
0x4a9: {  	[spmem:s30] =	stream.linear.scatter [tilespmem:s29], [sflag:$0x1], $0x10, $0x38;
	[tilespmem:$0x1EC48] =	vst v63  }
0x4aa: {  	_ =	swait.ge [sflag:s31], $0x10  }
0x4ab: {  	[sflag:s31] =	ssyncset.done $0x0  }
0x4ac: {  	p1 =	seq.s32 s16, $0x0;
	s9 =	rddreg [dreg:$0x1];
	[sflag:s31] =	ssyncadd.s32 $0xFFFFFFF0  }
0x4ad: {  	s2 =	sshll.u32 @p1 s9, $0xE;
	s8 =	rddreg [dreg:$0x2]  }
0x4ae: {  	s1 =	sadd.s32 @p1 $0x15C3C, s2;
	s2 =	sshll.u32 @p1 s8, $0x11  }
0x4af: {  	_ =	sfence.stream.spmem;
	s1 =	sor.u32 @p1 s2, s1  }
0x4b0: {  	[sflag:s1] =	ssyncadd.remote.s32 @p1 $0x1;
	s1 =	simm.s32 @p1 $0x4  }
0x4b1: {  	s4 =	simm.s32 @!p1 $0x3C;
	s2 =	sand.u32 $0xFFFFFFFE, s9;
	_ =	swait.ge @p1 [sflag:s1], $0xA  }
0x4b2: {  	s5 =	simm.s32 @!p1 $0x0;
	s2 =	sadd.s32 @!p1 $0x4, s2;
	[sflag:s1] =	ssyncset.done @p1 $0x0  }
0x4b3: {  	s7 =	simm.s32 @!p1 $0x40;
	[sflag:s1] =	ssyncadd.s32 @p1 $0xFFFFFFF6;
	s1 =	sshll.u32 @!p1 s2, $0x1A  }
0x4b4: {  	s2 =	sshll.u32 @!p1 s2, $0xD;
	s1 =	sor.u32 @!p1 s1, s8;
	_ =	swait.eq @!p1 [sflag:s4], $0x1  }
0x4b5: {  	s2 =	sor.u32 @!p1 $0x1C04, s2;
	s4 =	simm.s32 @!p1 $0x1C03;
	s1 =	sor.u32 @!p1 $0x80004000, s1  }
0x4b6: {  	[spmem:s7], [sflag:s2] =	dma.general @!p1 [spmem:s5], [sflag:s4], length:$0x8, [dreg:$0x0], stride_count:$0x0, ici_dest:s1, dma_misc:DstOpCode:WRITE  }
0x4b7: {  	p2 =	slt.s32 s0, $0x2;
	s5 =	simm.s32 @!p1 $0x80;
	s7 =	simm.s32 @!p1 $0x82  }
0x4b8: {  	[spmem:s7], [sflag:s2] =	dma.general @!p1 [spmem:s5], [sflag:s4], length:$0x2, [dreg:$0x0], stride_count:$0x0, ici_dest:s1, dma_misc:DstOpCode:WRITE  }
.Ltmp28:
0x4b9: {  	s1 =	simm.s32 @!p1 $0x3;
	(pc) =	sbr.rel @p2 .LBB2_37-.Ltmp28, $4  }
0x4ba: {  	s2 =	sshll.u32 @!p1 s9, $0xE;
	_ =	swait.ge @!p1 [sflag:s1], $0xA  }
0x4bb: {  	s4 =	sshll.u32 @!p1 s8, $0x11;
	s2 =	sadd.s32 @!p1 $0x11C3C, s2;
	[sflag:s1] =	ssyncset.done @!p1 $0x0  }
0x4bc: {  	[sflag:s1] =	ssyncadd.s32 @!p1 $0xFFFFFFF6;
	s1 =	sor.u32 @!p1 s4, s2  }
0x4bd: {  	s0 =	simm.s32 $0x0;
	[sflag:s1] =	ssyncadd.remote.s32 @!p1 $0xFFFFFFFF  }
0x4be: {  	s0 =	simm.s32 $0x6099  }
0x4bf: {  	v0 =	vld.msk [tilespmem:s0+$0x0], $0x1;
	_ =	sdelay $0x4  }
0x4c0: {  	(v2sf) =	vpush v0, $0x0;
	_ =	sdelay $0xc  }
0x4c1: {  	s1 =	sadd.s32 $0xFFFFFFFE, s6  }
0x4c2: {  	s1 =	sadd.s32 $0xFFFFFFFF, s1  }
0x4c3: {  	p2 =	sne.s32 s1, $0x0;
	s2 =	spop (v2sf)  }
.Ltmp29:
0x4c4: {  	p1 =	sgt.u32 s2, $0xC34FD;
	(pc) =	sbr.rel @!p2 .LBB2_36-.Ltmp29, $4  }
0x4c5: {  	s7 =	simm.s32 $0x0;
	s4 =	sand.u32 @!p1 $0xFFFF8, s2  }
0x4c6: {  	s0 =	simm.s32 $0x60D8;
	s2 =	sand.u32 @!p1 $0x7, s2;
	s4 =	sadd.s32 @!p1 s3, s4  }
0x4c7: {  	[hbm4b:s4+s2] =	stream.linear.scatter @!p1 [tilespmem:s0], [sflag:$0x5], $0x18, $0x38;
	[tilespmem:$0x1EC48] =	vst v63  }
0x4c8: {  	s6 =	simm.s32 $0x609A;
	s7 =	simm.s32 @!p1 $0x60;
	s2 =	simm.s32 $0x0  }
.LBB2_35:
0x4c9: {  	v0 =	vld.msk [tilespmem:s6+$0x0], $0x1;
	s1 =	sadd.s32 $0xFFFFFFFF, s1;
	s2 =	sadd.s32 s2, s7  }
0x4ca: {  	p1 =	sne.s32 s1, $0x0;
	_ =	sdelay $0x3  }
0x4cb: {  	(v2sf) =	vpush v0, $0x0;
	_ =	sdelay $0xe  }
.Ltmp30:
0x4cc: {  	s4 =	spop (v2sf);
	(pc) =	sbr.rel @p1 .LBB2_35-.Ltmp30, $4  }
0x4cd: {  	s7 =	simm.s32 $0x0;
	p2 =	sgt.u32 s4, $0xC34FD  }
0x4ce: {  	s0 =	sadd.s32 $0x20, s0;
	s7 =	simm.s32 @!p2 $0x60;
	s5 =	sand.u32 @!p2 $0xFFFF8, s4  }
0x4cf: {  	s6 =	sadd.s32 $0x1, s6;
	s4 =	sand.u32 @!p2 $0x7, s4;
	s5 =	sadd.s32 @!p2 s3, s5  }
0x4d0: {  	[hbm4b:s5+s4] =	stream.linear.scatter @!p2 [tilespmem:s0], [sflag:$0x5], $0x18, $0x38;
	[tilespmem:$0x1EC48] =	vst v63  }
.LBB2_36:
0x4d1: {  	s0 =	sadd.s32 s2, s7  }
0x4d2: {  	s0 =	sshrl.u32 s0, $0x2  }
.LBB2_37:
0x4d3: {  	s1 =	simm.s32 $0x5  }
0x4d4: {  	_ =	swait.ge [sflag:s1], s0  }
0x4d5: {  	s31 =	ssub.s32 $0x0, s0;
	[sflag:s1] =	ssyncset.done $0x0  }
0x4d6: {  	[sflag:s1] =	ssyncadd.s32 s31  }
0x4d7: {  	[sflag:s1] =	ssyncpa.u1 $0x1  }
.LBB2_38:
0x4d8: {  	s0 =	sor.u32 s16, s15  }
0x4d9: {  	p1 =	sne.s32 s0, $0x0  }
.Ltmp31:
0x4da: {  	_ = 	snop;
	(pc) =	sbr.rel @p1 .LBB2_53-.Ltmp31, $3  }
0x4db: {  	_ =	sdelay $0x1  }
0x4dc: {  	[bflag:$0x0] =	sbarrier.arrive $0xFFFF  }
0x4dd: {  	_ =	sfence  }
0x4de: {  	s0 =	simm.s32 $0x7  }
0x4df: {  	s1 =	simm.s32 $0x400;
	s2 =	simm.s32 $0x6098;
	[sflag:s0] =	ssyncpa.u1 $0x0  }
0x4e0: {  	[tilespmem:s2], [sflag:$0x7] =	stream.linear.gather [spmem:s1], $0x20, $0x38;
	[tilespmem:$0x1EC48] =	vst v63  }
0x4e1: {  	s30 =	simm.s32 $0x60B8;
	s1 =	simm.s32 $0x0  }
0x4e2: {  	[tilespmem:s30], [sflag:$0x7] =	stream.linear.gather [spmem:s1], $0x400, $0x38;
	[tilespmem:$0x1EC48] =	vst v63  }
.Ltmp32:
0x4e3: {  	_ = 	snop;
	(pc) =	sbr.rel .LBB2_40-.Ltmp32, $4  }
0x4e4: {  	_ =	swait.ge [sflag:s0], $0x420  }
0x4e5: {  	[sflag:s0] =	ssyncset.done $0x0  }
0x4e6: {  	s31 =	simm.s32 $0x8;
	[sflag:s0] =	ssyncadd.s32 $0xFFFFFBE0  }
0x4e7: {  	s2 =	simm.s32 $0x0;
	[sflag:s31] =	ssyncpa.u1 $0x0  }
.LBB2_46:
0x4e8: {  	p1 =	slt.u32 s0, $0xC34FE  }
0x4e9: {  	s4 =	sand.u32 @p1 $0xFFFF8, s0  }
0x4ea: {  	s0 =	sand.u32 @p1 $0x7, s0;
	s5 =	simm.s32 @p1 $0x6068;
	s4 =	sadd.s32 @p1 s3, s4  }
0x4eb: {  	[tilespmem:s5], [sflag:$0x8] =	stream.linear.gather @p1 [hbm4b:s4+s0], $0x18, $0x38;
	[tilespmem:$0x1EC48] =	vst v63  }
0x4ec: {  	s0 =	simm.s32 @p1 $0x8  }
0x4ed: {  	_ =	swait.ge @p1 [sflag:s0], $0x18  }
0x4ee: {  	[sflag:s0] =	ssyncset.done @p1 $0x0  }
0x4ef: {  	[sflag:s0] =	ssyncadd.s32 @p1 $0xFFFFFFE8  }
0x4f0: {  	v1 =	vld @p1 [tilespmem:$0x6068];
	_ =	sdelay $0x2  }
0x4f1: {  	s0 =	sshll.u32 @p1 s2, $0x7  }
0x4f2: {  	s4 =	sshrl.u32 @p1 s0, $0x2  }
0x4f3: {  	[tilespmem:s4+$0x60B8] =	vst.add.f32.msk @p1 $0xffff, v1  }
0x4f4: {  	v1 =	vld @p1 [tilespmem:$0x6078];
	_ =	sdelay $0x3  }
0x4f5: {  	s5 =	sshll.u32 @!p1 s2, $0x7  }
0x4f6: {  	s5 =	smov.u32 @p1 s0;
	[tilespmem:s4+$0x60C8] =	vst.add.f32.msk @p1 $0xffff, v1  }
0x4f7: {  	s0 =	sshrl.u32 s5, $0x2;
	[tilespmem:s1+$0x6098] =	vst.msk $0x1, v0  }
0x4f8: {  	v0 =	vld [tilespmem:s0+$0x60B8];
	_ =	sdelay $0x2  }
0x4f9: {  	s31 =	sshll.u32 s1, $0x7  }
0x4fa: {  	s4 =	sshra.s32 s31, $0x2  }
0x4fb: {  	[tilespmem:s4+$0x60B8] =	vst v0  }
0x4fc: {  	v0 =	vld [tilespmem:s0+$0x60C8];
	_ =	sdelay $0x4  }
0x4fd: {  	s1 =	sadd.s32 $0x1, s1;
	[tilespmem:s4+$0x60C8] =	vst v0  }
.LBB2_47:
0x4fe: {  	s2 =	sadd.s32 $0x1, s2  }
0x4ff: {  	p1 =	sne.s32 s2, $0x20  }
.Ltmp33:
0x500: {  	_ = 	snop;
	(pc) =	sbr.rel @!p1 .LBB2_48-.Ltmp33, $1  }
0x501: {  	_ =	sdelay $0x3  }
.LBB2_40:
0x502: {  	v0 =	vld.msk [tilespmem:s2+$0x6098], $0x1;
	_ =	sdelay $0x4  }
0x503: {  	(v2sf) =	vpush v0, $0x0;
	_ =	sdelay $0xe  }
0x504: {  	s0 =	spop (v2sf)  }
0x505: {  	p1 =	seq.s32 s0, $0xFFFFFFFF  }
.Ltmp34:
0x506: {  	_ = 	snop;
	(pc) =	sbr.rel @p1 .LBB2_47-.Ltmp34, $1  }
0x507: {  	_ =	sdelay $0x3  }
0x508: {  	p1 =	slt.s32 s1, $0x1  }
.Ltmp35:
0x509: {  	_ = 	snop;
	(pc) =	sbr.rel @p1 .LBB2_46-.Ltmp35, $1  }
0x50a: {  	_ =	sdelay $0x3  }
0x50b: {  	s4 =	simm.s32 $0x6098;
	p1 =	por $0x0, $0x0  }
0x50c: {  	v1 =	vld.msk @!p1 [tilespmem:s4+$0x0], $0x1;
	_ =	sdelay $0x4  }
0x50d: {  	(v2sf) =	vpush @!p1 v1, $0x0;
	_ =	sdelay $0xd  }
0x50e: {  	p3 =	sne.s32 s1, $0x1  }
.Ltmp36:
0x50f: {  	s5 =	spop @!p1 (v2sf);
	(pc) =	sbr.rel @!p3 .LBB2_44-.Ltmp36, $4  }
0x510: {  	p2 =	seq.s32 @!p1 s0, s5  }
0x511: {  	s5 =	simm.s32 $0x0;
	p2 =	por !p2, p1  }
0x512: {  	s7 =	simm.s32 $0xFFFFFFFF;
	s5 =	simm.s32 @p2 $0xFFFFFFFF  }
0x513: {  	s6 =	simm.s32 $0x1;
	s5 =	smov.u32 @p1 s7  }
.LBB2_43:
0x514: {  	s7 =	smov.u32 s5;
	p1 =	sne.s32 s5, $0xFFFFFFFF  }
0x515: {  	s4 =	sadd.s32 $0x1, s4;
	s5 =	smov.u32 s6;
	s6 =	sadd.s32 $0x1, s6  }
0x516: {  	p2 =	sne.s32 s1, s6;
	v1 =	vld.msk @!p1 [tilespmem:s4+$0x0], $0x1;
	_ =	sdelay $0x4  }
0x517: {  	(v2sf) =	vpush @!p1 v1, $0x0;
	_ =	sdelay $0xe  }
.Ltmp37:
0x518: {  	s8 =	spop @!p1 (v2sf);
	(pc) =	sbr.rel @p2 .LBB2_43-.Ltmp37, $4  }
0x519: {  	p3 =	seq.s32 @!p1 s0, s8  }
0x51a: {  	p3 =	por !p3, p1  }
0x51b: {  	s5 =	simm.s32 @p3 $0xFFFFFFFF  }
0x51c: {  	s5 =	smov.u32 @p1 s7  }
.LBB2_44:
0x51d: {  	p1 =	seq.s32 s5, $0xFFFFFFFF  }
.Ltmp38:
0x51e: {  	_ = 	snop;
	(pc) =	sbr.rel @p1 .LBB2_46-.Ltmp38, $1  }
0x51f: {  	_ =	sdelay $0x3  }
0x520: {  	s0 =	sshll.u32 s2, $0x5  }
0x521: {  	s0 =	sand.u32 $0x3FFFFFE0, s0  }
0x522: {  	v0 =	vld [tilespmem:s0+$0x60B8];
	_ =	sdelay $0x2  }
0x523: {  	s4 =	sshll.u32 s5, $0x7  }
0x524: {  	s4 =	sshra.s32 s4, $0x2  }
0x525: {  	[tilespmem:s4+$0x60B8] =	vst.add.f32.msk $0xffff, v0  }
0x526: {  	v0 =	vld [tilespmem:s0+$0x60C8]  }
.Ltmp39:
0x527: {  	_ = 	snop;
	(pc) =	sbr.rel .LBB2_47-.Ltmp39, $2  }
0x528: {  	_ =	sdelay $0x2  }
0x529: {  	[tilespmem:s4+$0x60C8] =	vst.add.f32.msk $0xffff, v0  }
.LBB2_48:
0x52a: {  	p1 =	slt.s32 s1, $0x1  }
.Ltmp40:
0x52b: {  	_ = 	snop;
	(pc) =	sbr.rel @p1 .LBB2_52-.Ltmp40, $3  }
0x52c: {  	_ =	sdelay $0x1  }
0x52d: {  	s0 =	simm.s32 $0x8  }
0x52e: {  	[sflag:s0] =	ssyncpa.u1 $0x1;
	s0 =	simm.s32 $0x0  }
0x52f: {  	s2 =	simm.s32 $0x6098  }
0x530: {  	v0 =	vld.msk [tilespmem:s2+$0x0], $0x1;
	_ =	sdelay $0x4  }
0x531: {  	(v2sf) =	vpush v0, $0x0;
	_ =	sdelay $0xe  }
0x532: {  	s1 =	sadd.s32 $0xFFFFFFFF, s1;
	s4 =	spop (v2sf)  }
0x533: {  	p2 =	sne.s32 s1, $0x0;
	p1 =	sgt.u32 s4, $0xC34FD  }
.Ltmp41:
0x534: {  	s5 =	sand.u32 @!p1 $0xFFFF8, s4;
	(pc) =	sbr.rel @!p2 .LBB2_51-.Ltmp41, $4  }
0x535: {  	s2 =	simm.s32 $0x60B8;
	s4 =	sand.u32 @!p1 $0x7, s4;
	s5 =	sadd.s32 @!p1 s3, s5  }
0x536: {  	[hbm4b:s5+s4] =	stream.linear.scatter @!p1 [tilespmem:s2], [sflag:$0x7], $0x18, $0x38;
	[tilespmem:$0x1EC48] =	vst v63  }
0x537: {  	s5 =	simm.s32 $0x0  }
0x538: {  	s4 =	simm.s32 $0x6099;
	s5 =	simm.s32 @!p1 $0x60  }
.LBB2_50:
0x539: {  	v0 =	vld.msk [tilespmem:s4+$0x0], $0x1;
	s1 =	sadd.s32 $0xFFFFFFFF, s1;
	s0 =	sadd.s32 s0, s5  }
0x53a: {  	p1 =	sne.s32 s1, $0x0;
	_ =	sdelay $0x3  }
0x53b: {  	(v2sf) =	vpush v0, $0x0;
	_ =	sdelay $0xe  }
.Ltmp42:
0x53c: {  	s6 =	spop (v2sf);
	(pc) =	sbr.rel @p1 .LBB2_50-.Ltmp42, $4  }
0x53d: {  	s5 =	simm.s32 $0x0;
	p2 =	sgt.u32 s6, $0xC34FD  }
0x53e: {  	s2 =	sadd.s32 $0x20, s2;
	s5 =	simm.s32 @!p2 $0x60;
	s7 =	sand.u32 @!p2 $0xFFFF8, s6  }
0x53f: {  	s4 =	sadd.s32 $0x1, s4;
	s6 =	sand.u32 @!p2 $0x7, s6;
	s7 =	sadd.s32 @!p2 s3, s7  }
0x540: {  	[hbm4b:s7+s6] =	stream.linear.scatter @!p2 [tilespmem:s2], [sflag:$0x7], $0x18, $0x38;
	[tilespmem:$0x1EC48] =	vst v63  }
.LBB2_51:
0x541: {  	s0 =	sadd.s32 s0, s5  }
0x542: {  	s0 =	sshrl.u32 s0, $0x2  }
.LBB2_52:
0x543: {  	s1 =	simm.s32 $0x7  }
0x544: {  	_ =	swait.ge [sflag:s1], s0  }
0x545: {  	s31 =	ssub.s32 $0x0, s0;
	[sflag:s1] =	ssyncset.done $0x0  }
0x546: {  	[sflag:s1] =	ssyncadd.s32 s31  }
0x547: {  	[sflag:s1] =	ssyncpa.u1 $0x1  }
.LBB2_53:
0x548: {  	_ =	sfence;
	s0 =	simm.s32 $0x1  }
0x549: {  	[sflag:s0] =	ssyncpa.u1 $0x1  }
0x54a: {  	_ =	strace $0x9000004A  }
0x54b: {  	[bflag:$0x2] =	sbarrier.arrive $0xFFFF  }
0x54c: {  	s0 =	rddreg [dreg:$0x3]  }
0x54d: {  	s0 =	sadd.s32 @!p0 $0x100000, s0  }
0x54e: {  	[sflag:s0] =	ssyncadd.tile.s32 @!p0 $0x1;
	_ =	shalt  }
.Lfunc_end2:
_tile_overlayer_lowered:
.L_overlay_start_2:
0x54f: {  	(tag) =	ssettag $0x2  }
0x550: {  	s0 =	rddreg [dreg:$0x0];
	s2 =	stileid.u32  }
0x551: {  	s1 =	rddreg [dreg:$0x1];
	p0 =	sne.s32 s2, $0x0  }
0x552: {  	s3 =	rddreg [dreg:$0x2];
	[bflag:$0x3] =	sbarrier.arrive $0xFFFF;
	s2 =	simm.s32 @!p0 $0x1C01  }
0x553: {  	[timem:s3], [sflag:s2] =	dma.local @!p0 [hbm:s0], s1  }
0x554: {  	s0 =	simm.s32 @!p0 $0x1  }
0x555: {  	_ =	swait.ge @!p0 [sflag:s0], s1  }
0x556: {  	s1 =	ssub.s32 @!p0 $0x0, s1;
	[sflag:s0] =	ssyncset.done @!p0 $0x0  }
0x557: {  	[sflag:s0] =	ssyncadd.s32 @!p0 s1  }
0x558: {  	[bflag:$0x3] =	sbarrier.arrive $0xFFFF  }
0x559: {  	_ =	shalt  }

// kernel: scatter_offload_async_start
scs
__scs_entry_jumppad:
0x0: {  	(pc) =	sbr.rel $0x88, $3  }
0x1: {  	(tag) =	ssettag $0x0;
	lr =	simm.s32 $0x1  }
0x2: {  	[smem:$0x3F8F] =	sst lr;
	_ =	strace $0xD0000000  }
0x3: {  	_ = 	snop  }
0x4: {  	_ = 	snop  }
0x5: {  	_ = 	snop  }
0x6: {  	_ = 	snop  }
0x7: {  	_ = 	snop  }
__scs_overlays_trampoline_lowered:
0x8: {  	[smem:$0x3F9E] =	sst s0  }
0x9: {  	[smem:$0x3F9F] =	sst s1  }
0xa: {  	[smem:$0x3FA0] =	sst s2  }
0xb: {  	[smem:$0x3FA1] =	sst s3  }
0xc: {  	[smem:$0x3FA2] =	sst s4  }
0xd: {  	[smem:$0x3FA3] =	sst s5  }
0xe: {  	[smem:$0x3FA4] =	sst s6  }
0xf: {  	[smem:$0x3FA5] =	sst s7  }
0x10: {  	[smem:$0x3FA6] =	sst s8  }
0x11: {  	[smem:$0x3FA7] =	sst s9;
	s0 =	simm.s32 @!p0 $0x0  }
0x12: {  	s1 =	sld [smem:$0x3F8D];
	s0 =	simm.s32 @p0 $0x1  }
0x13: {  	[smem:$0x3FA8] =	sst s0;
	s0 =	simm.s32 @!p1 $0x0  }
0x14: {  	s2 =	sld [smem:$0x3F8C];
	s0 =	simm.s32 @p1 $0x1  }
0x15: {  	[smem:$0x3FA9] =	sst s0;
	s0 =	simm.s32 @!p2 $0x0  }
0x16: {  	s3 =	sld [smem:$0x3FDB];
	s0 =	simm.s32 @p2 $0x1  }
0x17: {  	s4 =	simm.s32 $0x1BF5;
	[smem:$0x3FAB] =	sst s0  }
0x18: {  	s0 =	sld [smem:$0x3F8E];
	_ =	swait.ge [sflag:s4], $0x0  }
0x19: {  	s7 =	sld [smem:$0x3F8F]  }
0x1a: {  	s8 =	sadd.s32 $0xFFFFE003, lr  }
0x1b: {  	s9 =	sadd.s32 $0xFFFFFEF7, lr;
	s5 =	simm.s32 $0xFFFFFFFF;
	p2 =	slt.u32 s8, $0xFFFFF086  }
0x1c: {  	p1 =	slt.u32 s9, $0xF7A;
	s5 =	simm.s32 @!p2 $0x0  }
0x1d: {  	s5 =	simm.s32 @p1 $0x1;
	p0 =	seq.s32 s7, s2  }
0x1e: {  	s7 =	smul.u32 @!p0 $0xF7A, s2;
	p2 =	seq.s32 @!p0 s5, $0x0  }
0x1f: {  	s9 =	smul.u32 $0xF7A, s1;
	s8 =	simm.s32 @!p0 $0x1BF5;
	p2 =	por !p2, p0  }
0x20: {  	[sflag:s8] =	ssyncset.s32 @!p0 $0xFFFFF086;
	s6 =	sadd.s32 @!p0 s3, s7;
	s7 =	simm.s32 @!p0 $0x108  }
0x21: {  	s3 =	sadd.s32 s3, s9;
	s6 =	sadd.s32 @!p0 $0x88, s6;
	s7 =	simm.s32 @p2 $0x1082  }
0x22: {  	[simem:s7], [sflag:s8] =	dma.local @!p0 [hbm:s6], $0xF7A  }
0x23: {  	s9 =	sor.u32 $0xD0000000, s2;
	s6 =	simm.s32 $0x108;
	_ =	swait.ge @!p0 [sflag:s8], $0x0  }
0x24: {  	s3 =	sadd.s32 $0x88, s3;
	s6 =	simm.s32 @!p1 $0x1082;
	[sflag:s4] =	ssyncset.s32 $0xFFFFF086  }
0x25: {  	[simem:s6], [sflag:s4] =	dma.local [hbm:s3], $0xF7A  }
0x26: {  	[smem:$0x3F8F] =	sst s1;
	(tag) =	ssettag s2;
	_ =	strace s9  }
0x27: {  	s1 =	sld [smem:$0x3F9F]  }
0x28: {  	s2 =	sld [smem:$0x3FA0]  }
0x29: {  	s4 =	sld [smem:$0x3FA2]  }
0x2a: {  	p0 =	seq.s32 s5, $0x0;
	s5 =	sld [smem:$0x3FA3]  }
0x2b: {  	s6 =	sld [smem:$0x3FA4]  }
0x2c: {  	s7 =	sld [smem:$0x3FA5]  }
0x2d: {  	s3 =	simm.s32 $0x108;
	s8 =	sld [smem:$0x3FA6]  }
0x2e: {  	s3 =	simm.s32 @!p0 $0x1082;
	s9 =	sld [smem:$0x3FA7]  }
0x2f: {  	lr =	sadd.s32 s0, s3;
	s0 =	sld [smem:$0x3F9E]  }
0x30: {  	s3 =	sld [smem:$0x3FA1]  }
0x31: {  	[smem:$0x3FAA] =	sst s10  }
0x32: {  	s10 =	sld [smem:$0x3FA8];
	_ =	sdelay $0x3  }
0x33: {  	p0 =	seq.s32 s10, $0x1;
	s10 =	sld [smem:$0x3FAA];
	_ =	sdelay $0x3  }
0x34: {  	[smem:$0x3FAA] =	sst s10  }
0x35: {  	s10 =	sld [smem:$0x3FA9];
	_ =	sdelay $0x3  }
0x36: {  	p1 =	seq.s32 s10, $0x1;
	s10 =	sld [smem:$0x3FAA];
	_ =	sdelay $0x3  }
0x37: {  	[smem:$0x3FAA] =	sst s10  }
0x38: {  	s10 =	sld [smem:$0x3FAB]  }
0x39: {  	_ = 	snop;
	(pc) =	sbr.ind lr, $3  }
0x3a: {  	_ = 	snop  }
0x3b: {  	_ = 	snop  }
0x3c: {  	p2 =	seq.s32 s10, $0x1;
	s10 =	sld [smem:$0x3FAA]  }
0x3d: {  	_ =	shalt  }
0x3e: {  	_ =	shalt  }
0x3f: {  	_ =	shalt  }
0x40: {  	_ =	shalt  }
0x41: {  	_ =	shalt  }
0x42: {  	_ =	shalt  }
0x43: {  	_ =	shalt  }
0x44: {  	_ =	shalt  }
0x45: {  	_ =	shalt  }
0x46: {  	_ =	shalt  }
0x47: {  	_ =	shalt  }
0x48: {  	_ =	shalt  }
0x49: {  	_ =	shalt  }
0x4a: {  	_ =	shalt  }
0x4b: {  	_ =	shalt  }
0x4c: {  	_ =	shalt  }
0x4d: {  	_ =	shalt  }
0x4e: {  	_ =	shalt  }
0x4f: {  	_ =	shalt  }
0x50: {  	_ =	shalt  }
0x51: {  	_ =	shalt  }
0x52: {  	_ =	shalt  }
0x53: {  	_ =	shalt  }
0x54: {  	_ =	shalt  }
0x55: {  	_ =	shalt  }
0x56: {  	_ =	shalt  }
0x57: {  	_ =	shalt  }
0x58: {  	_ =	shalt  }
0x59: {  	_ =	shalt  }
0x5a: {  	_ =	shalt  }
0x5b: {  	_ =	shalt  }
0x5c: {  	_ =	shalt  }
0x5d: {  	_ =	shalt  }
0x5e: {  	_ =	shalt  }
0x5f: {  	_ =	shalt  }
0x60: {  	_ =	shalt  }
0x61: {  	_ =	shalt  }
0x62: {  	_ =	shalt  }
0x63: {  	_ =	shalt  }
0x64: {  	_ =	shalt  }
0x65: {  	_ =	shalt  }
0x66: {  	_ =	shalt  }
0x67: {  	_ =	shalt  }
0x68: {  	_ =	shalt  }
0x69: {  	_ =	shalt  }
0x6a: {  	_ =	shalt  }
0x6b: {  	_ =	shalt  }
0x6c: {  	_ =	shalt  }
0x6d: {  	_ =	shalt  }
0x6e: {  	_ =	shalt  }
0x6f: {  	_ =	shalt  }
0x70: {  	_ =	shalt  }
0x71: {  	_ =	shalt  }
0x72: {  	_ =	shalt  }
0x73: {  	_ =	shalt  }
0x74: {  	_ =	shalt  }
0x75: {  	_ =	shalt  }
0x76: {  	_ =	shalt  }
0x77: {  	_ =	shalt  }
0x78: {  	_ =	shalt  }
0x79: {  	_ =	shalt  }
0x7a: {  	_ =	shalt  }
0x7b: {  	_ =	shalt  }
0x7c: {  	_ =	shalt  }
0x7d: {  	_ =	shalt  }
0x7e: {  	_ =	shalt  }
0x7f: {  	_ =	shalt  }
0x80: {  	_ =	shalt  }
0x81: {  	_ =	shalt  }
0x82: {  	_ =	shalt  }
0x83: {  	_ =	shalt  }
0x84: {  	_ =	shalt  }
0x85: {  	_ =	shalt  }
0x86: {  	_ =	shalt  }
0x87: {  	_ =	shalt  }
.Lfunc_end0:
.L_simem_size_0:
called_computation_lowered:
.L_overlay_start_0:
0x88: {  	s0 =	sld [smem:$0x3FD9]  }
0x89: {  	s1 =	sld [smem:$0x3FFE];
	_ =	sdelay $0x3  }
0x8a: {  	s0 =	sadd.s32 s1, s0  }
0x8b: {  	[smem:$0x3FB6] =	sst s0  }
0x8c: {  	_ = 	snop  }
0x8d: {  	s0 =	sld [smem:$0x3FD0];
	(tm) =	ssettm $0x1  }
0x8e: {  	s16 =	sld [smem:$0x3FFB];
	_ =	sdelay $0x3  }
0x8f: {  	_ =	strace s16  }
0x90: {  	s1 =	sld [smem:$0x3FFC];
	_ =	sdelay $0x3  }
0x91: {  	_ =	strace s1  }
0x92: {  	s1 =	sld [smem:$0x3FFD];
	_ =	sdelay $0x3  }
0x93: {  	_ =	strace s1  }
0x94: {  	_ =	strace $0x8FFFFFFF  }
0x95: {  	s17 =	sld [smem:$0x3FDB];
	_ =	sdelay $0x1  }
0x96: {  	s2 =	simm.s32 $_scs_section_size  }
0x97: {  	s3 =	simm.s32 $_size__tile_overlayer_lowered;
	s4 =	simm.s32 $_tile_overlayer_lowered  }
0x98: {  	s20 =	simm.s32 $0x1BFF;
	s19 =	sshll.u32 s4, $0x1;
	s1 =	sadd.s32 s2, s17  }
0x99: {  	s5 =	simm.s32 $0x0;
	s18 =	sshll.u32 s3, $0x1;
	s3 =	sadd.s32 s19, s1  }
0x9a: {  	[timem:s5], [sflag:s20] =	dma.local [hbm:s3], s18  }
0x9b: {  	_ =	swait.ge [sflag:s20], s18  }
0x9c: {  	s2 =	ssub.s32 $0x0, s18;
	[sflag:s20] =	ssyncset.done $0x0  }
0x9d: {  	[sflag:s20] =	ssyncadd.s32 s2;
	_ =	sdelay $0x1  }
0x9e: {  	s21 =	simm.s32 $0x1B8B  }
0x9f: {  	_ =	swait.ge [sflag:s21], $0x1  }
0xa0: {  	[sflag:s21] =	ssyncset.done $0x0  }
0xa1: {  	s23 =	simm.s32 $0x1B8E;
	s22 =	sld [smem:$0x3FFE];
	[sflag:s21] =	ssyncadd.s32 $0xFFFFFFFF  }
0xa2: {  	s24 =	simm.s32 $execute0_lowered;
	[smem:$0x3FD2] =	sst s23  }
0xa3: {  	s3 =	sshll.u32 s24, $0x1;
	_ =	strace $0x80000046;
	[dreg:$0x1] =	wrdreg $0xFFFFFFFF  }
0xa4: {  	s25 =	simm.s32 $_size_execute0_lowered;
	s1 =	sadd.s32 s1, s3;
	[dreg:$0x0] =	wrdreg $0x0  }
0xa5: {  	s3 =	sshll.u32 s25, $0x1;
	[dreg:$0x2] =	wrdreg s1  }
0xa6: {  	[dreg:$0x3] =	wrdreg s3  }
0xa7: {  	[dreg:$0x4] =	wrdreg $0xC0  }
0xa8: {  	_ =	task [dreg:s5], $0x5FFFF  }
0xa9: {  	[dreg:$0x1] =	wrdreg $0xFFFFFFFF  }
0xaa: {  	[dreg:$0x0] =	wrdreg $0x60  }
0xab: {  	[dreg:$0x2] =	wrdreg s0  }
0xac: {  	[dreg:$0x3] =	wrdreg s22  }
0xad: {  	[dreg:$0x4] =	wrdreg $0x9  }
0xae: {  	_ =	task.clear_ibuf [dreg:s5], $0x5FFFF;
	_ =	strace $0x90000046  }
0xaf: {  	s26 =	simm.s32 $0x9;
	_ =	strace $0x80000048  }
0xb0: {  	_ =	swait.ge [sflag:s26], $0x1  }
0xb1: {  	[sflag:s26] =	ssyncadd.s32 $0xFFFFFFFF  }
0xb2: {  	_ =	strace $0x90000048  }
0xb3: {  	_ =	sfence  }
0xb4: {  	s28 =	sld [smem:$0x0];
	_ =	sdelay $0x1  }
0xb5: {  	s29 =	srdreg.scid  }
0xb6: {  	s30 =	sshll.u32 s29, $0xD;
	s31 =	sshrl.u32 s29, $0x2  }
0xb7: {  	s2 =	sand.u32 $0x4000, s30;
	s1 =	sand.u32 $0x1, s29;
	s0 =	sadd.s32 s31, s28  }
0xb8: {  	s1 =	sor.u32 s2, s1;
	s0 =	sshll.u32 s0, $0x11  }
0xb9: {  	s0 =	sor.u32 s0, s1  }
0xba: {  	s0 =	sadd.s32 $0x8F2B, s0  }
0xbb: {  	[sflag:s0] =	ssyncadd.remote.s32 $0x1  }
0xbc: {  	_ =	sfence.sel $0xFFFF  }
0xbd: {  	[dreg:$0x0] =	wrdreg $0xFFFFFFFF;
	(pc) =	sbr.abs _section_cstart, $3  }
0xbe: {  	[dreg:$0x1] =	wrdreg $0xFFFFFFFF  }
0xbf: {  	_ =	task.clear_ibuf [dreg:s5], $0x2FFFF;
	_ =	strace $0x9FFFFFFF  }
0xc0: {  	(tm) =	ssettm $0x7FFFFFFF  }
0xc1: {  	_ =	shalt  }
tec
execute0_lowered:
.L_overlay_start_1:
0x0: {  	(tag) =	ssettag $0x1  }
0x1: {  	s1 =	rddreg [dreg:$0x0];
	s14 =	stileid.u32  }
0x2: {  	s0 =	rddreg [dreg:$0x1];
	s2 =	smul.u32 $0xC, s14  }
0x3: {  	_ =	strace $0x80000047;
	s9 =	simm.s32 $0x1;
	s3 =	smin.u32 s14, $0x8  }
0x4: {  	v1 =	vimm.s32 $0xFFFFFFFF;
	[sflag:s9] =	ssyncpa.u1 $0x0;
	s2 =	sadd.s32 s3, s2  }
0x5: {  	p0 =	slt.u32 s14, $0x8;
	[tilespmem:$0x10] =	vst v1;
	s3 =	smul.u32 $0x1F40, s2;
	s2 =	simm.s32 $0x19640  }
0x6: {  	v0 =	vimm.f32 $0.0e+00;
	[tilespmem:$0x20] =	vst v1;
	s2 =	simm.s32 @!p0 $0x17700  }
0x7: {  	[tilespmem:$0x30] =	vst v0;
	s2 =	sadd.s32 s2, s3  }
0x8: {  	[tilespmem:$0x40] =	vst v0;
	s4 =	smin.u32 s2, $0x186A00  }
0x9: {  	[tilespmem:$0x50] =	vst v0;
	s2 =	ssub.s32 s4, s3  }
0xa: {  	s7 =	simm.s32 $0x2;
	[tilespmem:$0x60] =	vst v1;
	p0 =	sgt.s32 s2, $0x0  }
0xb: {  	s8 =	simm.s32 $0x8;
	s31 =	simm.s32 $0x9;
	[tilespmem:$0x70] =	vst v1;
	s2 =	simm.s32 @!p0 $0x0  }
0xc: {  	s16 =	simm.s32 $0x0;
	s17 =	simm.s32 $0xF0;
	[tilespmem:$0x80] =	vst v1;
	s5 =	smulhi.u32 $0x10624DD3, s2  }
0xd: {  	s18 =	simm.s32 $0xFFFFFFFF;
	s19 =	simm.s32 $0xFFFFC280;
	s20 =	simm.s32 $0xFFFFFFFE;
	v1 =	vimm.s32 $0x0;
	[tilespmem:$0xB0] =	vst v0  }
0xe: {  	s21 =	simm.s32 $0xF;
	s25 =	simm.s32 $0x0;
	[tilespmem:$0x90] =	vst v1;
	s10 =	sshrl.u32 s5, $0x9  }
0xf: {  	[tilespmem:$0xA0] =	vst v1;
	[sflag:s7] =	ssyncpa.u1 $0x0;
	s7 =	simm.s32 $0x7;
	s11 =	smul.u32 $0x1F40, s10  }
0x10: {  	s24 =	simm.s32 $0x0;
	s6 =	sadd.s32 $0xB8600, s0;
	[sflag:s7] =	ssyncpa.u1 $0x0  }
.Ltmp0:
0x11: {  	[sflag:s8] =	ssyncpa.u1 $0x0;
	p0 =	sne.s32 s2, s11;
	(pc) =	sbr.rel .LBB2_1-.Ltmp0, $4  }
0x12: {  	[sflag:s31] =	ssyncpa.u1 $0x0;
	s23 =	smov.u32 s3;
	s9 =	simm.s32 @!p0 $0x0  }
0x13: {  	s5 =	sadd.s32 $0x87800, s0;
	p0 =	por $0x0, $0x0;
	s9 =	sadd.s32 s9, s10  }
0x14: {  	vm0 =	vmmov $0xffff;
	v2 =	vlaneseq.u32;
	s10 =	sshll.u32 s14, $0x1;
	s14 =	sshllo.u32 s14, $0x1;
	s11 =	sadd.s32 $0x1, s9  }
0x15: {  	vm1 =	vmxor vm1, vm1;
	vm2 =	vmmov $0x1;
	vm3 =	vcmask $0x3F3C;
	s12 =	sadd.s32 $0x2, s9;
	s13 =	sor.u32 $0x81, s10;
	s15 =	sor.u32 $0x80, s10  }
.LBB2_9:
0x16: {  	p1 =	slt.u32 s24, $0x3  }
0x17: {  	s0 =	simm.s32 @!p1 $0x2  }
0x18: {  	_ =	swait.ge @!p1 [sflag:s0], $0x1F40  }
0x19: {  	[sflag:s0] =	ssyncset.done @!p1 $0x0  }
0x1a: {  	[sflag:s0] =	ssyncadd.s32 @!p1 $0xFFFFE0C0;
	s0 =	simm.s32 @!p1 $0x9  }
0x1b: {  	_ =	swait.ge @!p1 [sflag:s0], $0x10  }
0x1c: {  	[sflag:s0] =	ssyncset.done @!p1 $0x0  }
0x1d: {  	[sflag:s0] =	ssyncadd.s32 @!p1 $0xFFFFFFF0;
	p1 =	sne.s32 s24, s12  }
.Ltmp1:
0x1e: {  	s2 =	sadd.s32 $0x1F40, s23;
	(pc) =	sbr.rel @!p1 .LBB2_10-.Ltmp1, $4  }
0x1f: {  	s22 =	smov.u32 s3;
	s31 =	sadd.s32 $0x1, s24;
	s17 =	sadd.s32 $0x1F40, s17  }
0x20: {  	s18 =	sadd.s32 $0x1, s18;
	s25 =	smov.u32 s23;
	p2 =	slt.s32 s2, s4  }
0x21: {  	p0 =	por !p0, !p0;
	s19 =	sadd.s32 $0x1F40, s19;
	s22 =	smov.u32 @p2 s2  }
0x22: {  	s20 =	sadd.s32 $0x1, s20;
	s23 =	smov.u32 s22;
	s24 =	smov.u32 s31  }
.LBB2_1:
0x23: {  	p1 =	sge.u32 s24, s9  }
0x24: {  	s0 =	smulhi.u32 @!p1 $0xAAAAAAAB, s24;
	_ =	sdelay $0x1  }
0x25: {  	s0 =	sshrl.u32 @!p1 s0, $0x1  }
0x26: {  	s0 =	smul.u32 @!p1 $0x3, s0;
	_ =	sdelay $0x1  }
0x27: {  	s0 =	ssub.s32 @!p1 s24, s0  }
0x28: {  	s0 =	smul.u32 @!p1 $0x7D00, s0;
	_ =	sdelay $0x1  }
0x29: {  	s2 =	sshrl.u32 @!p1 s23, $0x3;
	s0 =	sshrl.u32 @!p1 s0, $0x2  }
0x2a: {  	s22 =	sand.u32 @!p1 $0x7, s23;
	s2 =	sadd.s32 @!p1 s5, s2;
	s0 =	sadd.s32 @!p1 $0x100, s0  }
0x2b: {  	[tilespmem:s0], [sflag:$0x7] =	stream.linear.gather @!p1 [hbm4b:s2+s22], $0x1F40, $0x38;
	[tilespmem:$0x11A60] =	vst v63  }
0x2c: {  	s0 =	sadd.s32 $0xFFFFFFFF, s24  }
0x2d: {  	p1 =	sge.u32 s0, s9  }
.Ltmp2:
0x2e: {  	_ = 	snop;
	(pc) =	sbr.rel @p1 .LBB2_5-.Ltmp2, $1  }
0x2f: {  	_ =	sdelay $0x3  }
0x30: {  	s2 =	smulhi.u32 $0xAAAAAAAB, s0;
	_ =	sdelay $0x1  }
0x31: {  	s2 =	sshrl.u32 s2, $0x1  }
0x32: {  	s2 =	smul.u32 $0x3, s2;
	_ =	sdelay $0x1  }
0x33: {  	s2 =	ssub.s32 s0, s2  }
0x34: {  	s2 =	smul.u32 $0x7D00, s2  }
0x35: {  	_ =	swait.ge [sflag:s7], $0x1F40  }
0x36: {  	[sflag:s7] =	ssyncset.done $0x0;
	s2 =	sshrl.u32 s2, $0x2  }
0x37: {  	[sflag:s7] =	ssyncadd.s32 $0xFFFFE0C0;
	(ifvalue) =	ssetifvalue $0xFFFFFFFF;
	v3 =	vld.msk [tilespmem:s2+$0x100 ss:$0x1], $0xffff;
	_ =	sdelay $0x2  }
0x38: {  	s30 =	smulhi.u32 $0xAAAAAAAB, s18;
	p1 =	sne.s32 s24, $0x1  }
0x39: {  	v4 =	vimm.s32 @!p1 $0x0  }
0x3a: {  	s2 =	sshrl.u32 s30, $0x1;
	v4 =	vperm.xlane @!p1 v3, v4  }
0x3b: {  	s22 =	sshll.u32 s24, $0x4;
	s2 =	smul.u32 $0xFFFE8900, s2;
	vm4 =	vlt.u32 v3, $0xC400  }
0x3c: {  	s22 =	sand.u32 $0x10, s22;
	v3 =	vnsel vm4, $0xFFFFFFFE, v3;
	vm4 =	vlt.u32 @!p1 v4, $0xC400  }
0x3d: {  	s2 =	sshra.s32 s2, $0x2;
	[tilespmem:s22+$0x60] =	vst v3;
	v3 =	vnsel @!p1 vm4, $0xFFFFFFFE, v4  }
0x3e: {  	s28 =	sadd.s32 s2, s17;
	[tilespmem:$0x80] =	vst @!p1 v3  }
0x3f: {  	v3 =	vld.msk [tilespmem:s28+$0x0 ss:$0x1], $0xffff;
	_ =	sdelay $0x4  }
0x40: {  	(xrf1) =	vunique.msk.u32 $0xffff, v3;
	_ =	sdelay $0xd  }
0x41: {  	v4 =	vimm.s32 $0xFFFFFFFF;
	v5, _, _ =	vpop (xrf1)  }
0x42: {  	vm5 =	vne.s32 v3, v4;
	vm4 =	veq.s32 v5, v2  }
0x43: {  	vm6 =	vlt.u32 v3, $0xC400;
	vm4 =	vmand vm5, vm4  }
0x44: {  	vm4 =	vmand vm6, vm4  }
0x45: {  	v4 =	vnsel vm4, $0xFFFFFFFF, v3  }
0x46: {  	s31 =	sand.u32 $0x1, s0  }
0x47: {  	s0 =	simm.s32 $0x1F40;
	p1 =	seq.s32 s31, $0x1  }
0x48: {  	s0 =	simm.s32 @!p1 $0x0  }
0x49: {  	s26 =	sadd.s32 $0x7DF0, s0;
	(ifvalue) =	ssetifvalue $0xFFFFFFFF  }
0x4a: {  	v3 =	vperm.xlane v3, v1;
	[tilespmem:s26], [sflag:$0x8] =	stream.indirect_vreg.gather [hbm4b:s1+s16], $0x1, v4, vm0, $0x4038;
	v4 =	vnsel vm6, $0xFFFFFFFE, v4;
	[tilespmem:$0x11A60] =	vst v63  }
0x4b: {  	s2 =	simm.s32 $0x0;
	s22 =	sadd.s32 $0xFFFFFFF0, s28;
	[tilespmem:s28+$0x0] =	vst v4  }
.LBB2_3:
0x4c: {  	v4 =	vld.msk [tilespmem:s22+$0x0 ss:$0x1], $0xffff;
	s2 =	sadd.s32 $0x10, s2;
	v5 =	vmov v3;
	s28 =	smov.u32 s22  }
0x4d: {  	p1 =	slt.u32 s2, $0x1F30;
	_ =	sdelay $0x4  }
0x4e: {  	v3 =	vperm.xlane v4, v1;
	(xrf1) =	vunique.msk.u32 $0xffff, v4;
	_ =	sdelay $0xd  }
0x4f: {  	v6, _, _ =	vpop (xrf1)  }
0x50: {  	vm5 =	vne.s32 v4, v5;
	vm4 =	veq.s32 v6, v2  }
0x51: {  	vm6 =	vlt.u32 v4, $0xC400;
	vm4 =	vmand vm5, vm4  }
0x52: {  	vm4 =	vmand vm6, vm4  }
0x53: {  	v4 =	vnsel vm4, $0xFFFFFFFF, v4  }
.Ltmp3:
0x54: {  	v5 =	vnsel vm6, $0xFFFFFFFE, v4;
	(pc) =	sbr.rel @p1 .LBB2_3-.Ltmp3, $3  }
0x55: {  	_ =	sdelay $0x1  }
0x56: {  	s22 =	sadd.s32 $0xFFFFFFF0, s22;
	s26 =	sadd.s32 $0xFFFFFFF0, s26;
	(ifvalue) =	ssetifvalue $0xFFFFFFFF  }
0x57: {  	[tilespmem:s26], [sflag:$0x8] =	stream.indirect_vreg.gather [hbm4b:s1+s16], $0x1, v4, vm0, $0x4038;
	[tilespmem:s28+$0x0] =	vst v5  }
0x58: {  	s2 =	sshrl.u32 s25, $0x3  }
0x59: {  	s0 =	sadd.s32 $0x9D40, s0;
	s2 =	sadd.s32 s6, s2  }
0x5a: {  	[tilespmem:s0], [sflag:$0x8] =	stream.linear.gather [hbm:s2], $0x1F40, $0x38;
	[tilespmem:$0x11A60] =	vst v63  }
.LBB2_5:
0x5b: {  	p1 =	slt.u32 s24, $0x2  }
0x5c: {  	p2 =	sge.u32 @!p1 s24, s12  }
0x5d: {  	p1 =	por p1, p2  }
.Ltmp4:
0x5e: {  	_ = 	snop;
	(pc) =	sbr.rel @p1 .LBB2_9-.Ltmp4, $1  }
0x5f: {  	_ =	sdelay $0x3  }
0x60: {  	s0 =	sadd.s32 $0xFFFFFFFE, s24  }
0x61: {  	s2 =	smulhi.u32 $0xAAAAAAAB, s0;
	_ =	sdelay $0x1  }
0x62: {  	s2 =	sshrl.u32 s2, $0x1  }
0x63: {  	s2 =	smul.u32 $0x3, s2;
	_ =	sdelay $0x1  }
0x64: {  	s0 =	ssub.s32 s0, s2  }
0x65: {  	_ =	swait.ge [sflag:s8], $0x3E80;
	s0 =	smul.u32 $0x1F40, s0  }
0x66: {  	p1 =	sne.s32 s24, s11;
	[sflag:s8] =	ssyncset.done $0x0  }
0x67: {  	[sflag:s8] =	ssyncadd.s32 $0xFFFFC180;
	s2 =	sadd.s32 @!p1 $0x203F, s0  }
0x68: {  	[spmem:s13] =	stream.linear.scatter @!p1 [tilespmem:s2], [sflag:$0x1], $0x1, $0x38;
	[tilespmem:$0x11A60] =	vst v63  }
0x69: {  	s2 =	simm.s32 @!p1 $0x1  }
0x6a: {  	_ =	swait.ge @!p1 [sflag:s2], $0x1  }
0x6b: {  	s22 =	sshll.u32 s24, $0x4;
	[sflag:s2] =	ssyncset.done @!p1 $0x0  }
0x6c: {  	s25 =	sand.u32 $0x10, s22;
	[sflag:s2] =	ssyncadd.s32 @!p1 $0xFFFFFFFF  }
0x6d: {  	s2 =	sxor.u32 $0x10, s25;
	v4 =	vld [tilespmem:s25+$0x10]  }
0x6e: {  	v5 =	vld [tilespmem:s2+$0x60]  }
0x6f: {  	v3 =	vld [tilespmem:$0x80];
	_ =	sdelay $0x2  }
0x70: {  	(v2sf) =	vpush v4, $0x0  }
0x71: {  	(v2sf) =	vpush v5, $0x0  }
0x72: {  	(v2sf) =	vpush v3, $0x0;
	_ =	sdelay $0xc  }
0x73: {  	s22 =	spop (v2sf)  }
0x74: {  	s26 =	spop (v2sf)  }
0x75: {  	s28 =	spop (v2sf)  }
0x76: {  	p2 =	seq.s32 s22, s26;
	p3 =	seq.s32 s28, s22  }
0x77: {  	p3 =	por p2, p3  }
0x78: {  	s26 =	sand.u32 $0x1, s24;
	v4 =	vpsel p3, $0xFFFFFFFF, v4  }
0x79: {  	s29 =	smul.u32 $0x1F40, s26;
	[tilespmem:s25+$0x10] =	vst.msk $0x1, v4  }
0x7a: {  	v4 =	vld [tilespmem:$0x30]  }
0x7b: {  	v5 =	vld [tilespmem:s29+$0x9D40]  }
0x7c: {  	v6 =	vld [tilespmem:s25+$0x40];
	_ =	sdelay $0x3  }
0x7d: {  	vm4 =	vmmov vm1;
	v5 =	vadd.f32 v5, v4  }
0x7e: {  	vm5 =	vmmov vm2;
	vm4 =	vmmov @p2 vm2;
	s22 =	sshll.u32 s26, $0x4;
	v4 =	vadd.f32 v6, v4  }
0x7f: {  	s26 =	sor.u32 $0x11A40, s22;
	vm5 =	vmmov @p3 vm1;
	[tilespmem:s29+$0x9D40] =	vst.msk vm4, v5  }
0x80: {  	[tilespmem:s26+$0x0] =	vst.msk vm5, v4  }
0x81: {  	v4 =	vld [tilespmem:s29+$0x7DF0];
	_ =	sdelay $0x3  }
0x82: {  	v5 =	vimm.f32 $0.0e+00  }
0x83: {  	v4 =	vshift.insert v4, v5, s21  }
0x84: {  	s22 =	sor.u32 $0x40, s2  }
0x85: {  	[tilespmem:s22+$0x0] =	vst.msk $0x1, v4  }
0x86: {  	[tilespmem:s29+$0x7DFF] =	vst.msk $0x1, v5  }
0x87: {  	v4 =	vld [tilespmem:s0+$0x2030];
	_ =	sdelay $0x1  }
0x88: {  	s22 =	smulhi.u32 $0xAAAAAAAB, s20;
	s0 =	simm.s32 $0x1  }
0x89: {  	s0 =	simm.s32 @!p0 $0x0  }
0x8a: {  	s22 =	sshrl.u32 s22, $0x1;
	s0 =	smul.u32 $0x7D00, s0  }
0x8b: {  	s22 =	smul.u32 $0xFFFE8900, s22;
	v4 =	vshift.insert v4, v1, s21  }
0x8c: {  	s0 =	sshrl.u32 s0, $0x2  }
0x8d: {  	s22 =	sshra.s32 s22, $0x2;
	s30 =	sadd.s32 $0x9D40, s0;
	[tilespmem:s2+$0x10] =	vst.msk $0x1, v4  }
0x8e: {  	s22 =	sadd.s32 s22, s19;
	v6 =	vld [tilespmem:s30+$0x0]  }
0x8f: {  	v7 =	vld [tilespmem:s22+$0x0];
	_ =	sdelay $0x3  }
0x90: {  	v5 =	vadd.f32 v6, v5  }
0x91: {  	vm4 =	vne.s32 v7, $0xFFFFFFFF  }
0x92: {  	(xrf2) =	vadd.seg.scan.f32 vm4, v5;
	_ =	sdelay $0x3  }
0x93: {  	s31 =	sadd.s32 $0x5EC0, s0;
	v5 =	vperm.xlane v4, v1  }
0x94: {  	v6 =	vld [tilespmem:s31+$0x0]  }
0x95: {  	vm5 =	veq.s32 v7, v3;
	vm6 =	veq.s32 v7, v5  }
0x96: {  	vm7 =	vgt.u32 v7, $0xFFFFFFFD;
	vm6 =	vmor vm6, vm5  }
0x97: {  	vm6 =	vmor vm6, vm7  }
0x98: {  	v9 =	vld [tilespmem:$0xA0];
	v7 =	vsel vm6, $0xFFFFFFFF, v7  }
0x99: {  	v10 =	vld [tilespmem:$0x90];
	v6 =	vsel vm5, $0x0, v6;
	v8, _, _ =	vpop (xrf2)  }
0x9a: {  	v6 =	vadd.f32 v8, v6  }
0x9b: {  	s0 =	sadd.s32 $0xDBC0, s0  }
0x9c: {  	vm4 =	vmand vm4, vm3;
	[tilespmem:s0+$0x0] =	vst v6;
	(ifvalue) =	ssetifvalue $0xFFFFFFFF  }
0x9d: {  	vm6 =	veq.s32 v9, $0x1;
	[hbm4b:s1+s16] =	stream.indirect_vreg.scatter [tilespmem:s0], [sflag:$0x2], $0x1, v7, vm0, $0x4038;
	v7 =	vsel vm4, $0x0, v8;
	[tilespmem:$0x11A60] =	vst v63  }
0x9e: {  	s2 =	simm.s32 $0x0;
	s22 =	sadd.s32 $0x10, s22;
	vm4 =	vmor vm6, vm5;
	v6 =	vsel vm5, v8, v10;
	v7 =	vshift.insert v7, v0, s21  }
.LBB2_7:
0x9f: {  	v8 =	vld [tilespmem:s22+$0x0];
	s30 =	sadd.s32 $0x10, s30  }
0xa0: {  	s31 =	sadd.s32 $0x10, s31;
	v9 =	vld [tilespmem:s30+$0x0]  }
0xa1: {  	s2 =	sadd.s32 $0x10, s2;
	v10 =	vld [tilespmem:s31+$0x0]  }
0xa2: {  	p2 =	slt.u32 s2, $0x1F30;
	_ =	sdelay $0x2  }
0xa3: {  	v7 =	vadd.f32 v9, v7  }
0xa4: {  	vm5 =	vne.s32 v8, $0xFFFFFFFF  }
0xa5: {  	vm6 =	vmand vm5, vm3;
	(xrf2) =	vadd.seg.scan.f32 vm5, v7;
	_ =	sdelay $0x5  }
0xa6: {  	vm7 =	veq.s32 v8, v5;
	vm5 =	veq.s32 v8, v3  }
0xa7: {  	vm8 =	vgt.u32 v8, $0xFFFFFFFD;
	vm4 =	vmor vm4, vm5;
	vm7 =	vmor vm7, vm5  }
0xa8: {  	vm7 =	vmor vm7, vm8  }
0xa9: {  	v8 =	vsel vm7, $0xFFFFFFFF, v8  }
.Ltmp5:
0xaa: {  	v7 =	vsel vm5, $0x0, v10;
	v9, _, _ =	vpop (xrf2);
	(pc) =	sbr.rel @p2 .LBB2_7-.Ltmp5, $4  }
0xab: {  	v6 =	vsel vm5, v9, v6;
	v10 =	vadd.f32 v9, v7;
	v7 =	vsel vm6, $0x0, v9  }
0xac: {  	s0 =	sadd.s32 $0x10, s0;
	v7 =	vshift.insert v7, v0, s21  }
0xad: {  	s22 =	sadd.s32 $0x10, s22;
	[tilespmem:s0+$0x0] =	vst v10;
	(ifvalue) =	ssetifvalue $0xFFFFFFFF  }
0xae: {  	[hbm4b:s1+s16] =	stream.indirect_vreg.scatter [tilespmem:s0], [sflag:$0x2], $0x1, v8, vm0, $0x4038;
	[tilespmem:$0x11A60] =	vst v63  }
0xaf: {  	v3 =	vld [tilespmem:s29+$0xFAF0];
	_ =	sdelay $0x4  }
0xb0: {  	v3 =	vshift.insert v3, v0, s21  }
0xb1: {  	s0 =	simm.s32 $0x30  }
0xb2: {  	[tilespmem:s0+$0x0] =	vst.msk $0x1, v3  }
0xb3: {  	v3 =	vsel vm4, $0x1, v1;
	[tilespmem:$0x90] =	vst v6  }
0xb4: {  	s0 =	sadd.s32 @!p1 $0xFAFF, s29;
	[tilespmem:$0xA0] =	vst v3  }
0xb5: {  	[spmem:s14] =	stream.linear.scatter @!p1 [tilespmem:s0], [sflag:$0x1], $0x1, $0x38;
	[tilespmem:$0x11A60] =	vst v63  }
0xb6: {  	s0 =	simm.s32 @!p1 $0x1  }
0xb7: {  	v3 =	vmctz.xlane @!p1 vm4;
	_ =	swait.ge @!p1 [sflag:s0], $0x1  }
0xb8: {  	(v2sf) =	vpush @!p1 v4, $0x0  }
0xb9: {  	(v2sf) =	vpush @!p1 v3, $0x0;
	_ =	sdelay $0xd  }
0xba: {  	s2 =	spop @!p1 (v2sf)  }
0xbb: {  	s22 =	spop @!p1 (v2sf)  }
0xbc: {  	p2 =	sne.s32 @!p1 s28, s2;
	p3 =	slt.s32 @!p1 s22, $0xF  }
0xbd: {  	[sflag:s0] =	ssyncset.done @!p1 $0x0;
	p2 =	por p2, p1;
	p3 =	por !p3, p1  }
0xbe: {  	[sflag:s0] =	ssyncadd.s32 @!p1 $0xFFFFFFFF;
	v3 =	vimm.s32 @!p2 $0xFFFFFFFF;
	s22 =	simm.s32 @p3 $0xF  }
0xbf: {  	[tilespmem:$0x80] =	vst @!p2 v3;
	s2 =	sadd.s32 @!p1 $0x90, s22  }
0xc0: {  	[spmem:s10] =	stream.linear.scatter @!p1 [tilespmem:s2], [sflag:$0x1], $0x1, $0x38;
	[tilespmem:$0x11A60] =	vst v63  }
0xc1: {  	_ =	swait.ge @!p1 [sflag:s0], $0x1  }
0xc2: {  	[sflag:s0] =	ssyncset.done @!p1 $0x0  }
0xc3: {  	s2 =	simm.s32 @!p1 $0x80;
	[sflag:s0] =	ssyncadd.s32 @!p1 $0xFFFFFFFF  }
0xc4: {  	[spmem:s15] =	stream.linear.scatter @!p1 [tilespmem:s2], [sflag:$0x1], $0x1, $0x38;
	[tilespmem:$0x11A60] =	vst v63  }
0xc5: {  	_ =	swait.ge @!p1 [sflag:s0], $0x1  }
0xc6: {  	[sflag:s0] =	ssyncset.done @!p1 $0x0  }
0xc7: {  	[sflag:s0] =	ssyncadd.s32 @!p1 $0xFFFFFFFF;
	(ifvalue) =	ssetifvalue $0xFFFFFFFF;
	v3 =	vld [tilespmem:s25+$0x10];
	_ =	sdelay $0x3  }
.Ltmp6:
0xc8: {  	_ = 	snop;
	(pc) =	sbr.rel .LBB2_9-.Ltmp6, $3  }
0xc9: {  	_ =	sdelay $0x1  }
0xca: {  	(ifvalue) =	ssetifvalue $0xFFFFFFFF  }
0xcb: {  	[hbm4b:s1+s16] =	stream.indirect_vreg.scatter [tilespmem:s26], [sflag:$0x9], $0x1, v3, vm0, $0x4038;
	[tilespmem:$0x11A60] =	vst v63  }
.LBB2_10:
0xcc: {  	_ =	sfence.sel $0x180000  }
0xcd: {  	s0 =	simm.s32 $0x7;
	[bflag:$0x0] =	sbarrier.arrive $0xFFFF  }
0xce: {  	s26 =	simm.s32 $0x8;
	[sflag:s0] =	ssyncpa.u1 $0x1  }
0xcf: {  	s28 =	simm.s32 $0x9;
	[sflag:s26] =	ssyncpa.u1 $0x1  }
0xd0: {  	[sflag:s28] =	ssyncpa.u1 $0x1  }
0xd1: {  	_ =	sfence.stream.spmem  }
0xd2: {  	s29 =	simm.s32 $0x3;
	[bflag:$0x0] =	sbarrier.arrive $0xFFFF  }
0xd3: {  	s30 =	simm.s32 $0x4;
	[sflag:s29] =	ssyncpa.u1 $0x1  }
0xd4: {  	s31 =	simm.s32 $0x3C;
	s2 =	stileid.u32;
	[sflag:s30] =	ssyncpa.u1 $0x1  }
0xd5: {  	p0 =	sne.s32 s2, $0x0;
	[sflag:s31] =	ssyncpa.u1 $0x1  }
0xd6: {  	s0 =	simm.s32 @p0 $0x1;
	_ =	sfence @p0  }
0xd7: {  	[sflag:s0] =	ssyncpa.u1 @p0 $0x1;
	s0 =	simm.s32 @p0 $0x2  }
0xd8: {  	[sflag:s0] =	ssyncpa.u1 @p0 $0x1  }
0xd9: {  	_ =	strace @p0 $0x90000047  }
0xda: {  	[bflag:$0x2] =	sbarrier.arrive @p0 $0xFFFF  }
0xdb: {  	_ =	shalt @p0  }
.LBB2_11:
0xdc: {  	_ =	sfence.stream.spmem;
	s0 =	simm.s32 $0x5  }
0xdd: {  	s2 =	simm.s32 $0x80;
	s3 =	simm.s32 $0xC0;
	[sflag:s0] =	ssyncpa.u1 $0x0  }
0xde: {  	[tilespmem:s3], [sflag:$0x5] =	stream.linear.gather [spmem:s2], $0x20, $0x38;
	[tilespmem:$0x11A60] =	vst v63  }
0xdf: {  	s2 =	simm.s32 $0x0;
	s3 =	simm.s32 $0xE0  }
0xe0: {  	[tilespmem:s3], [sflag:$0x5] =	stream.linear.gather [spmem:s2], $0x20, $0x38;
	[tilespmem:$0x11A60] =	vst v63  }
.Ltmp7:
0xe1: {  	_ = 	snop;
	(pc) =	sbr.rel .LBB2_12-.Ltmp7, $4  }
0xe2: {  	_ =	swait.ge [sflag:s0], $0x40  }
0xe3: {  	[sflag:s0] =	ssyncset.done $0x0  }
0xe4: {  	s31 =	simm.s32 $0x6;
	[sflag:s0] =	ssyncadd.s32 $0xFFFFFFC0  }
0xe5: {  	s4 =	simm.s32 $0x0;
	[sflag:s31] =	ssyncpa.u1 $0x0  }
.LBB2_17:
0xe6: {  	p0 =	sgt.u32 s5, $0xC3FF  }
0xe7: {  	s0 =	sshrl.u32 @!p0 s5, $0x3  }
0xe8: {  	s5 =	sand.u32 @!p0 $0x7, s5;
	s6 =	simm.s32 @!p0 $0xB0;
	s0 =	sadd.s32 @!p0 s1, s0  }
0xe9: {  	[tilespmem:s6], [sflag:$0x6] =	stream.linear.gather @!p0 [hbm4b:s0+s5], $0x1, $0x38;
	[tilespmem:$0x11A60] =	vst v63  }
0xea: {  	s0 =	simm.s32 @!p0 $0x6  }
0xeb: {  	_ =	swait.ge @!p0 [sflag:s0], $0x1  }
0xec: {  	[sflag:s0] =	ssyncset.done @!p0 $0x0  }
0xed: {  	[sflag:s0] =	ssyncadd.s32 @!p0 $0xFFFFFFFF  }
0xee: {  	v2 =	vmov @!p0 s4;
	v1 =	vld.msk @!p0 [tilespmem:$0xB0], $0x1;
	_ =	sdelay $0x3  }
0xef: {  	s0 =	simm.s32 @!p0 $0xE0  }
0xf0: {  	[tilespmem:v2+s0+$0x0], v1 =	vst.idx.ret.add.f32.msk @!p0 $0x1, v1  }
0xf1: {  	[tilespmem:s2+$0xC0] =	vst.msk $0x1, v0  }
0xf2: {  	v0 =	vld.msk [tilespmem:s4+$0xE0], $0x1;
	_ =	sdelay $0x4  }
0xf3: {  	[tilespmem:s2+$0xE0] =	vst.msk $0x1, v0;
	s2 =	sadd.s32 $0x1, s2  }
.LBB2_19:
0xf4: {  	s4 =	sadd.s32 $0x1, s4  }
0xf5: {  	p0 =	sne.s32 s4, $0x20  }
.Ltmp8:
0xf6: {  	_ = 	snop;
	(pc) =	sbr.rel @!p0 .LBB2_20-.Ltmp8, $1  }
0xf7: {  	_ =	sdelay $0x3  }
.LBB2_12:
0xf8: {  	v0 =	vld.msk [tilespmem:s4+$0xC0], $0x1;
	_ =	sdelay $0x4  }
0xf9: {  	(v2sf) =	vpush v0, $0x0;
	_ =	sdelay $0xe  }
0xfa: {  	s5 =	spop (v2sf)  }
0xfb: {  	p0 =	seq.s32 s5, $0xFFFFFFFF  }
.Ltmp9:
0xfc: {  	_ = 	snop;
	(pc) =	sbr.rel @p0 .LBB2_19-.Ltmp9, $1  }
0xfd: {  	_ =	sdelay $0x3  }
0xfe: {  	p0 =	slt.s32 s2, $0x1  }
.Ltmp10:
0xff: {  	_ = 	snop;
	(pc) =	sbr.rel @p0 .LBB2_17-.Ltmp10, $1  }
0x100: {  	_ =	sdelay $0x3  }
0x101: {  	s0 =	simm.s32 $0xC0;
	p0 =	por $0x0, $0x0  }
0x102: {  	v1 =	vld.msk @!p0 [tilespmem:s0+$0x0], $0x1;
	_ =	sdelay $0x4  }
0x103: {  	(v2sf) =	vpush @!p0 v1, $0x0;
	_ =	sdelay $0xd  }
0x104: {  	p2 =	sne.s32 s2, $0x1  }
.Ltmp11:
0x105: {  	s6 =	spop @!p0 (v2sf);
	(pc) =	sbr.rel @!p2 .LBB2_16-.Ltmp11, $4  }
0x106: {  	p1 =	seq.s32 @!p0 s5, s6  }
0x107: {  	s6 =	simm.s32 $0x0;
	p1 =	por !p1, p0  }
0x108: {  	s8 =	simm.s32 $0xFFFFFFFF;
	s6 =	simm.s32 @p1 $0xFFFFFFFF  }
0x109: {  	s7 =	simm.s32 $0x1;
	s6 =	smov.u32 @p0 s8  }
.LBB2_15:
0x10a: {  	s8 =	smov.u32 s6;
	p0 =	sne.s32 s6, $0xFFFFFFFF  }
0x10b: {  	s0 =	sadd.s32 $0x1, s0;
	s6 =	smov.u32 s7;
	s7 =	sadd.s32 $0x1, s7  }
0x10c: {  	p1 =	sne.s32 s2, s7;
	v1 =	vld.msk @!p0 [tilespmem:s0+$0x0], $0x1;
	_ =	sdelay $0x4  }
0x10d: {  	(v2sf) =	vpush @!p0 v1, $0x0;
	_ =	sdelay $0xe  }
.Ltmp12:
0x10e: {  	s9 =	spop @!p0 (v2sf);
	(pc) =	sbr.rel @p1 .LBB2_15-.Ltmp12, $4  }
0x10f: {  	p2 =	seq.s32 @!p0 s5, s9  }
0x110: {  	p2 =	por !p2, p0  }
0x111: {  	s6 =	simm.s32 @p2 $0xFFFFFFFF  }
0x112: {  	s6 =	smov.u32 @p0 s8  }
.LBB2_16:
0x113: {  	p0 =	sne.s32 s6, $0xFFFFFFFF  }
.Ltmp13:
0x114: {  	_ = 	snop;
	(pc) =	sbr.rel @!p0 .LBB2_17-.Ltmp13, $1  }
0x115: {  	_ =	sdelay $0x3  }
0x116: {  	v0 =	vld.msk [tilespmem:s4+$0xE0], $0x1;
	v1 =	vmov s6  }
.Ltmp14:
0x117: {  	_ = 	snop;
	(pc) =	sbr.rel .LBB2_19-.Ltmp14, $2  }
0x118: {  	_ =	sdelay $0x2  }
0x119: {  	[tilespmem:v1+s3+$0x0], v0 =	vst.idx.ret.add.f32.msk $0x1, v0  }
.LBB2_20:
0x11a: {  	p0 =	slt.s32 s2, $0x1  }
.Ltmp15:
0x11b: {  	_ = 	snop;
	(pc) =	sbr.rel @p0 .LBB2_24-.Ltmp15, $3  }
0x11c: {  	_ =	sdelay $0x1  }
0x11d: {  	s0 =	simm.s32 $0x6  }
0x11e: {  	s3 =	simm.s32 $0x0;
	[sflag:s0] =	ssyncpa.u1 $0x1  }
0x11f: {  	s0 =	simm.s32 $0xC0  }
0x120: {  	v0 =	vld.msk [tilespmem:s0+$0x0], $0x1;
	_ =	sdelay $0x4  }
0x121: {  	(v2sf) =	vpush v0, $0x0;
	_ =	sdelay $0xe  }
0x122: {  	s2 =	sadd.s32 $0xFFFFFFFF, s2;
	s4 =	spop (v2sf)  }
0x123: {  	p1 =	sne.s32 s2, $0x0;
	p0 =	sgt.u32 s4, $0xC3FF  }
.Ltmp16:
0x124: {  	s5 =	sshrl.u32 @!p0 s4, $0x3;
	(pc) =	sbr.rel @!p1 .LBB2_23-.Ltmp16, $4  }
0x125: {  	s0 =	simm.s32 $0xE0;
	s4 =	sand.u32 @!p0 $0x7, s4;
	s5 =	sadd.s32 @!p0 s1, s5  }
0x126: {  	[hbm4b:s5+s4] =	stream.linear.scatter @!p0 [tilespmem:s0], [sflag:$0x5], $0x1, $0x38;
	[tilespmem:$0x11A60] =	vst v63  }
0x127: {  	s5 =	simm.s32 $0x0  }
0x128: {  	s4 =	simm.s32 $0xC1;
	s5 =	simm.s32 @!p0 $0x4  }
.LBB2_22:
0x129: {  	v0 =	vld.msk [tilespmem:s4+$0x0], $0x1;
	s2 =	sadd.s32 $0xFFFFFFFF, s2;
	s3 =	sadd.s32 s3, s5  }
0x12a: {  	p0 =	sne.s32 s2, $0x0;
	_ =	sdelay $0x3  }
0x12b: {  	(v2sf) =	vpush v0, $0x0;
	_ =	sdelay $0xe  }
.Ltmp17:
0x12c: {  	s6 =	spop (v2sf);
	(pc) =	sbr.rel @p0 .LBB2_22-.Ltmp17, $4  }
0x12d: {  	s5 =	simm.s32 $0x0;
	p1 =	sgt.u32 s6, $0xC3FF  }
0x12e: {  	s0 =	sadd.s32 $0x1, s0;
	s5 =	simm.s32 @!p1 $0x4;
	s7 =	sshrl.u32 @!p1 s6, $0x3  }
0x12f: {  	s4 =	sadd.s32 $0x1, s4;
	s6 =	sand.u32 @!p1 $0x7, s6;
	s7 =	sadd.s32 @!p1 s1, s7  }
0x130: {  	[hbm4b:s7+s6] =	stream.linear.scatter @!p1 [tilespmem:s0], [sflag:$0x5], $0x1, $0x38;
	[tilespmem:$0x11A60] =	vst v63  }
.LBB2_23:
0x131: {  	s0 =	sadd.s32 s3, s5  }
0x132: {  	s3 =	sshrl.u32 s0, $0x2  }
.LBB2_24:
0x133: {  	s0 =	simm.s32 $0x5  }
0x134: {  	_ =	swait.ge [sflag:s0], s3  }
0x135: {  	s1 =	ssub.s32 $0x0, s3;
	[sflag:s0] =	ssyncset.done $0x0  }
0x136: {  	[sflag:s0] =	ssyncadd.s32 s1  }
0x137: {  	[sflag:s0] =	ssyncpa.u1 $0x1  }
0x138: {  	s29 =	simm.s32 $0x1;
	_ =	sfence  }
0x139: {  	s30 =	simm.s32 $0x2;
	[sflag:s29] =	ssyncpa.u1 $0x1  }
0x13a: {  	[sflag:s30] =	ssyncpa.u1 $0x1  }
0x13b: {  	_ =	strace $0x90000047  }
0x13c: {  	[bflag:$0x2] =	sbarrier.arrive $0xFFFF  }
0x13d: {  	s31 =	rddreg [dreg:$0x2]  }
0x13e: {  	s0 =	sadd.s32 $0x100000, s31  }
0x13f: {  	[sflag:s0] =	ssyncadd.tile.s32 $0x1;
	_ =	shalt  }
.Lfunc_end2:
_tile_overlayer_lowered:
.L_overlay_start_2:
0x140: {  	(tag) =	ssettag $0x2  }
0x141: {  	s0 =	rddreg [dreg:$0x0];
	s2 =	stileid.u32  }
0x142: {  	s1 =	rddreg [dreg:$0x1];
	p0 =	sne.s32 s2, $0x0  }
0x143: {  	s3 =	rddreg [dreg:$0x2];
	[bflag:$0x3] =	sbarrier.arrive $0xFFFF;
	s2 =	simm.s32 @!p0 $0x1C01  }
0x144: {  	[timem:s3], [sflag:s2] =	dma.local @!p0 [hbm:s0], s1  }
0x145: {  	s0 =	simm.s32 @!p0 $0x1  }
0x146: {  	_ =	swait.ge @!p0 [sflag:s0], s1  }
0x147: {  	s1 =	ssub.s32 @!p0 $0x0, s1;
	[sflag:s0] =	ssyncset.done @!p0 $0x0  }
0x148: {  	[sflag:s0] =	ssyncadd.s32 @!p0 s1  }
0x149: {  	[bflag:$0x3] =	sbarrier.arrive $0xFFFF  }
0x14a: {  	_ =	shalt  }

</sc_bundles>
